<compile_context>
chip_gen: v7x
topology: tpu7x:2x2x1
jax: 0.10.2.dev20260603
libtpu: 0.0.44.dev20260713+nightly
codegen_flags: <defaults>
</compile_context>

<pallas_src>
import functools

import jax
import jax.numpy as jnp
from jax import lax
from jax.experimental import pallas as pl
from jax.experimental.pallas import tpu as pltpu
from jax.experimental.pallas import tpu_sc as plsc

B, L = 2, 2048
DM, DC, DK = 1024, 768, 64
D = DM + DC + DK
E, H, K = 8, 512, 2
HG = max(D // 2, 128)
T = B * L
N = T * K
TB = 512
BLK = 512
NP = N + E * BLK
NBLK = NP // BLK
NW = 32
CH = N // NW // 64
DH = 1024
D1 = 1792


def _ln(x, g, b):
    mu = x.mean(-1, keepdims=True)
    v = ((x - mu) ** 2).mean(-1, keepdims=True)
    return (x - mu) * lax.rsqrt(v + 1e-5) * g + b


def _pack_pair(hi_f, lo_f):
    uh = lax.bitcast_convert_type(hi_f, jnp.uint32)
    ul = lax.bitcast_convert_type(lo_f, jnp.uint32)
    return lax.bitcast_convert_type(
        (uh & jnp.uint32(0xFFFF0000)) | (ul >> 16), jnp.int32)


def _gate_kernel(id_ref, ct_ref, cb_ref,
                 gW1a_ref, gW1b_ref, gb1_ref, glng_ref, glnb_ref,
                 gW2_ref, gb2_ref, gW3_ref, gb3_ref,
                 xp_ref, pos_ref, be_ref, w_ref, ti_acc):
    idv = id_ref[...]
    ctv = ct_ref[...]
    cbv = cb_ref[...]
    hi_f = jnp.concatenate(
        [ctv, cbv, jnp.zeros((TB, DH - DC - DK), jnp.float32)], axis=-1)
    xp_ref[...] = _pack_pair(hi_f, idv)
    xa = jnp.concatenate([idv, ctv], axis=-1).astype(jnp.bfloat16)
    h = jnp.dot(xa, gW1a_ref[...], preferred_element_type=jnp.float32)
    h += jnp.dot(cbv.astype(jnp.bfloat16), gW1b_ref[...],
                 preferred_element_type=jnp.float32)
    h = jax.nn.relu(_ln(h + gb1_ref[...], glng_ref[...], glnb_ref[...]))
    h2 = jnp.dot(h.astype(jnp.bfloat16), gW2_ref[...],
                 preferred_element_type=jnp.float32) + gb2_ref[...]
    h2 = jax.nn.relu(h2)
    logits = jnp.dot(h2.astype(jnp.bfloat16), gW3_ref[...],
                     preferred_element_type=jnp.float32) + gb3_ref[...]
    probs = jax.nn.softmax(logits, axis=-1)
    eidx = lax.broadcasted_iota(jnp.int32, (TB, E), 1)
    i1 = jnp.argmax(probs, axis=-1).astype(jnp.int32)
    p1 = jnp.max(probs, axis=-1)
    masked = jnp.where(eidx == i1[:, None], -jnp.inf, probs)
    i2 = jnp.argmax(masked, axis=-1).astype(jnp.int32)
    p2 = jnp.max(masked, axis=-1)
    denom = p1 + p2 + 1e-8
    w_ref[...] = jnp.stack([p1 / denom, p2 / denom], axis=-1)
    i = pl.program_id(0)
    ti_acc[pl.ds(i * (TB // 128), TB // 128)] = i1.reshape(TB // 128, 128)
    ti_acc[pl.ds(T // 128 + i * (TB // 128), TB // 128)] = (
        i2.reshape(TB // 128, 128))

    @pl.when(i == T // TB - 1)
    def _route():
        _route_body(ti_acc[...], pos_ref, be_ref)


def _route_body(ei, pos_ref, be_ref):
    cU = (lax.broadcasted_iota(jnp.int32, (128, 128), 0) <
          lax.broadcasted_iota(jnp.int32, (128, 128), 1)).astype(jnp.bfloat16)
    L64 = (lax.broadcasted_iota(jnp.int32, (64, 64), 1) <
           lax.broadcasted_iota(jnp.int32, (64, 64), 0)).astype(jnp.bfloat16)
    pos_f = jnp.zeros((64, 128), jnp.float32)
    seg = jnp.int32(0)
    seg_ends = []
    for e in range(E):
        m = ei == e
        mb = m.astype(jnp.bfloat16)
        prefix = jnp.dot(mb, cU, preferred_element_type=jnp.float32)
        rowsum = prefix[:, 127:128] + m.astype(jnp.float32)[:, 127:128]
        carry = jnp.dot(L64, rowsum.astype(jnp.bfloat16),
                        preferred_element_type=jnp.float32)
        rank = prefix + carry
        pos_f = pos_f + jnp.where(m, seg.astype(jnp.float32) + rank, 0.0)
        cnt = jnp.sum(m.astype(jnp.float32)).astype(jnp.int32)
        pe = ((cnt + BLK - 1) // BLK) * BLK
        seg = seg + pe
        seg_ends.append(seg)
    lane = lax.broadcasted_iota(jnp.int32, (1, 128), 1)
    bi = lane * BLK
    be = jnp.zeros((1, 128), jnp.int32)
    for e in range(E):
        be = be + (bi >= seg_ends[e]).astype(jnp.int32)
    be_ref[...] = jnp.where(lane == NBLK, seg_ends[-1],
                            jnp.minimum(be, E - 1))
    pos_ref[...] = pos_f.astype(jnp.int32)


_vmesh = plsc.VectorSubcoreMesh(core_axis_name="c", subcore_axis_name="s")


SCH = 8


@functools.partial(
    pl.kernel, mesh=_vmesh,
    out_type=jax.ShapeDtypeStruct((NP, DH), jnp.int32),
    scratch_types=[pltpu.VMEM((SCH, 32), jnp.int32),
                   pltpu.VMEM((32, DH), jnp.int32),
                   pltpu.VMEM((32, DH), jnp.int32),
                   pltpu.SemaphoreType.DMA,
                   pltpu.SemaphoreType.DMA])
def _scatter_x(x_hbm, pos_hbm, xs_hbm, pos_v, xbuf0, xbuf1, sem0, sem1):
    wid = lax.axis_index("s") * 2 + lax.axis_index("c")
    t0 = (wid * 256) % T
    pltpu.sync_copy(pos_hbm.at[wid], pos_v)
    bufs = (xbuf0, xbuf1)
    sems = (sem0, sem1)
    pending = [None, None]
    for q in range(SCH):
        b = bufs[q % 2]
        if pending[q % 2] is not None:
            pending[q % 2].wait()
        pltpu.sync_copy(x_hbm.at[pl.ds(t0 + q * 32, 32)], b)
        pending[q % 2] = pltpu.async_copy(b, xs_hbm.at[pos_v.at[q]],
                                          sems[q % 2])
    pending[0].wait()
    pending[1].wait()


@functools.partial(
    pl.kernel, mesh=_vmesh,
    out_type=jax.ShapeDtypeStruct((N, H // 4), jnp.float32),
    scratch_types=[pltpu.VMEM((CH, 64), jnp.int32),
                   pltpu.VMEM((64, H // 4), jnp.float32),
                   pltpu.SemaphoreType.DMA])
def _gather_o(os_hbm, pos_hbm, sel_hbm, pos_v, obuf, sem):
    wid = lax.axis_index("s") * 2 + lax.axis_index("c")
    base = wid * 256
    pltpu.sync_copy(pos_hbm.at[wid], pos_v)
    for c in range(CH):
        pltpu.async_copy(os_hbm.at[pos_v.at[c]], obuf, sem).wait()
        pltpu.sync_copy(obuf, sel_hbm.at[pl.ds(base + c * 64, 64)])


def _expert_kernel(be_ref, xs_ref, eW1a_ref, eW1b_ref, eb1_ref,
                   g1_ref, b1_ref, eW2_ref, eb2_ref, eW3_ref, eb3_ref,
                   g2_ref, b2_ref, os_ref):
    @pl.when(pl.program_id(0) * BLK < be_ref[NBLK])
    def _body():
        xi = lax.bitcast_convert_type(xs_ref[...], jnp.uint32)
        lo = lax.bitcast_convert_type(xi << 16, jnp.float32)
        hi = lax.bitcast_convert_type(xi & jnp.uint32(0xFFFF0000), jnp.float32)
        xa = lo.astype(jnp.bfloat16)
        xb = hi.astype(jnp.bfloat16)
        a = jnp.dot(xa, eW1a_ref[0], preferred_element_type=jnp.float32)
        a += jnp.dot(xb, eW1b_ref[0], preferred_element_type=jnp.float32)
        a = jax.nn.relu(_ln(a + eb1_ref[0], g1_ref[0], b1_ref[0]))
        b2v = jnp.dot(a.astype(jnp.bfloat16), eW2_ref[0],
                      preferred_element_type=jnp.float32) + eb2_ref[0]
        b2v = jax.nn.relu(b2v)
        o = jnp.dot(b2v.astype(jnp.bfloat16), eW3_ref[0],
                    preferred_element_type=jnp.float32) + eb3_ref[0]
        os_ref[...] = _ln(o, g2_ref[0], b2_ref[0])


def _out_kernel(sel0_ref, sel1_ref, w_ref, id_ref, Wo_ref, bo_ref,
                alpha_ref, out_ref):
    w = w_ref[...]
    fused = sel0_ref[...] * w[:, 0:1] + sel1_ref[...] * w[:, 1:2]
    proj = jnp.dot(fused.astype(jnp.bfloat16), Wo_ref[...],
                   preferred_element_type=jnp.float32) + bo_ref[...]
    out_ref[...] = id_ref[...] + alpha_ref[0, 0] * proj


def kernel(id_emb, content_emb, collab_emb, params):
    p = params
    bf = jnp.bfloat16
    row = lambda a: a.reshape(1, -1)
    id_flat = id_emb.reshape(T, DM)
    ct_flat = content_emb.reshape(T, DC)
    cb_flat = collab_emb.reshape(T, DK)

    def const_spec(shape):
        return pl.BlockSpec(shape, lambda i: (0,) * len(shape))

    gW1a = p['gW1'][:D1].astype(bf)
    gW1b = p['gW1'][D1:].astype(bf)
    gate_ops = [id_flat, ct_flat, cb_flat, gW1a, gW1b, row(p['gb1']),
                row(p['gln_g']), row(p['gln_b']), p['gW2'].astype(bf),
                row(p['gb2']), p['gW3'].astype(bf), row(p['gb3'])]
    xp, pos64, be128, w = pl.pallas_call(
        _gate_kernel,
        grid=(T // TB,),
        in_specs=[pl.BlockSpec((TB, DM), lambda i: (i, 0)),
                  pl.BlockSpec((TB, DC), lambda i: (i, 0)),
                  pl.BlockSpec((TB, DK), lambda i: (i, 0))] +
                 [const_spec(op.shape) for op in gate_ops[3:]],
        out_specs=[pl.BlockSpec((TB, DH), lambda i: (i, 0)),
                   const_spec((64, 128)),
                   const_spec((1, 128)),
                   pl.BlockSpec((TB, K), lambda i: (i, 0))],
        out_shape=[jax.ShapeDtypeStruct((T, DH), jnp.int32),
                   jax.ShapeDtypeStruct((64, 128), jnp.int32),
                   jax.ShapeDtypeStruct((1, 128), jnp.int32),
                   jax.ShapeDtypeStruct((T, K), jnp.float32)],
        scratch_shapes=[pltpu.VMEM((64, 128), jnp.int32)],
    )(*gate_ops)
    pos3 = pos64.reshape(NW, CH, 64)
    be = be128[0, :NBLK + 1]

    xs = _scatter_x(xp, pos64.reshape(NW, SCH, 32))

    e3 = lambda a: a.reshape(E, 1, -1)
    eW1a = p['eW1'][:, :DM].astype(bf)
    eW1b = jnp.concatenate(
        [p['eW1'][:, DM:].astype(bf), jnp.zeros((E, DH - DC - DK, H), bf)],
        axis=1)
    ew_ops = [xs, eW1a, eW1b, e3(p['eb1']), e3(p['eln1_g']), e3(p['eln1_b']),
              p['eW2'].astype(bf), e3(p['eb2']), p['eW3'].astype(bf),
              e3(p['eb3']), e3(p['eln2_g']), e3(p['eln2_b'])]
    grid_spec = pltpu.PrefetchScalarGridSpec(
        num_scalar_prefetch=1,
        grid=(NBLK,),
        in_specs=[
            pl.BlockSpec((BLK, DH), lambda i, be_r: (i, 0)),
            pl.BlockSpec((1, DH, H), lambda i, be_r: (be_r[i], 0, 0)),
            pl.BlockSpec((1, DH, H), lambda i, be_r: (be_r[i], 0, 0)),
            pl.BlockSpec((1, 1, H), lambda i, be_r: (be_r[i], 0, 0)),
            pl.BlockSpec((1, 1, H), lambda i, be_r: (be_r[i], 0, 0)),
            pl.BlockSpec((1, 1, H), lambda i, be_r: (be_r[i], 0, 0)),
            pl.BlockSpec((1, H, H // 2), lambda i, be_r: (be_r[i], 0, 0)),
            pl.BlockSpec((1, 1, H // 2), lambda i, be_r: (be_r[i], 0, 0)),
            pl.BlockSpec((1, H // 2, H // 4), lambda i, be_r: (be_r[i], 0, 0)),
            pl.BlockSpec((1, 1, H // 4), lambda i, be_r: (be_r[i], 0, 0)),
            pl.BlockSpec((1, 1, H // 4), lambda i, be_r: (be_r[i], 0, 0)),
            pl.BlockSpec((1, 1, H // 4), lambda i, be_r: (be_r[i], 0, 0)),
        ],
        out_specs=pl.BlockSpec((BLK, H // 4), lambda i, be_r: (i, 0)),
    )
    os_ = pl.pallas_call(
        _expert_kernel,
        grid_spec=grid_spec,
        out_shape=jax.ShapeDtypeStruct((NP, H // 4), jnp.float32),
    )(be, *ew_ops)

    sel = _gather_o(os_, pos3)

    out = pl.pallas_call(
        _out_kernel,
        grid=(T // TB,),
        in_specs=[
            pl.BlockSpec((TB, H // 4), lambda i: (i, 0)),
            pl.BlockSpec((TB, H // 4), lambda i: (i + T // TB, 0)),
            pl.BlockSpec((TB, K), lambda i: (i, 0)),
            pl.BlockSpec((TB, DM), lambda i: (i, 0)),
            const_spec((H // 4, DM)),
            const_spec((1, DM)),
            const_spec((1, 1)),
        ],
        out_specs=pl.BlockSpec((TB, DM), lambda i: (i, 0)),
        out_shape=jax.ShapeDtypeStruct((T, DM), jnp.float32),
    )(sel, sel, w, id_flat, p['Wo'].astype(bf), row(p['bo']),
      p['alpha'].reshape(1, 1))
    return out.reshape(B, L, DM)

# --- scband reference (transcript-rebuilt; emitter-appended) ---
"""Pipeline reference for scband-mo-efusion-4140348473603 (READ-ONLY COPY).

The authoritative reference and input builder live on the scoring server;
editing this copy changes nothing except your own understanding.
"""

import jax, jax.numpy as jnp
import numpy as np

B, L = 2, 2048
DM, DC, DK = 1024, 768, 64
D = DM + DC + DK  # 1856
E, H, K = 8, 512, 2
HG = max(D // 2, 128)  # 928


def _ln(x, g, b):
    mu = x.mean(-1, keepdims=True)
    v = ((x - mu) ** 2).mean(-1, keepdims=True)
    return (x - mu) / jnp.sqrt(v + 1e-5) * g + b


def setup_inputs(seed: int = 0) -> dict:
    key = jax.random.key(seed)
    ks = jax.random.split(key, 24)
    s = 0.02
    params = {
        'gW1': jax.random.normal(ks[0], (D, HG)) * s, 'gb1': jnp.zeros((HG,)),
        'gln_g': jnp.ones((HG,)), 'gln_b': jnp.zeros((HG,)),
        'gW2': jax.random.normal(ks[1], (HG, HG // 2)) * s, 'gb2': jnp.zeros((HG // 2,)),
        'gW3': jax.random.normal(ks[2], (HG // 2, E)) * s, 'gb3': jnp.zeros((E,)),
        'eW1': jax.random.normal(ks[3], (E, D, H)) * s, 'eb1': jax.random.normal(ks[4], (E, H)) * 0.05,
        'eln1_g': jnp.ones((E, H)), 'eln1_b': jnp.zeros((E, H)),
        'eW2': jax.random.normal(ks[5], (E, H, H // 2)) * s, 'eb2': jnp.zeros((E, H // 2)),
        'eW3': jax.random.normal(ks[6], (E, H // 2, H // 4)) * s, 'eb3': jnp.zeros((E, H // 4)),
        'eln2_g': jnp.ones((E, H // 4)), 'eln2_b': jnp.zeros((E, H // 4)),
        'Wo': jax.random.normal(ks[7], (H // 4, DM)) * s, 'bo': jnp.zeros((DM,)),
        'alpha': jnp.asarray(0.1, dtype=jnp.float32),
    }
    return {
        'id_emb': jax.random.normal(ks[8], (B, L, DM), dtype=jnp.float32),
        'content_emb': jax.random.normal(ks[9], (B, L, DC), dtype=jnp.float32),
        'collab_emb': jax.random.normal(ks[10], (B, L, DK), dtype=jnp.float32),
        'params': params,
    }


def reference(id_emb, content_emb, collab_emb, params):
    p = params
    x = jnp.concatenate([id_emb, content_emb, collab_emb], axis=-1)  # (B,L,D)
    # Router gate (eval mode: no input noise, no noisy gating, no dropout)
    h = jax.nn.relu(_ln(x @ p['gW1'] + p['gb1'], p['gln_g'], p['gln_b']))
    h = jax.nn.relu(h @ p['gW2'] + p['gb2'])
    logits = h @ p['gW3'] + p['gb3']  # (B,L,E)
    probs = jax.nn.softmax(logits, axis=-1)
    topk_p, topk_i = jax.lax.top_k(probs, K)  # (B,L,K)
    w = topk_p / (topk_p.sum(-1, keepdims=True) + 1e-8)
    # All experts (dense compute), then gather top-k per token
    e1 = jnp.einsum('bld,edh->eblh', x, p['eW1']) + p['eb1'][:, None, None, :]
    e1 = jax.nn.relu(_ln(e1, p['eln1_g'][:, None, None, :], p['eln1_b'][:, None, None, :]))
    e2 = jax.nn.relu(jnp.einsum('eblh,ehf->eblf', e1, p['eW2']) + p['eb2'][:, None, None, :])
    eo = jnp.einsum('eblf,efg->eblg', e2, p['eW3']) + p['eb3'][:, None, None, :]
    eo = _ln(eo, p['eln2_g'][:, None, None, :], p['eln2_b'][:, None, None, :])  # (E,B,L,H/4)
    eo_t = jnp.transpose(eo, (1, 2, 0, 3))  # (B,L,E,H/4)
    sel = jnp.take_along_axis(eo_t, topk_i[..., None], axis=2)  # (B,L,K,H/4)
    fused = (w[..., None] * sel).sum(axis=2)  # (B,L,H/4)
    proj = fused @ p['Wo'] + p['bo']  # (B,L,DM)
    out = id_emb + p['alpha'] * proj  # residual with learnable alpha
    return out

if __name__ == "__main__":
    import jax
    _d = setup_inputs()
    print(jax.jit(kernel)(*tuple(_d.values())))

</pallas_src>

<mosaic_0001>
#map = affine_map<(d0, d1) -> (0, 0)>
#map1 = affine_map<(d0, d1) -> (0, 0, 0)>
module attributes {stable_mosaic.version = 14 : i64} {
  func.func @_scatter_x(%arg0: i32, %arg1: i32, %arg2: memref<4096x1024xi32, #tpu.memory_space<hbm>>, %arg3: memref<32x8x32xi32, #tpu.memory_space<hbm>>, %arg4: memref<12288x1024xi32, #tpu.memory_space<hbm>>, %arg5: memref<8x32xi32, #tpu.memory_space<vmem>>, %arg6: memref<32x1024xi32, #tpu.memory_space<vmem>>, %arg7: memref<32x1024xi32, #tpu.memory_space<vmem>>, %arg8: memref<!tpu.dma_semaphore, #tpu.memory_space<semaphore_mem>>, %arg9: memref<!tpu.dma_semaphore, #tpu.memory_space<semaphore_mem>>) attributes {dimension_semantics = [#tpu.dimension_semantics<core_parallel>, #tpu.dimension_semantics<subcore_parallel>], iteration_bounds = array<i64: 2, 16>, scalar_prefetch = 0 : i64, scratch_operands = 5 : i64, tpu.core_type = #tpu.core_type<sc_vector_subcore>, window_params = [{transform_indices = #map}, {transform_indices = #map1}, {transform_indices = #map}]} {
    %mul3A = arith.constant 2 : i32
    %mul3A_0 = arith.muli %arg1, %mul3A : i32
    %add3A = arith.addi %mul3A_0, %arg0 : i32
    %mul3A_1 = arith.constant 256 : i32
    %mul3A_2 = arith.muli %add3A, %mul3A_1 : i32
    %jit3A = arith.constant 4096 : i32
    %eq3A = arith.constant 0 : i32
    %eq3A_3 = arith.cmpi eq, %jit3A, %eq3A : i32
    %jit3A_4 = arith.constant 1 : i32
    %select_n3A = arith.select %eq3A_3, %jit3A_4, %jit3A : i32
    %rem3A = arith.remsi %mul3A_2, %select_n3A : i32
    %ne3A = arith.constant 0 : i32
    %ne3A_5 = arith.cmpi ne, %rem3A, %ne3A : i32
    %lt3A = arith.constant 0 : i32
    %lt3A_6 = arith.cmpi slt, %rem3A, %lt3A : i32
    %lt3A_7 = arith.constant 0 : i32
    %lt3A_8 = arith.cmpi slt, %select_n3A, %lt3A_7 : i32
    %ne3A_9 = arith.xori %lt3A_6, %lt3A_8 : i1
    %and3A = arith.andi %ne3A_9, %ne3A_5 : i1
    %add3A_10 = arith.addi %rem3A, %select_n3A : i32
    %select_n3A_11 = arith.select %and3A, %add3A_10, %rem3A : i32
    "tpu.region"() ({
      %run_scoped3A = tpu.sem_alloc : memref<!tpu.dma_semaphore, #tpu.memory_space<semaphore_mem>>
      %dma_start3A_138 = arith.constant 0 : i32
      %dma_start3A_139 = arith.constant 0 : i32
      %dma_start3A_140 = tpu.memref_slice %arg3[%add3A, %dma_start3A_138, %dma_start3A_139] : memref<32x8x32xi32, #tpu.memory_space<hbm>> -> memref<1x8x32xi32, #tpu.memory_space<hbm>>
      %dma_start3A_141 = tpu.memref_squeeze %dma_start3A_140 : memref<1x8x32xi32, #tpu.memory_space<hbm>> -> memref<8x32xi32, #tpu.memory_space<hbm>>
      %dma_start3A_142 = arith.constant 0 : i32
      %dma_start3A_143 = arith.constant 0 : i32
      %dma_start3A_144 = tpu.memref_slice %arg3[%add3A, %dma_start3A_142, %dma_start3A_143] : memref<32x8x32xi32, #tpu.memory_space<hbm>> -> memref<1x8x32xi32, #tpu.memory_space<hbm>>
      %dma_start3A_145 = tpu.memref_squeeze %dma_start3A_144 : memref<1x8x32xi32, #tpu.memory_space<hbm>> -> memref<8x32xi32, #tpu.memory_space<hbm>>
      tpu.enqueue_dma source(%dma_start3A_145 : memref<8x32xi32, #tpu.memory_space<hbm>>) target(%arg5 : memref<8x32xi32, #tpu.memory_space<vmem>>) target_semaphore(%run_scoped3A : memref<!tpu.dma_semaphore, #tpu.memory_space<semaphore_mem>>)
      %dma_wait3A_146 = arith.constant 0 : i32
      %dma_wait3A_147 = arith.constant 0 : i32
      %dma_wait3A_148 = tpu.memref_slice %arg3[%add3A, %dma_wait3A_146, %dma_wait3A_147] : memref<32x8x32xi32, #tpu.memory_space<hbm>> -> memref<1x8x32xi32, #tpu.memory_space<hbm>>
      %dma_wait3A_149 = tpu.memref_squeeze %dma_wait3A_148 : memref<1x8x32xi32, #tpu.memory_space<hbm>> -> memref<8x32xi32, #tpu.memory_space<hbm>>
      %dma_wait3A_150 = arith.constant 0 : i32
      %dma_wait3A_151 = arith.constant 0 : i32
      %dma_wait3A_152 = tpu.memref_slice %arg3[%add3A, %dma_wait3A_150, %dma_wait3A_151] : memref<32x8x32xi32, #tpu.memory_space<hbm>> -> memref<1x8x32xi32, #tpu.memory_space<hbm>>
      %dma_wait3A_153 = tpu.memref_squeeze %dma_wait3A_152 : memref<1x8x32xi32, #tpu.memory_space<hbm>> -> memref<8x32xi32, #tpu.memory_space<hbm>>
      tpu.wait_dma2 semaphore(%run_scoped3A : memref<!tpu.dma_semaphore, #tpu.memory_space<semaphore_mem>>) src(%dma_wait3A_153 : memref<8x32xi32, #tpu.memory_space<hbm>>) dst(%arg5 : memref<8x32xi32, #tpu.memory_space<vmem>>)
      tpu.yield
    }) : () -> ()
    %add3A_12 = arith.constant 0 : i32
    %add3A_13 = arith.addi %select_n3A_11, %add3A_12 : i32
    "tpu.region"() ({
      %run_scoped3A = tpu.sem_alloc : memref<!tpu.dma_semaphore, #tpu.memory_space<semaphore_mem>>
      %dma_start3A_138 = arith.constant 0 : i32
      %dma_start3A_139 = tpu.memref_slice %arg2[%add3A_13, %dma_start3A_138] : memref<4096x1024xi32, #tpu.memory_space<hbm>> -> memref<32x1024xi32, #tpu.memory_space<hbm>>
      %dma_start3A_140 = arith.constant 0 : i32
      %dma_start3A_141 = tpu.memref_slice %arg2[%add3A_13, %dma_start3A_140] : memref<4096x1024xi32, #tpu.memory_space<hbm>> -> memref<32x1024xi32, #tpu.memory_space<hbm>>
      tpu.enqueue_dma source(%dma_start3A_141 : memref<32x1024xi32, #tpu.memory_space<hbm>>) target(%arg6 : memref<32x1024xi32, #tpu.memory_space<vmem>>) target_semaphore(%run_scoped3A : memref<!tpu.dma_semaphore, #tpu.memory_space<semaphore_mem>>)
      %dma_wait3A_142 = arith.constant 0 : i32
      %dma_wait3A_143 = tpu.memref_slice %arg2[%add3A_13, %dma_wait3A_142] : memref<4096x1024xi32, #tpu.memory_space<hbm>> -> memref<32x1024xi32, #tpu.memory_space<hbm>>
      %dma_wait3A_144 = arith.constant 0 : i32
      %dma_wait3A_145 = tpu.memref_slice %arg2[%add3A_13, %dma_wait3A_144] : memref<4096x1024xi32, #tpu.memory_space<hbm>> -> memref<32x1024xi32, #tpu.memory_space<hbm>>
      tpu.wait_dma2 semaphore(%run_scoped3A : memref<!tpu.dma_semaphore, #tpu.memory_space<semaphore_mem>>) src(%dma_wait3A_145 : memref<32x1024xi32, #tpu.memory_space<hbm>>) dst(%arg6 : memref<32x1024xi32, #tpu.memory_space<vmem>>)
      tpu.yield
    }) : () -> ()
    %dma_start3A = arith.constant 0 : i32
    %dma_start3A_14 = arith.constant 0 : i32
    %dma_start3A_15 = tpu.memref_slice %arg5[%dma_start3A, %dma_start3A_14] : memref<8x32xi32, #tpu.memory_space<vmem>> -> memref<1x32xi32, #tpu.memory_space<vmem>>
    %dma_start3A_16 = tpu.memref_squeeze %dma_start3A_15 : memref<1x32xi32, #tpu.memory_space<vmem>> -> memref<32xi32, #tpu.memory_space<vmem>>
    %dma_start3A_17 = arith.constant 0 : i32
    %dma_start3A_18 = arith.constant 0 : i32
    %dma_start3A_19 = tpu.memref_slice %arg4[%dma_start3A_17, %dma_start3A_18] : memref<12288x1024xi32, #tpu.memory_space<hbm>> -> memref<12288x1024xi32, #tpu.memory_space<hbm>>
    tpu.enqueue_indirect_dma source(%arg6 : memref<32x1024xi32, #tpu.memory_space<vmem>>) target(%dma_start3A_19 : memref<12288x1024xi32, #tpu.memory_space<hbm>>) offsets(%dma_start3A_16 : memref<32xi32, #tpu.memory_space<vmem>>) semaphore(%arg8 : memref<!tpu.dma_semaphore, #tpu.memory_space<semaphore_mem>>)
    %add3A_20 = arith.constant 32 : i32
    %add3A_21 = arith.addi %select_n3A_11, %add3A_20 : i32
    "tpu.region"() ({
      %run_scoped3A = tpu.sem_alloc : memref<!tpu.dma_semaphore, #tpu.memory_space<semaphore_mem>>
      %dma_start3A_138 = arith.constant 0 : i32
      %dma_start3A_139 = tpu.memref_slice %arg2[%add3A_21, %dma_start3A_138] : memref<4096x1024xi32, #tpu.memory_space<hbm>> -> memref<32x1024xi32, #tpu.memory_space<hbm>>
      %dma_start3A_140 = arith.constant 0 : i32
      %dma_start3A_141 = tpu.memref_slice %arg2[%add3A_21, %dma_start3A_140] : memref<4096x1024xi32, #tpu.memory_space<hbm>> -> memref<32x1024xi32, #tpu.memory_space<hbm>>
      tpu.enqueue_dma source(%dma_start3A_141 : memref<32x1024xi32, #tpu.memory_space<hbm>>) target(%arg7 : memref<32x1024xi32, #tpu.memory_space<vmem>>) target_semaphore(%run_scoped3A : memref<!tpu.dma_semaphore, #tpu.memory_space<semaphore_mem>>)
      %dma_wait3A_142 = arith.constant 0 : i32
      %dma_wait3A_143 = tpu.memref_slice %arg2[%add3A_21, %dma_wait3A_142] : memref<4096x1024xi32, #tpu.memory_space<hbm>> -> memref<32x1024xi32, #tpu.memory_space<hbm>>
      %dma_wait3A_144 = arith.constant 0 : i32
      %dma_wait3A_145 = tpu.memref_slice %arg2[%add3A_21, %dma_wait3A_144] : memref<4096x1024xi32, #tpu.memory_space<hbm>> -> memref<32x1024xi32, #tpu.memory_space<hbm>>
      tpu.wait_dma2 semaphore(%run_scoped3A : memref<!tpu.dma_semaphore, #tpu.memory_space<semaphore_mem>>) src(%dma_wait3A_145 : memref<32x1024xi32, #tpu.memory_space<hbm>>) dst(%arg7 : memref<32x1024xi32, #tpu.memory_space<vmem>>)
      tpu.yield
    }) : () -> ()
    %dma_start3A_22 = arith.constant 1 : i32
    %dma_start3A_23 = arith.constant 0 : i32
    %dma_start3A_24 = tpu.memref_slice %arg5[%dma_start3A_22, %dma_start3A_23] : memref<8x32xi32, #tpu.memory_space<vmem>> -> memref<1x32xi32, #tpu.memory_space<vmem>>
    %dma_start3A_25 = tpu.memref_squeeze %dma_start3A_24 : memref<1x32xi32, #tpu.memory_space<vmem>> -> memref<32xi32, #tpu.memory_space<vmem>>
    %dma_start3A_26 = arith.constant 0 : i32
    %dma_start3A_27 = arith.constant 0 : i32
    %dma_start3A_28 = tpu.memref_slice %arg4[%dma_start3A_26, %dma_start3A_27] : memref<12288x1024xi32, #tpu.memory_space<hbm>> -> memref<12288x1024xi32, #tpu.memory_space<hbm>>
    tpu.enqueue_indirect_dma source(%arg7 : memref<32x1024xi32, #tpu.memory_space<vmem>>) target(%dma_start3A_28 : memref<12288x1024xi32, #tpu.memory_space<hbm>>) offsets(%dma_start3A_25 : memref<32xi32, #tpu.memory_space<vmem>>) semaphore(%arg9 : memref<!tpu.dma_semaphore, #tpu.memory_space<semaphore_mem>>)
    %dma_wait3A = arith.constant 0 : i32
    %dma_wait3A_29 = arith.constant 0 : i32
    %dma_wait3A_30 = tpu.memref_slice %arg5[%dma_wait3A, %dma_wait3A_29] : memref<8x32xi32, #tpu.memory_space<vmem>> -> memref<1x32xi32, #tpu.memory_space<vmem>>
    %dma_wait3A_31 = tpu.memref_squeeze %dma_wait3A_30 : memref<1x32xi32, #tpu.memory_space<vmem>> -> memref<32xi32, #tpu.memory_space<vmem>>
    %dma_wait3A_32 = arith.constant 0 : i32
    %dma_wait3A_33 = arith.constant 0 : i32
    %dma_wait3A_34 = tpu.memref_slice %arg4[%dma_wait3A_32, %dma_wait3A_33] : memref<12288x1024xi32, #tpu.memory_space<hbm>> -> memref<12288x1024xi32, #tpu.memory_space<hbm>>
    tpu.wait_indirect_dma semaphore(%arg8 : memref<!tpu.dma_semaphore, #tpu.memory_space<semaphore_mem>>) src(%arg6 : memref<32x1024xi32, #tpu.memory_space<vmem>>) dst(%dma_wait3A_34 : memref<12288x1024xi32, #tpu.memory_space<hbm>>)
    %add3A_35 = arith.constant 64 : i32
    %add3A_36 = arith.addi %select_n3A_11, %add3A_35 : i32
    "tpu.region"() ({
      %run_scoped3A = tpu.sem_alloc : memref<!tpu.dma_semaphore, #tpu.memory_space<semaphore_mem>>
      %dma_start3A_138 = arith.constant 0 : i32
      %dma_start3A_139 = tpu.memref_slice %arg2[%add3A_36, %dma_start3A_138] : memref<4096x1024xi32, #tpu.memory_space<hbm>> -> memref<32x1024xi32, #tpu.memory_space<hbm>>
      %dma_start3A_140 = arith.constant 0 : i32
      %dma_start3A_141 = tpu.memref_slice %arg2[%add3A_36, %dma_start3A_140] : memref<4096x1024xi32, #tpu.memory_space<hbm>> -> memref<32x1024xi32, #tpu.memory_space<hbm>>
      tpu.enqueue_dma source(%dma_start3A_141 : memref<32x1024xi32, #tpu.memory_space<hbm>>) target(%arg6 : memref<32x1024xi32, #tpu.memory_space<vmem>>) target_semaphore(%run_scoped3A : memref<!tpu.dma_semaphore, #tpu.memory_space<semaphore_mem>>)
      %dma_wait3A_142 = arith.constant 0 : i32
      %dma_wait3A_143 = tpu.memref_slice %arg2[%add3A_36, %dma_wait3A_142] : memref<4096x1024xi32, #tpu.memory_space<hbm>> -> memref<32x1024xi32, #tpu.memory_space<hbm>>
      %dma_wait3A_144 = arith.constant 0 : i32
      %dma_wait3A_145 = tpu.memref_slice %arg2[%add3A_36, %dma_wait3A_144] : memref<4096x1024xi32, #tpu.memory_space<hbm>> -> memref<32x1024xi32, #tpu.memory_space<hbm>>
      tpu.wait_dma2 semaphore(%run_scoped3A : memref<!tpu.dma_semaphore, #tpu.memory_space<semaphore_mem>>) src(%dma_wait3A_145 : memref<32x1024xi32, #tpu.memory_space<hbm>>) dst(%arg6 : memref<32x1024xi32, #tpu.memory_space<vmem>>)
      tpu.yield
    }) : () -> ()
    %dma_start3A_37 = arith.constant 2 : i32
    %dma_start3A_38 = arith.constant 0 : i32
    %dma_start3A_39 = tpu.memref_slice %arg5[%dma_start3A_37, %dma_start3A_38] : memref<8x32xi32, #tpu.memory_space<vmem>> -> memref<1x32xi32, #tpu.memory_space<vmem>>
    %dma_start3A_40 = tpu.memref_squeeze %dma_start3A_39 : memref<1x32xi32, #tpu.memory_space<vmem>> -> memref<32xi32, #tpu.memory_space<vmem>>
    %dma_start3A_41 = arith.constant 0 : i32
    %dma_start3A_42 = arith.constant 0 : i32
    %dma_start3A_43 = tpu.memref_slice %arg4[%dma_start3A_41, %dma_start3A_42] : memref<12288x1024xi32, #tpu.memory_space<hbm>> -> memref<12288x1024xi32, #tpu.memory_space<hbm>>
    tpu.enqueue_indirect_dma source(%arg6 : memref<32x1024xi32, #tpu.memory_space<vmem>>) target(%dma_start3A_43 : memref<12288x1024xi32, #tpu.memory_space<hbm>>) offsets(%dma_start3A_40 : memref<32xi32, #tpu.memory_space<vmem>>) semaphore(%arg8 : memref<!tpu.dma_semaphore, #tpu.memory_space<semaphore_mem>>)
    %dma_wait3A_44 = arith.constant 1 : i32
    %dma_wait3A_45 = arith.constant 0 : i32
    %dma_wait3A_46 = tpu.memref_slice %arg5[%dma_wait3A_44, %dma_wait3A_45] : memref<8x32xi32, #tpu.memory_space<vmem>> -> memref<1x32xi32, #tpu.memory_space<vmem>>
    %dma_wait3A_47 = tpu.memref_squeeze %dma_wait3A_46 : memref<1x32xi32, #tpu.memory_space<vmem>> -> memref<32xi32, #tpu.memory_space<vmem>>
    %dma_wait3A_48 = arith.constant 0 : i32
    %dma_wait3A_49 = arith.constant 0 : i32
    %dma_wait3A_50 = tpu.memref_slice %arg4[%dma_wait3A_48, %dma_wait3A_49] : memref<12288x1024xi32, #tpu.memory_space<hbm>> -> memref<12288x1024xi32, #tpu.memory_space<hbm>>
    tpu.wait_indirect_dma semaphore(%arg9 : memref<!tpu.dma_semaphore, #tpu.memory_space<semaphore_mem>>) src(%arg7 : memref<32x1024xi32, #tpu.memory_space<vmem>>) dst(%dma_wait3A_50 : memref<12288x1024xi32, #tpu.memory_space<hbm>>)
    %add3A_51 = arith.constant 96 : i32
    %add3A_52 = arith.addi %select_n3A_11, %add3A_51 : i32
    "tpu.region"() ({
      %run_scoped3A = tpu.sem_alloc : memref<!tpu.dma_semaphore, #tpu.memory_space<semaphore_mem>>
      %dma_start3A_138 = arith.constant 0 : i32
      %dma_start3A_139 = tpu.memref_slice %arg2[%add3A_52, %dma_start3A_138] : memref<4096x1024xi32, #tpu.memory_space<hbm>> -> memref<32x1024xi32, #tpu.memory_space<hbm>>
      %dma_start3A_140 = arith.constant 0 : i32
      %dma_start3A_141 = tpu.memref_slice %arg2[%add3A_52, %dma_start3A_140] : memref<4096x1024xi32, #tpu.memory_space<hbm>> -> memref<32x1024xi32, #tpu.memory_space<hbm>>
      tpu.enqueue_dma source(%dma_start3A_141 : memref<32x1024xi32, #tpu.memory_space<hbm>>) target(%arg7 : memref<32x1024xi32, #tpu.memory_space<vmem>>) target_semaphore(%run_scoped3A : memref<!tpu.dma_semaphore, #tpu.memory_space<semaphore_mem>>)
      %dma_wait3A_142 = arith.constant 0 : i32
      %dma_wait3A_143 = tpu.memref_slice %arg2[%add3A_52, %dma_wait3A_142] : memref<4096x1024xi32, #tpu.memory_space<hbm>> -> memref<32x1024xi32, #tpu.memory_space<hbm>>
      %dma_wait3A_144 = arith.constant 0 : i32
      %dma_wait3A_145 = tpu.memref_slice %arg2[%add3A_52, %dma_wait3A_144] : memref<4096x1024xi32, #tpu.memory_space<hbm>> -> memref<32x1024xi32, #tpu.memory_space<hbm>>
      tpu.wait_dma2 semaphore(%run_scoped3A : memref<!tpu.dma_semaphore, #tpu.memory_space<semaphore_mem>>) src(%dma_wait3A_145 : memref<32x1024xi32, #tpu.memory_space<hbm>>) dst(%arg7 : memref<32x1024xi32, #tpu.memory_space<vmem>>)
      tpu.yield
    }) : () -> ()
    %dma_start3A_53 = arith.constant 3 : i32
    %dma_start3A_54 = arith.constant 0 : i32
    %dma_start3A_55 = tpu.memref_slice %arg5[%dma_start3A_53, %dma_start3A_54] : memref<8x32xi32, #tpu.memory_space<vmem>> -> memref<1x32xi32, #tpu.memory_space<vmem>>
    %dma_start3A_56 = tpu.memref_squeeze %dma_start3A_55 : memref<1x32xi32, #tpu.memory_space<vmem>> -> memref<32xi32, #tpu.memory_space<vmem>>
    %dma_start3A_57 = arith.constant 0 : i32
    %dma_start3A_58 = arith.constant 0 : i32
    %dma_start3A_59 = tpu.memref_slice %arg4[%dma_start3A_57, %dma_start3A_58] : memref<12288x1024xi32, #tpu.memory_space<hbm>> -> memref<12288x1024xi32, #tpu.memory_space<hbm>>
    tpu.enqueue_indirect_dma source(%arg7 : memref<32x1024xi32, #tpu.memory_space<vmem>>) target(%dma_start3A_59 : memref<12288x1024xi32, #tpu.memory_space<hbm>>) offsets(%dma_start3A_56 : memref<32xi32, #tpu.memory_space<vmem>>) semaphore(%arg9 : memref<!tpu.dma_semaphore, #tpu.memory_space<semaphore_mem>>)
    %dma_wait3A_60 = arith.constant 2 : i32
    %dma_wait3A_61 = arith.constant 0 : i32
    %dma_wait3A_62 = tpu.memref_slice %arg5[%dma_wait3A_60, %dma_wait3A_61] : memref<8x32xi32, #tpu.memory_space<vmem>> -> memref<1x32xi32, #tpu.memory_space<vmem>>
    %dma_wait3A_63 = tpu.memref_squeeze %dma_wait3A_62 : memref<1x32xi32, #tpu.memory_space<vmem>> -> memref<32xi32, #tpu.memory_space<vmem>>
    %dma_wait3A_64 = arith.constant 0 : i32
    %dma_wait3A_65 = arith.constant 0 : i32
    %dma_wait3A_66 = tpu.memref_slice %arg4[%dma_wait3A_64, %dma_wait3A_65] : memref<12288x1024xi32, #tpu.memory_space<hbm>> -> memref<12288x1024xi32, #tpu.memory_space<hbm>>
    tpu.wait_indirect_dma semaphore(%arg8 : memref<!tpu.dma_semaphore, #tpu.memory_space<semaphore_mem>>) src(%arg6 : memref<32x1024xi32, #tpu.memory_space<vmem>>) dst(%dma_wait3A_66 : memref<12288x1024xi32, #tpu.memory_space<hbm>>)
    %add3A_67 = arith.constant 128 : i32
    %add3A_68 = arith.addi %select_n3A_11, %add3A_67 : i32
    "tpu.region"() ({
      %run_scoped3A = tpu.sem_alloc : memref<!tpu.dma_semaphore, #tpu.memory_space<semaphore_mem>>
      %dma_start3A_138 = arith.constant 0 : i32
      %dma_start3A_139 = tpu.memref_slice %arg2[%add3A_68, %dma_start3A_138] : memref<4096x1024xi32, #tpu.memory_space<hbm>> -> memref<32x1024xi32, #tpu.memory_space<hbm>>
      %dma_start3A_140 = arith.constant 0 : i32
      %dma_start3A_141 = tpu.memref_slice %arg2[%add3A_68, %dma_start3A_140] : memref<4096x1024xi32, #tpu.memory_space<hbm>> -> memref<32x1024xi32, #tpu.memory_space<hbm>>
      tpu.enqueue_dma source(%dma_start3A_141 : memref<32x1024xi32, #tpu.memory_space<hbm>>) target(%arg6 : memref<32x1024xi32, #tpu.memory_space<vmem>>) target_semaphore(%run_scoped3A : memref<!tpu.dma_semaphore, #tpu.memory_space<semaphore_mem>>)
      %dma_wait3A_142 = arith.constant 0 : i32
      %dma_wait3A_143 = tpu.memref_slice %arg2[%add3A_68, %dma_wait3A_142] : memref<4096x1024xi32, #tpu.memory_space<hbm>> -> memref<32x1024xi32, #tpu.memory_space<hbm>>
      %dma_wait3A_144 = arith.constant 0 : i32
      %dma_wait3A_145 = tpu.memref_slice %arg2[%add3A_68, %dma_wait3A_144] : memref<4096x1024xi32, #tpu.memory_space<hbm>> -> memref<32x1024xi32, #tpu.memory_space<hbm>>
      tpu.wait_dma2 semaphore(%run_scoped3A : memref<!tpu.dma_semaphore, #tpu.memory_space<semaphore_mem>>) src(%dma_wait3A_145 : memref<32x1024xi32, #tpu.memory_space<hbm>>) dst(%arg6 : memref<32x1024xi32, #tpu.memory_space<vmem>>)
      tpu.yield
    }) : () -> ()
    %dma_start3A_69 = arith.constant 4 : i32
    %dma_start3A_70 = arith.constant 0 : i32
    %dma_start3A_71 = tpu.memref_slice %arg5[%dma_start3A_69, %dma_start3A_70] : memref<8x32xi32, #tpu.memory_space<vmem>> -> memref<1x32xi32, #tpu.memory_space<vmem>>
    %dma_start3A_72 = tpu.memref_squeeze %dma_start3A_71 : memref<1x32xi32, #tpu.memory_space<vmem>> -> memref<32xi32, #tpu.memory_space<vmem>>
    %dma_start3A_73 = arith.constant 0 : i32
    %dma_start3A_74 = arith.constant 0 : i32
    %dma_start3A_75 = tpu.memref_slice %arg4[%dma_start3A_73, %dma_start3A_74] : memref<12288x1024xi32, #tpu.memory_space<hbm>> -> memref<12288x1024xi32, #tpu.memory_space<hbm>>
    tpu.enqueue_indirect_dma source(%arg6 : memref<32x1024xi32, #tpu.memory_space<vmem>>) target(%dma_start3A_75 : memref<12288x1024xi32, #tpu.memory_space<hbm>>) offsets(%dma_start3A_72 : memref<32xi32, #tpu.memory_space<vmem>>) semaphore(%arg8 : memref<!tpu.dma_semaphore, #tpu.memory_space<semaphore_mem>>)
    %dma_wait3A_76 = arith.constant 3 : i32
    %dma_wait3A_77 = arith.constant 0 : i32
    %dma_wait3A_78 = tpu.memref_slice %arg5[%dma_wait3A_76, %dma_wait3A_77] : memref<8x32xi32, #tpu.memory_space<vmem>> -> memref<1x32xi32, #tpu.memory_space<vmem>>
    %dma_wait3A_79 = tpu.memref_squeeze %dma_wait3A_78 : memref<1x32xi32, #tpu.memory_space<vmem>> -> memref<32xi32, #tpu.memory_space<vmem>>
    %dma_wait3A_80 = arith.constant 0 : i32
    %dma_wait3A_81 = arith.constant 0 : i32
    %dma_wait3A_82 = tpu.memref_slice %arg4[%dma_wait3A_80, %dma_wait3A_81] : memref<12288x1024xi32, #tpu.memory_space<hbm>> -> memref<12288x1024xi32, #tpu.memory_space<hbm>>
    tpu.wait_indirect_dma semaphore(%arg9 : memref<!tpu.dma_semaphore, #tpu.memory_space<semaphore_mem>>) src(%arg7 : memref<32x1024xi32, #tpu.memory_space<vmem>>) dst(%dma_wait3A_82 : memref<12288x1024xi32, #tpu.memory_space<hbm>>)
    %add3A_83 = arith.constant 160 : i32
    %add3A_84 = arith.addi %select_n3A_11, %add3A_83 : i32
    "tpu.region"() ({
      %run_scoped3A = tpu.sem_alloc : memref<!tpu.dma_semaphore, #tpu.memory_space<semaphore_mem>>
      %dma_start3A_138 = arith.constant 0 : i32
      %dma_start3A_139 = tpu.memref_slice %arg2[%add3A_84, %dma_start3A_138] : memref<4096x1024xi32, #tpu.memory_space<hbm>> -> memref<32x1024xi32, #tpu.memory_space<hbm>>
      %dma_start3A_140 = arith.constant 0 : i32
      %dma_start3A_141 = tpu.memref_slice %arg2[%add3A_84, %dma_start3A_140] : memref<4096x1024xi32, #tpu.memory_space<hbm>> -> memref<32x1024xi32, #tpu.memory_space<hbm>>
      tpu.enqueue_dma source(%dma_start3A_141 : memref<32x1024xi32, #tpu.memory_space<hbm>>) target(%arg7 : memref<32x1024xi32, #tpu.memory_space<vmem>>) target_semaphore(%run_scoped3A : memref<!tpu.dma_semaphore, #tpu.memory_space<semaphore_mem>>)
      %dma_wait3A_142 = arith.constant 0 : i32
      %dma_wait3A_143 = tpu.memref_slice %arg2[%add3A_84, %dma_wait3A_142] : memref<4096x1024xi32, #tpu.memory_space<hbm>> -> memref<32x1024xi32, #tpu.memory_space<hbm>>
      %dma_wait3A_144 = arith.constant 0 : i32
      %dma_wait3A_145 = tpu.memref_slice %arg2[%add3A_84, %dma_wait3A_144] : memref<4096x1024xi32, #tpu.memory_space<hbm>> -> memref<32x1024xi32, #tpu.memory_space<hbm>>
      tpu.wait_dma2 semaphore(%run_scoped3A : memref<!tpu.dma_semaphore, #tpu.memory_space<semaphore_mem>>) src(%dma_wait3A_145 : memref<32x1024xi32, #tpu.memory_space<hbm>>) dst(%arg7 : memref<32x1024xi32, #tpu.memory_space<vmem>>)
      tpu.yield
    }) : () -> ()
    %dma_start3A_85 = arith.constant 5 : i32
    %dma_start3A_86 = arith.constant 0 : i32
    %dma_start3A_87 = tpu.memref_slice %arg5[%dma_start3A_85, %dma_start3A_86] : memref<8x32xi32, #tpu.memory_space<vmem>> -> memref<1x32xi32, #tpu.memory_space<vmem>>
    %dma_start3A_88 = tpu.memref_squeeze %dma_start3A_87 : memref<1x32xi32, #tpu.memory_space<vmem>> -> memref<32xi32, #tpu.memory_space<vmem>>
    %dma_start3A_89 = arith.constant 0 : i32
    %dma_start3A_90 = arith.constant 0 : i32
    %dma_start3A_91 = tpu.memref_slice %arg4[%dma_start3A_89, %dma_start3A_90] : memref<12288x1024xi32, #tpu.memory_space<hbm>> -> memref<12288x1024xi32, #tpu.memory_space<hbm>>
    tpu.enqueue_indirect_dma source(%arg7 : memref<32x1024xi32, #tpu.memory_space<vmem>>) target(%dma_start3A_91 : memref<12288x1024xi32, #tpu.memory_space<hbm>>) offsets(%dma_start3A_88 : memref<32xi32, #tpu.memory_space<vmem>>) semaphore(%arg9 : memref<!tpu.dma_semaphore, #tpu.memory_space<semaphore_mem>>)
    %dma_wait3A_92 = arith.constant 4 : i32
    %dma_wait3A_93 = arith.constant 0 : i32
    %dma_wait3A_94 = tpu.memref_slice %arg5[%dma_wait3A_92, %dma_wait3A_93] : memref<8x32xi32, #tpu.memory_space<vmem>> -> memref<1x32xi32, #tpu.memory_space<vmem>>
    %dma_wait3A_95 = tpu.memref_squeeze %dma_wait3A_94 : memref<1x32xi32, #tpu.memory_space<vmem>> -> memref<32xi32, #tpu.memory_space<vmem>>
    %dma_wait3A_96 = arith.constant 0 : i32
    %dma_wait3A_97 = arith.constant 0 : i32
    %dma_wait3A_98 = tpu.memref_slice %arg4[%dma_wait3A_96, %dma_wait3A_97] : memref<12288x1024xi32, #tpu.memory_space<hbm>> -> memref<12288x1024xi32, #tpu.memory_space<hbm>>
    tpu.wait_indirect_dma semaphore(%arg8 : memref<!tpu.dma_semaphore, #tpu.memory_space<semaphore_mem>>) src(%arg6 : memref<32x1024xi32, #tpu.memory_space<vmem>>) dst(%dma_wait3A_98 : memref<12288x1024xi32, #tpu.memory_space<hbm>>)
    %add3A_99 = arith.constant 192 : i32
    %add3A_100 = arith.addi %select_n3A_11, %add3A_99 : i32
    "tpu.region"() ({
      %run_scoped3A = tpu.sem_alloc : memref<!tpu.dma_semaphore, #tpu.memory_space<semaphore_mem>>
      %dma_start3A_138 = arith.constant 0 : i32
      %dma_start3A_139 = tpu.memref_slice %arg2[%add3A_100, %dma_start3A_138] : memref<4096x1024xi32, #tpu.memory_space<hbm>> -> memref<32x1024xi32, #tpu.memory_space<hbm>>
      %dma_start3A_140 = arith.constant 0 : i32
      %dma_start3A_141 = tpu.memref_slice %arg2[%add3A_100, %dma_start3A_140] : memref<4096x1024xi32, #tpu.memory_space<hbm>> -> memref<32x1024xi32, #tpu.memory_space<hbm>>
      tpu.enqueue_dma source(%dma_start3A_141 : memref<32x1024xi32, #tpu.memory_space<hbm>>) target(%arg6 : memref<32x1024xi32, #tpu.memory_space<vmem>>) target_semaphore(%run_scoped3A : memref<!tpu.dma_semaphore, #tpu.memory_space<semaphore_mem>>)
      %dma_wait3A_142 = arith.constant 0 : i32
      %dma_wait3A_143 = tpu.memref_slice %arg2[%add3A_100, %dma_wait3A_142] : memref<4096x1024xi32, #tpu.memory_space<hbm>> -> memref<32x1024xi32, #tpu.memory_space<hbm>>
      %dma_wait3A_144 = arith.constant 0 : i32
      %dma_wait3A_145 = tpu.memref_slice %arg2[%add3A_100, %dma_wait3A_144] : memref<4096x1024xi32, #tpu.memory_space<hbm>> -> memref<32x1024xi32, #tpu.memory_space<hbm>>
      tpu.wait_dma2 semaphore(%run_scoped3A : memref<!tpu.dma_semaphore, #tpu.memory_space<semaphore_mem>>) src(%dma_wait3A_145 : memref<32x1024xi32, #tpu.memory_space<hbm>>) dst(%arg6 : memref<32x1024xi32, #tpu.memory_space<vmem>>)
      tpu.yield
    }) : () -> ()
    %dma_start3A_101 = arith.constant 6 : i32
    %dma_start3A_102 = arith.constant 0 : i32
    %dma_start3A_103 = tpu.memref_slice %arg5[%dma_start3A_101, %dma_start3A_102] : memref<8x32xi32, #tpu.memory_space<vmem>> -> memref<1x32xi32, #tpu.memory_space<vmem>>
    %dma_start3A_104 = tpu.memref_squeeze %dma_start3A_103 : memref<1x32xi32, #tpu.memory_space<vmem>> -> memref<32xi32, #tpu.memory_space<vmem>>
    %dma_start3A_105 = arith.constant 0 : i32
    %dma_start3A_106 = arith.constant 0 : i32
    %dma_start3A_107 = tpu.memref_slice %arg4[%dma_start3A_105, %dma_start3A_106] : memref<12288x1024xi32, #tpu.memory_space<hbm>> -> memref<12288x1024xi32, #tpu.memory_space<hbm>>
    tpu.enqueue_indirect_dma source(%arg6 : memref<32x1024xi32, #tpu.memory_space<vmem>>) target(%dma_start3A_107 : memref<12288x1024xi32, #tpu.memory_space<hbm>>) offsets(%dma_start3A_104 : memref<32xi32, #tpu.memory_space<vmem>>) semaphore(%arg8 : memref<!tpu.dma_semaphore, #tpu.memory_space<semaphore_mem>>)
    %dma_wait3A_108 = arith.constant 5 : i32
    %dma_wait3A_109 = arith.constant 0 : i32
    %dma_wait3A_110 = tpu.memref_slice %arg5[%dma_wait3A_108, %dma_wait3A_109] : memref<8x32xi32, #tpu.memory_space<vmem>> -> memref<1x32xi32, #tpu.memory_space<vmem>>
    %dma_wait3A_111 = tpu.memref_squeeze %dma_wait3A_110 : memref<1x32xi32, #tpu.memory_space<vmem>> -> memref<32xi32, #tpu.memory_space<vmem>>
    %dma_wait3A_112 = arith.constant 0 : i32
    %dma_wait3A_113 = arith.constant 0 : i32
    %dma_wait3A_114 = tpu.memref_slice %arg4[%dma_wait3A_112, %dma_wait3A_113] : memref<12288x1024xi32, #tpu.memory_space<hbm>> -> memref<12288x1024xi32, #tpu.memory_space<hbm>>
    tpu.wait_indirect_dma semaphore(%arg9 : memref<!tpu.dma_semaphore, #tpu.memory_space<semaphore_mem>>) src(%arg7 : memref<32x1024xi32, #tpu.memory_space<vmem>>) dst(%dma_wait3A_114 : memref<12288x1024xi32, #tpu.memory_space<hbm>>)
    %add3A_115 = arith.constant 224 : i32
    %add3A_116 = arith.addi %select_n3A_11, %add3A_115 : i32
    "tpu.region"() ({
      %run_scoped3A = tpu.sem_alloc : memref<!tpu.dma_semaphore, #tpu.memory_space<semaphore_mem>>
      %dma_start3A_138 = arith.constant 0 : i32
      %dma_start3A_139 = tpu.memref_slice %arg2[%add3A_116, %dma_start3A_138] : memref<4096x1024xi32, #tpu.memory_space<hbm>> -> memref<32x1024xi32, #tpu.memory_space<hbm>>
      %dma_start3A_140 = arith.constant 0 : i32
      %dma_start3A_141 = tpu.memref_slice %arg2[%add3A_116, %dma_start3A_140] : memref<4096x1024xi32, #tpu.memory_space<hbm>> -> memref<32x1024xi32, #tpu.memory_space<hbm>>
      tpu.enqueue_dma source(%dma_start3A_141 : memref<32x1024xi32, #tpu.memory_space<hbm>>) target(%arg7 : memref<32x1024xi32, #tpu.memory_space<vmem>>) target_semaphore(%run_scoped3A : memref<!tpu.dma_semaphore, #tpu.memory_space<semaphore_mem>>)
      %dma_wait3A_142 = arith.constant 0 : i32
      %dma_wait3A_143 = tpu.memref_slice %arg2[%add3A_116, %dma_wait3A_142] : memref<4096x1024xi32, #tpu.memory_space<hbm>> -> memref<32x1024xi32, #tpu.memory_space<hbm>>
      %dma_wait3A_144 = arith.constant 0 : i32
      %dma_wait3A_145 = tpu.memref_slice %arg2[%add3A_116, %dma_wait3A_144] : memref<4096x1024xi32, #tpu.memory_space<hbm>> -> memref<32x1024xi32, #tpu.memory_space<hbm>>
      tpu.wait_dma2 semaphore(%run_scoped3A : memref<!tpu.dma_semaphore, #tpu.memory_space<semaphore_mem>>) src(%dma_wait3A_145 : memref<32x1024xi32, #tpu.memory_space<hbm>>) dst(%arg7 : memref<32x1024xi32, #tpu.memory_space<vmem>>)
      tpu.yield
    }) : () -> ()
    %dma_start3A_117 = arith.constant 7 : i32
    %dma_start3A_118 = arith.constant 0 : i32
    %dma_start3A_119 = tpu.memref_slice %arg5[%dma_start3A_117, %dma_start3A_118] : memref<8x32xi32, #tpu.memory_space<vmem>> -> memref<1x32xi32, #tpu.memory_space<vmem>>
    %dma_start3A_120 = tpu.memref_squeeze %dma_start3A_119 : memref<1x32xi32, #tpu.memory_space<vmem>> -> memref<32xi32, #tpu.memory_space<vmem>>
    %dma_start3A_121 = arith.constant 0 : i32
    %dma_start3A_122 = arith.constant 0 : i32
    %dma_start3A_123 = tpu.memref_slice %arg4[%dma_start3A_121, %dma_start3A_122] : memref<12288x1024xi32, #tpu.memory_space<hbm>> -> memref<12288x1024xi32, #tpu.memory_space<hbm>>
    tpu.enqueue_indirect_dma source(%arg7 : memref<32x1024xi32, #tpu.memory_space<vmem>>) target(%dma_start3A_123 : memref<12288x1024xi32, #tpu.memory_space<hbm>>) offsets(%dma_start3A_120 : memref<32xi32, #tpu.memory_space<vmem>>) semaphore(%arg9 : memref<!tpu.dma_semaphore, #tpu.memory_space<semaphore_mem>>)
    %dma_wait3A_124 = arith.constant 6 : i32
    %dma_wait3A_125 = arith.constant 0 : i32
    %dma_wait3A_126 = tpu.memref_slice %arg5[%dma_wait3A_124, %dma_wait3A_125] : memref<8x32xi32, #tpu.memory_space<vmem>> -> memref<1x32xi32, #tpu.memory_space<vmem>>
    %dma_wait3A_127 = tpu.memref_squeeze %dma_wait3A_126 : memref<1x32xi32, #tpu.memory_space<vmem>> -> memref<32xi32, #tpu.memory_space<vmem>>
    %dma_wait3A_128 = arith.constant 0 : i32
    %dma_wait3A_129 = arith.constant 0 : i32
    %dma_wait3A_130 = tpu.memref_slice %arg4[%dma_wait3A_128, %dma_wait3A_129] : memref<12288x1024xi32, #tpu.memory_space<hbm>> -> memref<12288x1024xi32, #tpu.memory_space<hbm>>
    tpu.wait_indirect_dma semaphore(%arg8 : memref<!tpu.dma_semaphore, #tpu.memory_space<semaphore_mem>>) src(%arg6 : memref<32x1024xi32, #tpu.memory_space<vmem>>) dst(%dma_wait3A_130 : memref<12288x1024xi32, #tpu.memory_space<hbm>>)
    %dma_wait3A_131 = arith.constant 7 : i32
    %dma_wait3A_132 = arith.constant 0 : i32
    %dma_wait3A_133 = tpu.memref_slice %arg5[%dma_wait3A_131, %dma_wait3A_132] : memref<8x32xi32, #tpu.memory_space<vmem>> -> memref<1x32xi32, #tpu.memory_space<vmem>>
    %dma_wait3A_134 = tpu.memref_squeeze %dma_wait3A_133 : memref<1x32xi32, #tpu.memory_space<vmem>> -> memref<32xi32, #tpu.memory_space<vmem>>
    %dma_wait3A_135 = arith.constant 0 : i32
    %dma_wait3A_136 = arith.constant 0 : i32
    %dma_wait3A_137 = tpu.memref_slice %arg4[%dma_wait3A_135, %dma_wait3A_136] : memref<12288x1024xi32, #tpu.memory_space<hbm>> -> memref<12288x1024xi32, #tpu.memory_space<hbm>>
    tpu.wait_indirect_dma semaphore(%arg9 : memref<!tpu.dma_semaphore, #tpu.memory_space<semaphore_mem>>) src(%arg7 : memref<32x1024xi32, #tpu.memory_space<vmem>>) dst(%dma_wait3A_137 : memref<12288x1024xi32, #tpu.memory_space<hbm>>)
    return
  }
}

#map = affine_map<(d0, d1) -> (0, 0)>
#map1 = affine_map<(d0, d1) -> (0, 0, 0)>
module attributes {stable_mosaic.version = 14 : i64} {
  func.func @_gather_o(%arg0: i32, %arg1: i32, %arg2: memref<12288x128xf32, #tpu.memory_space<hbm>>, %arg3: memref<32x4x64xi32, #tpu.memory_space<hbm>>, %arg4: memref<8192x128xf32, #tpu.memory_space<hbm>>, %arg5: memref<4x64xi32, #tpu.memory_space<vmem>>, %arg6: memref<64x128xf32, #tpu.memory_space<vmem>>, %arg7: memref<!tpu.dma_semaphore, #tpu.memory_space<semaphore_mem>>) attributes {dimension_semantics = [#tpu.dimension_semantics<core_parallel>, #tpu.dimension_semantics<subcore_parallel>], iteration_bounds = array<i64: 2, 16>, scalar_prefetch = 0 : i64, scratch_operands = 3 : i64, tpu.core_type = #tpu.core_type<sc_vector_subcore>, window_params = [{transform_indices = #map}, {transform_indices = #map1}, {transform_indices = #map}]} {
    %mul3A = arith.constant 2 : i32
    %mul3A_0 = arith.muli %arg1, %mul3A : i32
    %add3A = arith.addi %mul3A_0, %arg0 : i32
    %mul3A_1 = arith.constant 256 : i32
    %mul3A_2 = arith.muli %add3A, %mul3A_1 : i32
    "tpu.region"() ({
      %run_scoped3A = tpu.sem_alloc : memref<!tpu.dma_semaphore, #tpu.memory_space<semaphore_mem>>
      %dma_start3A_65 = arith.constant 0 : i32
      %dma_start3A_66 = arith.constant 0 : i32
      %dma_start3A_67 = tpu.memref_slice %arg3[%add3A, %dma_start3A_65, %dma_start3A_66] : memref<32x4x64xi32, #tpu.memory_space<hbm>> -> memref<1x4x64xi32, #tpu.memory_space<hbm>>
      %dma_start3A_68 = tpu.memref_squeeze %dma_start3A_67 : memref<1x4x64xi32, #tpu.memory_space<hbm>> -> memref<4x64xi32, #tpu.memory_space<hbm>>
      %dma_start3A_69 = arith.constant 0 : i32
      %dma_start3A_70 = arith.constant 0 : i32
      %dma_start3A_71 = tpu.memref_slice %arg3[%add3A, %dma_start3A_69, %dma_start3A_70] : memref<32x4x64xi32, #tpu.memory_space<hbm>> -> memref<1x4x64xi32, #tpu.memory_space<hbm>>
      %dma_start3A_72 = tpu.memref_squeeze %dma_start3A_71 : memref<1x4x64xi32, #tpu.memory_space<hbm>> -> memref<4x64xi32, #tpu.memory_space<hbm>>
      tpu.enqueue_dma source(%dma_start3A_72 : memref<4x64xi32, #tpu.memory_space<hbm>>) target(%arg5 : memref<4x64xi32, #tpu.memory_space<vmem>>) target_semaphore(%run_scoped3A : memref<!tpu.dma_semaphore, #tpu.memory_space<semaphore_mem>>)
      %dma_wait3A_73 = arith.constant 0 : i32
      %dma_wait3A_74 = arith.constant 0 : i32
      %dma_wait3A_75 = tpu.memref_slice %arg3[%add3A, %dma_wait3A_73, %dma_wait3A_74] : memref<32x4x64xi32, #tpu.memory_space<hbm>> -> memref<1x4x64xi32, #tpu.memory_space<hbm>>
      %dma_wait3A_76 = tpu.memref_squeeze %dma_wait3A_75 : memref<1x4x64xi32, #tpu.memory_space<hbm>> -> memref<4x64xi32, #tpu.memory_space<hbm>>
      %dma_wait3A_77 = arith.constant 0 : i32
      %dma_wait3A_78 = arith.constant 0 : i32
      %dma_wait3A_79 = tpu.memref_slice %arg3[%add3A, %dma_wait3A_77, %dma_wait3A_78] : memref<32x4x64xi32, #tpu.memory_space<hbm>> -> memref<1x4x64xi32, #tpu.memory_space<hbm>>
      %dma_wait3A_80 = tpu.memref_squeeze %dma_wait3A_79 : memref<1x4x64xi32, #tpu.memory_space<hbm>> -> memref<4x64xi32, #tpu.memory_space<hbm>>
      tpu.wait_dma2 semaphore(%run_scoped3A : memref<!tpu.dma_semaphore, #tpu.memory_space<semaphore_mem>>) src(%dma_wait3A_80 : memref<4x64xi32, #tpu.memory_space<hbm>>) dst(%arg5 : memref<4x64xi32, #tpu.memory_space<vmem>>)
      tpu.yield
    }) : () -> ()
    %dma_start3A = arith.constant 0 : i32
    %dma_start3A_3 = arith.constant 0 : i32
    %dma_start3A_4 = tpu.memref_slice %arg5[%dma_start3A, %dma_start3A_3] : memref<4x64xi32, #tpu.memory_space<vmem>> -> memref<1x64xi32, #tpu.memory_space<vmem>>
    %dma_start3A_5 = tpu.memref_squeeze %dma_start3A_4 : memref<1x64xi32, #tpu.memory_space<vmem>> -> memref<64xi32, #tpu.memory_space<vmem>>
    %dma_start3A_6 = arith.constant 0 : i32
    %dma_start3A_7 = arith.constant 0 : i32
    %dma_start3A_8 = tpu.memref_slice %arg2[%dma_start3A_6, %dma_start3A_7] : memref<12288x128xf32, #tpu.memory_space<hbm>> -> memref<12288x128xf32, #tpu.memory_space<hbm>>
    tpu.enqueue_indirect_dma source(%dma_start3A_8 : memref<12288x128xf32, #tpu.memory_space<hbm>>) target(%arg6 : memref<64x128xf32, #tpu.memory_space<vmem>>) offsets(%dma_start3A_5 : memref<64xi32, #tpu.memory_space<vmem>>) semaphore(%arg7 : memref<!tpu.dma_semaphore, #tpu.memory_space<semaphore_mem>>)
    %dma_wait3A = arith.constant 0 : i32
    %dma_wait3A_9 = arith.constant 0 : i32
    %dma_wait3A_10 = tpu.memref_slice %arg5[%dma_wait3A, %dma_wait3A_9] : memref<4x64xi32, #tpu.memory_space<vmem>> -> memref<1x64xi32, #tpu.memory_space<vmem>>
    %dma_wait3A_11 = tpu.memref_squeeze %dma_wait3A_10 : memref<1x64xi32, #tpu.memory_space<vmem>> -> memref<64xi32, #tpu.memory_space<vmem>>
    %dma_wait3A_12 = arith.constant 0 : i32
    %dma_wait3A_13 = arith.constant 0 : i32
    %dma_wait3A_14 = tpu.memref_slice %arg2[%dma_wait3A_12, %dma_wait3A_13] : memref<12288x128xf32, #tpu.memory_space<hbm>> -> memref<12288x128xf32, #tpu.memory_space<hbm>>
    tpu.wait_indirect_dma semaphore(%arg7 : memref<!tpu.dma_semaphore, #tpu.memory_space<semaphore_mem>>) src(%dma_wait3A_14 : memref<12288x128xf32, #tpu.memory_space<hbm>>) dst(%arg6 : memref<64x128xf32, #tpu.memory_space<vmem>>)
    %add3A_15 = arith.constant 0 : i32
    %add3A_16 = arith.addi %mul3A_2, %add3A_15 : i32
    "tpu.region"() ({
      %run_scoped3A = tpu.sem_alloc : memref<!tpu.dma_semaphore, #tpu.memory_space<semaphore_mem>>
      %dma_start3A_65 = arith.constant 0 : i32
      %dma_start3A_66 = tpu.memref_slice %arg4[%add3A_16, %dma_start3A_65] : memref<8192x128xf32, #tpu.memory_space<hbm>> -> memref<64x128xf32, #tpu.memory_space<hbm>>
      %dma_start3A_67 = arith.constant 0 : i32
      %dma_start3A_68 = tpu.memref_slice %arg4[%add3A_16, %dma_start3A_67] : memref<8192x128xf32, #tpu.memory_space<hbm>> -> memref<64x128xf32, #tpu.memory_space<hbm>>
      tpu.enqueue_dma source(%arg6 : memref<64x128xf32, #tpu.memory_space<vmem>>) target(%dma_start3A_68 : memref<64x128xf32, #tpu.memory_space<hbm>>) target_semaphore(%run_scoped3A : memref<!tpu.dma_semaphore, #tpu.memory_space<semaphore_mem>>)
      %dma_wait3A_69 = arith.constant 0 : i32
      %dma_wait3A_70 = tpu.memref_slice %arg4[%add3A_16, %dma_wait3A_69] : memref<8192x128xf32, #tpu.memory_space<hbm>> -> memref<64x128xf32, #tpu.memory_space<hbm>>
      %dma_wait3A_71 = arith.constant 0 : i32
      %dma_wait3A_72 = tpu.memref_slice %arg4[%add3A_16, %dma_wait3A_71] : memref<8192x128xf32, #tpu.memory_space<hbm>> -> memref<64x128xf32, #tpu.memory_space<hbm>>
      tpu.wait_dma2 semaphore(%run_scoped3A : memref<!tpu.dma_semaphore, #tpu.memory_space<semaphore_mem>>) src(%arg6 : memref<64x128xf32, #tpu.memory_space<vmem>>) dst(%dma_wait3A_72 : memref<64x128xf32, #tpu.memory_space<hbm>>)
      tpu.yield
    }) : () -> ()
    %dma_start3A_17 = arith.constant 1 : i32
    %dma_start3A_18 = arith.constant 0 : i32
    %dma_start3A_19 = tpu.memref_slice %arg5[%dma_start3A_17, %dma_start3A_18] : memref<4x64xi32, #tpu.memory_space<vmem>> -> memref<1x64xi32, #tpu.memory_space<vmem>>
    %dma_start3A_20 = tpu.memref_squeeze %dma_start3A_19 : memref<1x64xi32, #tpu.memory_space<vmem>> -> memref<64xi32, #tpu.memory_space<vmem>>
    %dma_start3A_21 = arith.constant 0 : i32
    %dma_start3A_22 = arith.constant 0 : i32
    %dma_start3A_23 = tpu.memref_slice %arg2[%dma_start3A_21, %dma_start3A_22] : memref<12288x128xf32, #tpu.memory_space<hbm>> -> memref<12288x128xf32, #tpu.memory_space<hbm>>
    tpu.enqueue_indirect_dma source(%dma_start3A_23 : memref<12288x128xf32, #tpu.memory_space<hbm>>) target(%arg6 : memref<64x128xf32, #tpu.memory_space<vmem>>) offsets(%dma_start3A_20 : memref<64xi32, #tpu.memory_space<vmem>>) semaphore(%arg7 : memref<!tpu.dma_semaphore, #tpu.memory_space<semaphore_mem>>)
    %dma_wait3A_24 = arith.constant 1 : i32
    %dma_wait3A_25 = arith.constant 0 : i32
    %dma_wait3A_26 = tpu.memref_slice %arg5[%dma_wait3A_24, %dma_wait3A_25] : memref<4x64xi32, #tpu.memory_space<vmem>> -> memref<1x64xi32, #tpu.memory_space<vmem>>
    %dma_wait3A_27 = tpu.memref_squeeze %dma_wait3A_26 : memref<1x64xi32, #tpu.memory_space<vmem>> -> memref<64xi32, #tpu.memory_space<vmem>>
    %dma_wait3A_28 = arith.constant 0 : i32
    %dma_wait3A_29 = arith.constant 0 : i32
    %dma_wait3A_30 = tpu.memref_slice %arg2[%dma_wait3A_28, %dma_wait3A_29] : memref<12288x128xf32, #tpu.memory_space<hbm>> -> memref<12288x128xf32, #tpu.memory_space<hbm>>
    tpu.wait_indirect_dma semaphore(%arg7 : memref<!tpu.dma_semaphore, #tpu.memory_space<semaphore_mem>>) src(%dma_wait3A_30 : memref<12288x128xf32, #tpu.memory_space<hbm>>) dst(%arg6 : memref<64x128xf32, #tpu.memory_space<vmem>>)
    %add3A_31 = arith.constant 64 : i32
    %add3A_32 = arith.addi %mul3A_2, %add3A_31 : i32
    "tpu.region"() ({
      %run_scoped3A = tpu.sem_alloc : memref<!tpu.dma_semaphore, #tpu.memory_space<semaphore_mem>>
      %dma_start3A_65 = arith.constant 0 : i32
      %dma_start3A_66 = tpu.memref_slice %arg4[%add3A_32, %dma_start3A_65] : memref<8192x128xf32, #tpu.memory_space<hbm>> -> memref<64x128xf32, #tpu.memory_space<hbm>>
      %dma_start3A_67 = arith.constant 0 : i32
      %dma_start3A_68 = tpu.memref_slice %arg4[%add3A_32, %dma_start3A_67] : memref<8192x128xf32, #tpu.memory_space<hbm>> -> memref<64x128xf32, #tpu.memory_space<hbm>>
      tpu.enqueue_dma source(%arg6 : memref<64x128xf32, #tpu.memory_space<vmem>>) target(%dma_start3A_68 : memref<64x128xf32, #tpu.memory_space<hbm>>) target_semaphore(%run_scoped3A : memref<!tpu.dma_semaphore, #tpu.memory_space<semaphore_mem>>)
      %dma_wait3A_69 = arith.constant 0 : i32
      %dma_wait3A_70 = tpu.memref_slice %arg4[%add3A_32, %dma_wait3A_69] : memref<8192x128xf32, #tpu.memory_space<hbm>> -> memref<64x128xf32, #tpu.memory_space<hbm>>
      %dma_wait3A_71 = arith.constant 0 : i32
      %dma_wait3A_72 = tpu.memref_slice %arg4[%add3A_32, %dma_wait3A_71] : memref<8192x128xf32, #tpu.memory_space<hbm>> -> memref<64x128xf32, #tpu.memory_space<hbm>>
      tpu.wait_dma2 semaphore(%run_scoped3A : memref<!tpu.dma_semaphore, #tpu.memory_space<semaphore_mem>>) src(%arg6 : memref<64x128xf32, #tpu.memory_space<vmem>>) dst(%dma_wait3A_72 : memref<64x128xf32, #tpu.memory_space<hbm>>)
      tpu.yield
    }) : () -> ()
    %dma_start3A_33 = arith.constant 2 : i32
    %dma_start3A_34 = arith.constant 0 : i32
    %dma_start3A_35 = tpu.memref_slice %arg5[%dma_start3A_33, %dma_start3A_34] : memref<4x64xi32, #tpu.memory_space<vmem>> -> memref<1x64xi32, #tpu.memory_space<vmem>>
    %dma_start3A_36 = tpu.memref_squeeze %dma_start3A_35 : memref<1x64xi32, #tpu.memory_space<vmem>> -> memref<64xi32, #tpu.memory_space<vmem>>
    %dma_start3A_37 = arith.constant 0 : i32
    %dma_start3A_38 = arith.constant 0 : i32
    %dma_start3A_39 = tpu.memref_slice %arg2[%dma_start3A_37, %dma_start3A_38] : memref<12288x128xf32, #tpu.memory_space<hbm>> -> memref<12288x128xf32, #tpu.memory_space<hbm>>
    tpu.enqueue_indirect_dma source(%dma_start3A_39 : memref<12288x128xf32, #tpu.memory_space<hbm>>) target(%arg6 : memref<64x128xf32, #tpu.memory_space<vmem>>) offsets(%dma_start3A_36 : memref<64xi32, #tpu.memory_space<vmem>>) semaphore(%arg7 : memref<!tpu.dma_semaphore, #tpu.memory_space<semaphore_mem>>)
    %dma_wait3A_40 = arith.constant 2 : i32
    %dma_wait3A_41 = arith.constant 0 : i32
    %dma_wait3A_42 = tpu.memref_slice %arg5[%dma_wait3A_40, %dma_wait3A_41] : memref<4x64xi32, #tpu.memory_space<vmem>> -> memref<1x64xi32, #tpu.memory_space<vmem>>
    %dma_wait3A_43 = tpu.memref_squeeze %dma_wait3A_42 : memref<1x64xi32, #tpu.memory_space<vmem>> -> memref<64xi32, #tpu.memory_space<vmem>>
    %dma_wait3A_44 = arith.constant 0 : i32
    %dma_wait3A_45 = arith.constant 0 : i32
    %dma_wait3A_46 = tpu.memref_slice %arg2[%dma_wait3A_44, %dma_wait3A_45] : memref<12288x128xf32, #tpu.memory_space<hbm>> -> memref<12288x128xf32, #tpu.memory_space<hbm>>
    tpu.wait_indirect_dma semaphore(%arg7 : memref<!tpu.dma_semaphore, #tpu.memory_space<semaphore_mem>>) src(%dma_wait3A_46 : memref<12288x128xf32, #tpu.memory_space<hbm>>) dst(%arg6 : memref<64x128xf32, #tpu.memory_space<vmem>>)
    %add3A_47 = arith.constant 128 : i32
    %add3A_48 = arith.addi %mul3A_2, %add3A_47 : i32
    "tpu.region"() ({
      %run_scoped3A = tpu.sem_alloc : memref<!tpu.dma_semaphore, #tpu.memory_space<semaphore_mem>>
      %dma_start3A_65 = arith.constant 0 : i32
      %dma_start3A_66 = tpu.memref_slice %arg4[%add3A_48, %dma_start3A_65] : memref<8192x128xf32, #tpu.memory_space<hbm>> -> memref<64x128xf32, #tpu.memory_space<hbm>>
      %dma_start3A_67 = arith.constant 0 : i32
      %dma_start3A_68 = tpu.memref_slice %arg4[%add3A_48, %dma_start3A_67] : memref<8192x128xf32, #tpu.memory_space<hbm>> -> memref<64x128xf32, #tpu.memory_space<hbm>>
      tpu.enqueue_dma source(%arg6 : memref<64x128xf32, #tpu.memory_space<vmem>>) target(%dma_start3A_68 : memref<64x128xf32, #tpu.memory_space<hbm>>) target_semaphore(%run_scoped3A : memref<!tpu.dma_semaphore, #tpu.memory_space<semaphore_mem>>)
      %dma_wait3A_69 = arith.constant 0 : i32
      %dma_wait3A_70 = tpu.memref_slice %arg4[%add3A_48, %dma_wait3A_69] : memref<8192x128xf32, #tpu.memory_space<hbm>> -> memref<64x128xf32, #tpu.memory_space<hbm>>
      %dma_wait3A_71 = arith.constant 0 : i32
      %dma_wait3A_72 = tpu.memref_slice %arg4[%add3A_48, %dma_wait3A_71] : memref<8192x128xf32, #tpu.memory_space<hbm>> -> memref<64x128xf32, #tpu.memory_space<hbm>>
      tpu.wait_dma2 semaphore(%run_scoped3A : memref<!tpu.dma_semaphore, #tpu.memory_space<semaphore_mem>>) src(%arg6 : memref<64x128xf32, #tpu.memory_space<vmem>>) dst(%dma_wait3A_72 : memref<64x128xf32, #tpu.memory_space<hbm>>)
      tpu.yield
    }) : () -> ()
    %dma_start3A_49 = arith.constant 3 : i32
    %dma_start3A_50 = arith.constant 0 : i32
    %dma_start3A_51 = tpu.memref_slice %arg5[%dma_start3A_49, %dma_start3A_50] : memref<4x64xi32, #tpu.memory_space<vmem>> -> memref<1x64xi32, #tpu.memory_space<vmem>>
    %dma_start3A_52 = tpu.memref_squeeze %dma_start3A_51 : memref<1x64xi32, #tpu.memory_space<vmem>> -> memref<64xi32, #tpu.memory_space<vmem>>
    %dma_start3A_53 = arith.constant 0 : i32
    %dma_start3A_54 = arith.constant 0 : i32
    %dma_start3A_55 = tpu.memref_slice %arg2[%dma_start3A_53, %dma_start3A_54] : memref<12288x128xf32, #tpu.memory_space<hbm>> -> memref<12288x128xf32, #tpu.memory_space<hbm>>
    tpu.enqueue_indirect_dma source(%dma_start3A_55 : memref<12288x128xf32, #tpu.memory_space<hbm>>) target(%arg6 : memref<64x128xf32, #tpu.memory_space<vmem>>) offsets(%dma_start3A_52 : memref<64xi32, #tpu.memory_space<vmem>>) semaphore(%arg7 : memref<!tpu.dma_semaphore, #tpu.memory_space<semaphore_mem>>)
    %dma_wait3A_56 = arith.constant 3 : i32
    %dma_wait3A_57 = arith.constant 0 : i32
    %dma_wait3A_58 = tpu.memref_slice %arg5[%dma_wait3A_56, %dma_wait3A_57] : memref<4x64xi32, #tpu.memory_space<vmem>> -> memref<1x64xi32, #tpu.memory_space<vmem>>
    %dma_wait3A_59 = tpu.memref_squeeze %dma_wait3A_58 : memref<1x64xi32, #tpu.memory_space<vmem>> -> memref<64xi32, #tpu.memory_space<vmem>>
    %dma_wait3A_60 = arith.constant 0 : i32
    %dma_wait3A_61 = arith.constant 0 : i32
    %dma_wait3A_62 = tpu.memref_slice %arg2[%dma_wait3A_60, %dma_wait3A_61] : memref<12288x128xf32, #tpu.memory_space<hbm>> -> memref<12288x128xf32, #tpu.memory_space<hbm>>
    tpu.wait_indirect_dma semaphore(%arg7 : memref<!tpu.dma_semaphore, #tpu.memory_space<semaphore_mem>>) src(%dma_wait3A_62 : memref<12288x128xf32, #tpu.memory_space<hbm>>) dst(%arg6 : memref<64x128xf32, #tpu.memory_space<vmem>>)
    %add3A_63 = arith.constant 192 : i32
    %add3A_64 = arith.addi %mul3A_2, %add3A_63 : i32
    "tpu.region"() ({
      %run_scoped3A = tpu.sem_alloc : memref<!tpu.dma_semaphore, #tpu.memory_space<semaphore_mem>>
      %dma_start3A_65 = arith.constant 0 : i32
      %dma_start3A_66 = tpu.memref_slice %arg4[%add3A_64, %dma_start3A_65] : memref<8192x128xf32, #tpu.memory_space<hbm>> -> memref<64x128xf32, #tpu.memory_space<hbm>>
      %dma_start3A_67 = arith.constant 0 : i32
      %dma_start3A_68 = tpu.memref_slice %arg4[%add3A_64, %dma_start3A_67] : memref<8192x128xf32, #tpu.memory_space<hbm>> -> memref<64x128xf32, #tpu.memory_space<hbm>>
      tpu.enqueue_dma source(%arg6 : memref<64x128xf32, #tpu.memory_space<vmem>>) target(%dma_start3A_68 : memref<64x128xf32, #tpu.memory_space<hbm>>) target_semaphore(%run_scoped3A : memref<!tpu.dma_semaphore, #tpu.memory_space<semaphore_mem>>)
      %dma_wait3A_69 = arith.constant 0 : i32
      %dma_wait3A_70 = tpu.memref_slice %arg4[%add3A_64, %dma_wait3A_69] : memref<8192x128xf32, #tpu.memory_space<hbm>> -> memref<64x128xf32, #tpu.memory_space<hbm>>
      %dma_wait3A_71 = arith.constant 0 : i32
      %dma_wait3A_72 = tpu.memref_slice %arg4[%add3A_64, %dma_wait3A_71] : memref<8192x128xf32, #tpu.memory_space<hbm>> -> memref<64x128xf32, #tpu.memory_space<hbm>>
      tpu.wait_dma2 semaphore(%run_scoped3A : memref<!tpu.dma_semaphore, #tpu.memory_space<semaphore_mem>>) src(%arg6 : memref<64x128xf32, #tpu.memory_space<vmem>>) dst(%dma_wait3A_72 : memref<64x128xf32, #tpu.memory_space<hbm>>)
      tpu.yield
    }) : () -> ()
    return
  }
}

module attributes {stable_mosaic.version = 14 : i64} {
  func.func @_gate_kernel(%arg0: i32, %arg1: memref<512x1024xf32, #tpu.memory_space<vmem>>, %arg2: memref<512x768xf32, #tpu.memory_space<vmem>>, %arg3: memref<512x64xf32, #tpu.memory_space<vmem>>, %arg4: memref<1792x928xbf16, #tpu.memory_space<vmem>>, %arg5: memref<64x928xbf16, #tpu.memory_space<vmem>>, %arg6: memref<1x928xf32, #tpu.memory_space<vmem>>, %arg7: memref<1x928xf32, #tpu.memory_space<vmem>>, %arg8: memref<1x928xf32, #tpu.memory_space<vmem>>, %arg9: memref<928x464xbf16, #tpu.memory_space<vmem>>, %arg10: memref<1x464xf32, #tpu.memory_space<vmem>>, %arg11: memref<464x8xbf16, #tpu.memory_space<vmem>>, %arg12: memref<1x8xf32, #tpu.memory_space<vmem>>, %arg13: memref<512x1024xi32, #tpu.memory_space<vmem>>, %arg14: memref<64x128xi32, #tpu.memory_space<vmem>>, %arg15: memref<1x128xi32, #tpu.memory_space<vmem>>, %arg16: memref<512x2xf32, #tpu.memory_space<vmem>>, %arg17: memref<64x128xi32, #tpu.memory_space<vmem>>) attributes {dimension_semantics = [#tpu.dimension_semantics<arbitrary>], iteration_bounds = array<i64: 8>, scalar_prefetch = 0 : i64, scratch_operands = 1 : i64, tpu.core_type = #tpu.core_type<tc>, window_params = [{transform_indices = @transform_0, window_bounds = array<i64: 512, 1024>}, {transform_indices = @transform_1, window_bounds = array<i64: 512, 768>}, {transform_indices = @transform_2, window_bounds = array<i64: 512, 64>}, {pipeline_mode = #tpu.pipeline_mode<synchronous>, transform_indices = @transform_3, window_bounds = array<i64: 1792, 928>}, {pipeline_mode = #tpu.pipeline_mode<synchronous>, transform_indices = @transform_4, window_bounds = array<i64: 64, 928>}, {pipeline_mode = #tpu.pipeline_mode<synchronous>, transform_indices = @transform_5, window_bounds = array<i64: 1, 928>}, {pipeline_mode = #tpu.pipeline_mode<synchronous>, transform_indices = @transform_6, window_bounds = array<i64: 1, 928>}, {pipeline_mode = #tpu.pipeline_mode<synchronous>, transform_indices = @transform_7, window_bounds = array<i64: 1, 928>}, {pipeline_mode = #tpu.pipeline_mode<synchronous>, transform_indices = @transform_8, window_bounds = array<i64: 928, 464>}, {pipeline_mode = #tpu.pipeline_mode<synchronous>, transform_indices = @transform_9, window_bounds = array<i64: 1, 464>}, {pipeline_mode = #tpu.pipeline_mode<synchronous>, transform_indices = @transform_10, window_bounds = array<i64: 464, 8>}, {pipeline_mode = #tpu.pipeline_mode<synchronous>, transform_indices = @transform_11, window_bounds = array<i64: 1, 8>}, {transform_indices = @transform_12, window_bounds = array<i64: 512, 1024>}, {pipeline_mode = #tpu.pipeline_mode<synchronous>, transform_indices = @transform_13, window_bounds = array<i64: 64, 128>}, {pipeline_mode = #tpu.pipeline_mode<synchronous>, transform_indices = @transform_14, window_bounds = array<i64: 1, 128>}, {transform_indices = @transform_15, window_bounds = array<i64: 512, 2>}]} {
    %get3A = arith.constant 0 : index
    %get3A_0 = arith.constant 0 : index
    %get3A_1 = vector.load %arg1[%get3A, %get3A_0] : memref<512x1024xf32, #tpu.memory_space<vmem>>, vector<512x1024xf32>
    %get3A_2 = arith.constant 0 : index
    %get3A_3 = arith.constant 0 : index
    %get3A_4 = vector.load %arg2[%get3A_2, %get3A_3] : memref<512x768xf32, #tpu.memory_space<vmem>>, vector<512x768xf32>
    %get3A_5 = arith.constant 0 : index
    %get3A_6 = arith.constant 0 : index
    %get3A_7 = vector.load %arg3[%get3A_5, %get3A_6] : memref<512x64xf32, #tpu.memory_space<vmem>>, vector<512x64xf32>
    %broadcast_in_dim3A = arith.constant 0.000000e+00 : f32
    %broadcast_in_dim3A_8 = vector.broadcast %broadcast_in_dim3A : f32 to vector<512x192xf32>
    %concatenate3A = tpu.concatenate %get3A_4, %get3A_7, %broadcast_in_dim3A_8 in 1 : vector<512x768xf32>, vector<512x64xf32>, vector<512x192xf32> -> vector<512x1024xf32>
    %bitcast_convert_type3A = tpu.bitcast %concatenate3A : vector<512x1024xf32> -> vector<512x1024xi32>
    %bitcast_convert_type3A_9 = tpu.bitcast %get3A_1 : vector<512x1024xf32> -> vector<512x1024xi32>
    %and3A = arith.constant -65536 : i32
    %and3A_10 = vector.broadcast %and3A : i32 to vector<512x1024xi32>
    %and3A_11 = arith.andi %bitcast_convert_type3A, %and3A_10 : vector<512x1024xi32>
    %shift_right_logical3A = arith.constant 16 : i32
    %shift_right_logical3A_12 = vector.broadcast %shift_right_logical3A : i32 to vector<512x1024xi32>
    %shift_right_logical3A_13 = arith.shrui %bitcast_convert_type3A_9, %shift_right_logical3A_12 : vector<512x1024xi32>
    %or3A = arith.ori %and3A_11, %shift_right_logical3A_13 : vector<512x1024xi32>
    %bitcast_convert_type3A_14 = tpu.bitcast %or3A : vector<512x1024xi32> -> vector<512x1024xi32>
    %swap3A = arith.constant 0 : index
    %swap3A_15 = arith.constant 0 : index
    %swap3A_16 = vector.load %arg13[%swap3A, %swap3A_15] : memref<512x1024xi32, #tpu.memory_space<vmem>>, vector<512x1024xi32>
    tpu.vector_store %arg13[%swap3A, %swap3A_15], %bitcast_convert_type3A_14 {strides = array<i32>} : memref<512x1024xi32, #tpu.memory_space<vmem>>, vector<512x1024xi32>,
    %concatenate3A_17 = tpu.concatenate %get3A_1, %get3A_4 in 1 : vector<512x1024xf32>, vector<512x768xf32> -> vector<512x1792xf32>
    %convert_element_type3A = arith.truncf %concatenate3A_17 : vector<512x1792xf32> to vector<512x1792xbf16>
    %get3A_18 = arith.constant 0 : index
    %get3A_19 = arith.constant 0 : index
    %get3A_20 = vector.load %arg4[%get3A_18, %get3A_19] : memref<1792x928xbf16, #tpu.memory_space<vmem>>, vector<1792x928xbf16>
    %dot_general3A = arith.constant dense<0.000000e+00> : vector<512x928xf32>
    %dot_general3A_21 = tpu.matmul %convert_element_type3A, %get3A_20, %dot_general3A {dimension_numbers = #tpu.dot_dimension_numbers<[1], [0], [0], [1], [0, 0, 1, 1], [], []>, transpose_lhs_hint = false} : vector<512x1792xbf16>, vector<1792x928xbf16>, vector<512x928xf32> -> vector<512x928xf32>
    %convert_element_type3A_22 = arith.truncf %get3A_7 : vector<512x64xf32> to vector<512x64xbf16>
    %get3A_23 = arith.constant 0 : index
    %get3A_24 = arith.constant 0 : index
    %get3A_25 = vector.load %arg5[%get3A_23, %get3A_24] : memref<64x928xbf16, #tpu.memory_space<vmem>>, vector<64x928xbf16>
    %dot_general3A_26 = arith.constant dense<0.000000e+00> : vector<512x928xf32>
    %dot_general3A_27 = tpu.matmul %convert_element_type3A_22, %get3A_25, %dot_general3A_26 {dimension_numbers = #tpu.dot_dimension_numbers<[1], [0], [0], [1], [0, 0, 1, 1], [], []>, transpose_lhs_hint = false} : vector<512x64xbf16>, vector<64x928xbf16>, vector<512x928xf32> -> vector<512x928xf32>
    %add3A = arith.addf %dot_general3A_21, %dot_general3A_27 : vector<512x928xf32>
    %get3A_28 = arith.constant 0 : index
    %get3A_29 = arith.constant 0 : index
    %get3A_30 = vector.load %arg6[%get3A_28, %get3A_29] : memref<1x928xf32, #tpu.memory_space<vmem>>, vector<1x928xf32>
    %add3A_31 = vector.broadcast %get3A_30 : vector<1x928xf32> to vector<512x928xf32>
    %add3A_32 = arith.addf %add3A, %add3A_31 : vector<512x928xf32>
    %get3A_33 = arith.constant 0 : index
    %get3A_34 = arith.constant 0 : index
    %get3A_35 = vector.load %arg7[%get3A_33, %get3A_34] : memref<1x928xf32, #tpu.memory_space<vmem>>, vector<1x928xf32>
    %get3A_36 = arith.constant 0 : index
    %get3A_37 = arith.constant 0 : index
    %get3A_38 = vector.load %arg8[%get3A_36, %get3A_37] : memref<1x928xf32, #tpu.memory_space<vmem>>, vector<1x928xf32>
    %reduce_sum3A = arith.constant dense<0.000000e+00> : vector<512xf32>
    %reduce_sum3A_39 = vector.multi_reduction <add>, %add3A_32, %reduce_sum3A [1] : vector<512x928xf32> to vector<512xf32>
    %broadcast_in_dim3A_40 = vector.shape_cast %reduce_sum3A_39 : vector<512xf32> to vector<512x1xf32>
    %div3A = arith.constant 9.280000e+02 : f32
    %div3A_41 = vector.broadcast %div3A : f32 to vector<512x1xf32>
    %div3A_42 = arith.divf %broadcast_in_dim3A_40, %div3A_41 : vector<512x1xf32>
    %sub3A = vector.broadcast %div3A_42 : vector<512x1xf32> to vector<512x928xf32>
    %sub3A_43 = arith.subf %add3A_32, %sub3A : vector<512x928xf32>
    %integer_pow3A = arith.mulf %sub3A_43, %sub3A_43 : vector<512x928xf32>
    %reduce_sum3A_44 = arith.constant dense<0.000000e+00> : vector<512xf32>
    %reduce_sum3A_45 = vector.multi_reduction <add>, %integer_pow3A, %reduce_sum3A_44 [1] : vector<512x928xf32> to vector<512xf32>
    %broadcast_in_dim3A_46 = vector.shape_cast %reduce_sum3A_45 : vector<512xf32> to vector<512x1xf32>
    %div3A_47 = arith.constant 9.280000e+02 : f32
    %div3A_48 = vector.broadcast %div3A_47 : f32 to vector<512x1xf32>
    %div3A_49 = arith.divf %broadcast_in_dim3A_46, %div3A_48 : vector<512x1xf32>
    %sub3A_50 = vector.broadcast %div3A_42 : vector<512x1xf32> to vector<512x928xf32>
    %sub3A_51 = arith.subf %add3A_32, %sub3A_50 : vector<512x928xf32>
    %add3A_52 = arith.constant 9.99999974E-6 : f32
    %add3A_53 = vector.broadcast %add3A_52 : f32 to vector<512x1xf32>
    %add3A_54 = arith.addf %div3A_49, %add3A_53 : vector<512x1xf32>
    %sqrt3A = math.sqrt %add3A_54 : vector<512x1xf32>
    %div3A_55 = vector.broadcast %sqrt3A : vector<512x1xf32> to vector<512x928xf32>
    %div3A_56 = arith.divf %sub3A_51, %div3A_55 : vector<512x928xf32>
    %mul3A = vector.broadcast %get3A_35 : vector<1x928xf32> to vector<512x928xf32>
    %mul3A_57 = arith.mulf %div3A_56, %mul3A : vector<512x928xf32>
    %add3A_58 = vector.broadcast %get3A_38 : vector<1x928xf32> to vector<512x928xf32>
    %add3A_59 = arith.addf %mul3A_57, %add3A_58 : vector<512x928xf32>
    %max3A = arith.constant 0.000000e+00 : f32
    %max3A_60 = vector.broadcast %max3A : f32 to vector<512x928xf32>
    %max3A_61 = arith.maximumf %add3A_59, %max3A_60 : vector<512x928xf32>
    %convert_element_type3A_62 = arith.truncf %max3A_61 : vector<512x928xf32> to vector<512x928xbf16>
    %get3A_63 = arith.constant 0 : index
    %get3A_64 = arith.constant 0 : index
    %get3A_65 = vector.load %arg9[%get3A_63, %get3A_64] : memref<928x464xbf16, #tpu.memory_space<vmem>>, vector<928x464xbf16>
    %dot_general3A_66 = arith.constant dense<0.000000e+00> : vector<512x464xf32>
    %dot_general3A_67 = tpu.matmul %convert_element_type3A_62, %get3A_65, %dot_general3A_66 {dimension_numbers = #tpu.dot_dimension_numbers<[1], [0], [0], [1], [0, 0, 1, 1], [], []>, transpose_lhs_hint = false} : vector<512x928xbf16>, vector<928x464xbf16>, vector<512x464xf32> -> vector<512x464xf32>
    %get3A_68 = arith.constant 0 : index
    %get3A_69 = arith.constant 0 : index
    %get3A_70 = vector.load %arg10[%get3A_68, %get3A_69] : memref<1x464xf32, #tpu.memory_space<vmem>>, vector<1x464xf32>
    %add3A_71 = vector.broadcast %get3A_70 : vector<1x464xf32> to vector<512x464xf32>
    %add3A_72 = arith.addf %dot_general3A_67, %add3A_71 : vector<512x464xf32>
    %max3A_73 = arith.constant 0.000000e+00 : f32
    %max3A_74 = vector.broadcast %max3A_73 : f32 to vector<512x464xf32>
    %max3A_75 = arith.maximumf %add3A_72, %max3A_74 : vector<512x464xf32>
    %convert_element_type3A_76 = arith.truncf %max3A_75 : vector<512x464xf32> to vector<512x464xbf16>
    %get3A_77 = arith.constant 0 : index
    %get3A_78 = arith.constant 0 : index
    %get3A_79 = vector.load %arg11[%get3A_77, %get3A_78] : memref<464x8xbf16, #tpu.memory_space<vmem>>, vector<464x8xbf16>
    %dot_general3A_80 = arith.constant dense<0.000000e+00> : vector<512x8xf32>
    %dot_general3A_81 = tpu.matmul %convert_element_type3A_76, %get3A_79, %dot_general3A_80 {dimension_numbers = #tpu.dot_dimension_numbers<[1], [0], [0], [1], [0, 0, 1, 1], [], []>, transpose_lhs_hint = false} : vector<512x464xbf16>, vector<464x8xbf16>, vector<512x8xf32> -> vector<512x8xf32>
    %get3A_82 = arith.constant 0 : index
    %get3A_83 = arith.constant 0 : index
    %get3A_84 = vector.load %arg12[%get3A_82, %get3A_83] : memref<1x8xf32, #tpu.memory_space<vmem>>, vector<1x8xf32>
    %add3A_85 = vector.broadcast %get3A_84 : vector<1x8xf32> to vector<512x8xf32>
    %add3A_86 = arith.addf %dot_general3A_81, %add3A_85 : vector<512x8xf32>
    %reduce_max3A = arith.constant dense<0xFF800000> : vector<512xf32>
    %reduce_max3A_87 = vector.multi_reduction <maximumf>, %add3A_86, %reduce_max3A [1] : vector<512x8xf32> to vector<512xf32>
    %max3A_88 = arith.constant 0xFF800000 : f32
    %max3A_89 = vector.broadcast %max3A_88 : f32 to vector<512xf32>
    %max3A_90 = arith.maximumf %max3A_89, %reduce_max3A_87 : vector<512xf32>
    %broadcast_in_dim3A_91 = vector.shape_cast %max3A_90 : vector<512xf32> to vector<512x1xf32>
    %sub3A_92 = vector.broadcast %broadcast_in_dim3A_91 : vector<512x1xf32> to vector<512x8xf32>
    %sub3A_93 = arith.subf %add3A_86, %sub3A_92 : vector<512x8xf32>
    %exp3A = math.exp %sub3A_93 : vector<512x8xf32>
    %reduce_sum3A_94 = arith.constant dense<0.000000e+00> : vector<512xf32>
    %reduce_sum3A_95 = vector.multi_reduction <add>, %exp3A, %reduce_sum3A_94 [1] : vector<512x8xf32> to vector<512xf32>
    %broadcast_in_dim3A_96 = vector.shape_cast %reduce_sum3A_95 : vector<512xf32> to vector<512x1xf32>
    %div3A_97 = vector.broadcast %broadcast_in_dim3A_96 : vector<512x1xf32> to vector<512x8xf32>
    %div3A_98 = arith.divf %exp3A, %div3A_97 : vector<512x8xf32>
    %iota3A = tpu.iota {dimensions = array<i32: 1>} : vector<512x8xi32>
    %argmax3A = tpu.reduce_index %div3A_98 {axis = 1 : i32, kind = #tpu.reduction_kind<arg_max>} : vector<512x8xf32> -> vector<512xi32>
    %reduce_max3A_99 = arith.constant dense<0xFF800000> : vector<512xf32>
    %reduce_max3A_100 = vector.multi_reduction <maximumf>, %div3A_98, %reduce_max3A_99 [1] : vector<512x8xf32> to vector<512xf32>
    %broadcast_in_dim3A_101 = vector.shape_cast %argmax3A : vector<512xi32> to vector<512x1xi32>
    %eq3A = vector.broadcast %broadcast_in_dim3A_101 : vector<512x1xi32> to vector<512x8xi32>
    %eq3A_102 = arith.cmpi eq, %iota3A, %eq3A : vector<512x8xi32>
    %jit3A = arith.constant 0xFF800000 : f32
    %broadcast_in_dim3A_103 = vector.broadcast %jit3A : f32 to vector<512x8xf32>
    %select_n3A = arith.select %eq3A_102, %broadcast_in_dim3A_103, %div3A_98 : vector<512x8xi1>, vector<512x8xf32>
    %argmax3A_104 = tpu.reduce_index %select_n3A {axis = 1 : i32, kind = #tpu.reduction_kind<arg_max>} : vector<512x8xf32> -> vector<512xi32>
    %reduce_max3A_105 = arith.constant dense<0xFF800000> : vector<512xf32>
    %reduce_max3A_106 = vector.multi_reduction <maximumf>, %select_n3A, %reduce_max3A_105 [1] : vector<512x8xf32> to vector<512xf32>
    %add3A_107 = arith.addf %reduce_max3A_100, %reduce_max3A_106 : vector<512xf32>
    %add3A_108 = arith.constant 9.99999993E-9 : f32
    %add3A_109 = vector.broadcast %add3A_108 : f32 to vector<512xf32>
    %add3A_110 = arith.addf %add3A_107, %add3A_109 : vector<512xf32>
    %div3A_111 = arith.divf %reduce_max3A_100, %add3A_110 : vector<512xf32>
    %div3A_112 = arith.divf %reduce_max3A_106, %add3A_110 : vector<512xf32>
    %stack3A = vector.shape_cast %div3A_111 : vector<512xf32> to vector<512x1xf32>
    %stack3A_113 = vector.shape_cast %div3A_112 : vector<512xf32> to vector<512x1xf32>
    %stack3A_114 = tpu.concatenate %stack3A, %stack3A_113 in 1 : vector<512x1xf32>, vector<512x1xf32> -> vector<512x2xf32>
    %swap3A_115 = arith.constant 0 : index
    %swap3A_116 = arith.constant 0 : index
    %swap3A_117 = vector.load %arg16[%swap3A_115, %swap3A_116] : memref<512x2xf32, #tpu.memory_space<vmem>>, vector<512x2xf32>
    tpu.vector_store %arg16[%swap3A_115, %swap3A_116], %stack3A_114 {strides = array<i32>} : memref<512x2xf32, #tpu.memory_space<vmem>>, vector<512x2xf32>,
    %reshape3A = vector.shape_cast %argmax3A : vector<512xi32> to vector<4x128xi32>
    %mul3A_118 = arith.constant 4 : i32
    %mul3A_119 = arith.muli %arg0, %mul3A_118 : i32
    %swap3A_120 = arith.index_cast %mul3A_119 : i32 to index
    %swap3A_121 = arith.constant 0 : index
    %swap3A_122 = vector.load %arg17[%swap3A_120, %swap3A_121] : memref<64x128xi32, #tpu.memory_space<vmem>>, vector<4x128xi32>
    tpu.vector_store %arg17[%swap3A_120, %swap3A_121], %reshape3A {strides = array<i32>} : memref<64x128xi32, #tpu.memory_space<vmem>>, vector<4x128xi32>,
    %reshape3A_123 = vector.shape_cast %argmax3A_104 : vector<512xi32> to vector<4x128xi32>
    %mul3A_124 = arith.constant 4 : i32
    %mul3A_125 = arith.muli %arg0, %mul3A_124 : i32
    %add3A_126 = arith.constant 32 : i32
    %add3A_127 = arith.addi %add3A_126, %mul3A_125 : i32
    %swap3A_128 = arith.index_cast %add3A_127 : i32 to index
    %swap3A_129 = arith.constant 0 : index
    %swap3A_130 = vector.load %arg17[%swap3A_128, %swap3A_129] : memref<64x128xi32, #tpu.memory_space<vmem>>, vector<4x128xi32>
    tpu.vector_store %arg17[%swap3A_128, %swap3A_129], %reshape3A_123 {strides = array<i32>} : memref<64x128xi32, #tpu.memory_space<vmem>>, vector<4x128xi32>,
    %eq3A_131 = arith.constant 7 : i32
    %eq3A_132 = arith.cmpi eq, %arg0, %eq3A_131 : i32
    %convert_element_type3A_133 = arith.extui %eq3A_132 : i1 to i32
    %cond3A = arith.constant 0 : i32
    %cond3A_134 = arith.cmpi ne, %convert_element_type3A_133, %cond3A : i32
    scf.if %cond3A_134 {
      %get3A_135 = arith.constant 0 : index
      %get3A_136 = arith.constant 0 : index
      %get3A_137 = vector.load %arg17[%get3A_135, %get3A_136] : memref<64x128xi32, #tpu.memory_space<vmem>>, vector<64x128xi32>
      %iota3A_138 = tpu.iota {dimensions = array<i32: 0>} : vector<128x128xi32>
      %iota3A_139 = tpu.iota {dimensions = array<i32: 1>} : vector<128x128xi32>
      %lt3A = arith.cmpi slt, %iota3A_138, %iota3A_139 : vector<128x128xi32>
      %convert_element_type3A_140 = arith.extui %lt3A : vector<128x128xi1> to vector<128x128xi32>
      %convert_element_type3A_141 = arith.sitofp %convert_element_type3A_140 : vector<128x128xi32> to vector<128x128xf32>
      %convert_element_type3A_142 = arith.truncf %convert_element_type3A_141 : vector<128x128xf32> to vector<128x128xbf16>
      %iota3A_143 = tpu.iota {dimensions = array<i32: 1>} : vector<64x64xi32>
      %iota3A_144 = tpu.iota {dimensions = array<i32: 0>} : vector<64x64xi32>
      %lt3A_145 = arith.cmpi slt, %iota3A_143, %iota3A_144 : vector<64x64xi32>
      %convert_element_type3A_146 = arith.extui %lt3A_145 : vector<64x64xi1> to vector<64x64xi32>
      %convert_element_type3A_147 = arith.sitofp %convert_element_type3A_146 : vector<64x64xi32> to vector<64x64xf32>
      %convert_element_type3A_148 = arith.truncf %convert_element_type3A_147 : vector<64x64xf32> to vector<64x64xbf16>
      %broadcast_in_dim3A_149 = arith.constant 0.000000e+00 : f32
      %broadcast_in_dim3A_150 = vector.broadcast %broadcast_in_dim3A_149 : f32 to vector<64x128xf32>
      %eq3A_151 = arith.constant 0 : i32
      %eq3A_152 = vector.broadcast %eq3A_151 : i32 to vector<64x128xi32>
      %eq3A_153 = arith.cmpi eq, %get3A_137, %eq3A_152 : vector<64x128xi32>
      %convert_element_type3A_154 = arith.extui %eq3A_153 : vector<64x128xi1> to vector<64x128xi32>
      %convert_element_type3A_155 = arith.sitofp %convert_element_type3A_154 : vector<64x128xi32> to vector<64x128xf32>
      %convert_element_type3A_156 = arith.truncf %convert_element_type3A_155 : vector<64x128xf32> to vector<64x128xbf16>
      %dot_general3A_157 = arith.constant dense<0.000000e+00> : vector<64x128xf32>
      %dot_general3A_158 = tpu.matmul %convert_element_type3A_156, %convert_element_type3A_142, %dot_general3A_157 {dimension_numbers = #tpu.dot_dimension_numbers<[1], [0], [0], [1], [0, 0, 1, 1], [], []>, transpose_lhs_hint = false} : vector<64x128xbf16>, vector<128x128xbf16>, vector<64x128xf32> -> vector<64x128xf32>
      %slice3A = vector.extract_strided_slice %dot_general3A_158 {offsets = [0, 127], sizes = [64, 1], strides = [1, 1]} : vector<64x128xf32> to vector<64x1xf32>
      %convert_element_type3A_159 = arith.extui %eq3A_153 : vector<64x128xi1> to vector<64x128xi32>
      %convert_element_type3A_160 = arith.sitofp %convert_element_type3A_159 : vector<64x128xi32> to vector<64x128xf32>
      %slice3A_161 = vector.extract_strided_slice %convert_element_type3A_160 {offsets = [0, 127], sizes = [64, 1], strides = [1, 1]} : vector<64x128xf32> to vector<64x1xf32>
      %add3A_162 = arith.addf %slice3A, %slice3A_161 : vector<64x1xf32>
      %convert_element_type3A_163 = arith.truncf %add3A_162 : vector<64x1xf32> to vector<64x1xbf16>
      %dot_general3A_164 = arith.constant dense<0.000000e+00> : vector<64x1xf32>
      %dot_general3A_165 = tpu.matmul %convert_element_type3A_148, %convert_element_type3A_163, %dot_general3A_164 {dimension_numbers = #tpu.dot_dimension_numbers<[1], [0], [0], [1], [0, 0, 1, 1], [], []>, transpose_lhs_hint = false} : vector<64x64xbf16>, vector<64x1xbf16>, vector<64x1xf32> -> vector<64x1xf32>
      %add3A_166 = vector.broadcast %dot_general3A_165 : vector<64x1xf32> to vector<64x128xf32>
      %add3A_167 = arith.addf %dot_general3A_158, %add3A_166 : vector<64x128xf32>
      %add3A_168 = arith.constant 0.000000e+00 : f32
      %add3A_169 = vector.broadcast %add3A_168 : f32 to vector<64x128xf32>
      %add3A_170 = arith.addf %add3A_169, %add3A_167 : vector<64x128xf32>
      %jit3A_171 = arith.constant 0.000000e+00 : f32
      %broadcast_in_dim3A_172 = vector.broadcast %jit3A_171 : f32 to vector<64x128xf32>
      %select_n3A_173 = arith.select %eq3A_153, %add3A_170, %broadcast_in_dim3A_172 : vector<64x128xi1>, vector<64x128xf32>
      %add3A_174 = arith.addf %broadcast_in_dim3A_150, %select_n3A_173 : vector<64x128xf32>
      %convert_element_type3A_175 = arith.extui %eq3A_153 : vector<64x128xi1> to vector<64x128xi32>
      %convert_element_type3A_176 = arith.sitofp %convert_element_type3A_175 : vector<64x128xi32> to vector<64x128xf32>
      %reduce_sum3A_177 = vector.shape_cast %convert_element_type3A_176 : vector<64x128xf32> to vector<1x64x128xf32>
      %reduce_sum3A_178 = arith.constant dense<0.000000e+00> : vector<1xf32>
      %reduce_sum3A_179 = vector.multi_reduction <add>, %reduce_sum3A_177, %reduce_sum3A_178 [1, 2] : vector<1x64x128xf32> to vector<1xf32>
      %reduce_sum3A_180 = vector.shape_cast %reduce_sum3A_179 : vector<1xf32> to vector<1x1x1xf32>
      %reduce_sum3A_181 = vector.extract %reduce_sum3A_180[0, 0, 0] : f32 from vector<1x1x1xf32>
      %convert_element_type3A_182 = arith.fptosi %reduce_sum3A_181 : f32 to i32
      %add3A_183 = arith.constant 512 : i32
      %add3A_184 = arith.addi %convert_element_type3A_182, %add3A_183 : i32
      %sub3A_185 = arith.constant 1 : i32
      %sub3A_186 = arith.subi %add3A_184, %sub3A_185 : i32
      %jit3A_187 = arith.constant 512 : i32
      %div3A_188 = arith.divsi %sub3A_186, %jit3A_187 : i32
      %sign3A = arith.constant 0 : i32
      %sign3A_189 = arith.cmpi sgt, %sub3A_186, %sign3A : i32
      %sign3A_190 = arith.extui %sign3A_189 : i1 to i32
      %sign3A_191 = arith.constant 0 : i32
      %sign3A_192 = arith.cmpi slt, %sub3A_186, %sign3A_191 : i32
      %sign3A_193 = arith.extui %sign3A_192 : i1 to i32
      %sign3A_194 = arith.subi %sign3A_190, %sign3A_193 : i32
      %sign3A_195 = arith.constant 0 : i32
      %sign3A_196 = arith.cmpi sgt, %jit3A_187, %sign3A_195 : i32
      %sign3A_197 = arith.extui %sign3A_196 : i1 to i32
      %sign3A_198 = arith.constant 0 : i32
      %sign3A_199 = arith.cmpi slt, %jit3A_187, %sign3A_198 : i32
      %sign3A_200 = arith.extui %sign3A_199 : i1 to i32
      %sign3A_201 = arith.subi %sign3A_197, %sign3A_200 : i32
      %ne3A = arith.cmpi ne, %sign3A_194, %sign3A_201 : i32
      %rem3A = arith.remsi %sub3A_186, %jit3A_187 : i32
      %ne3A_202 = arith.constant 0 : i32
      %ne3A_203 = arith.cmpi ne, %rem3A, %ne3A_202 : i32
      %and3A_204 = arith.andi %ne3A, %ne3A_203 : i1
      %sub3A_205 = arith.constant 1 : i32
      %sub3A_206 = arith.subi %div3A_188, %sub3A_205 : i32
      %select_n3A_207 = arith.select %and3A_204, %sub3A_206, %div3A_188 : i32
      %mul3A_208 = arith.constant 512 : i32
      %mul3A_209 = arith.muli %select_n3A_207, %mul3A_208 : i32
      %add3A_210 = arith.constant 0 : i32
      %add3A_211 = arith.addi %add3A_210, %mul3A_209 : i32
      %eq3A_212 = arith.constant 1 : i32
      %eq3A_213 = vector.broadcast %eq3A_212 : i32 to vector<64x128xi32>
      %eq3A_214 = arith.cmpi eq, %get3A_137, %eq3A_213 : vector<64x128xi32>
      %convert_element_type3A_215 = arith.extui %eq3A_214 : vector<64x128xi1> to vector<64x128xi32>
      %convert_element_type3A_216 = arith.sitofp %convert_element_type3A_215 : vector<64x128xi32> to vector<64x128xf32>
      %convert_element_type3A_217 = arith.truncf %convert_element_type3A_216 : vector<64x128xf32> to vector<64x128xbf16>
      %dot_general3A_218 = arith.constant dense<0.000000e+00> : vector<64x128xf32>
      %dot_general3A_219 = tpu.matmul %convert_element_type3A_217, %convert_element_type3A_142, %dot_general3A_218 {dimension_numbers = #tpu.dot_dimension_numbers<[1], [0], [0], [1], [0, 0, 1, 1], [], []>, transpose_lhs_hint = false} : vector<64x128xbf16>, vector<128x128xbf16>, vector<64x128xf32> -> vector<64x128xf32>
      %slice3A_220 = vector.extract_strided_slice %dot_general3A_219 {offsets = [0, 127], sizes = [64, 1], strides = [1, 1]} : vector<64x128xf32> to vector<64x1xf32>
      %convert_element_type3A_221 = arith.extui %eq3A_214 : vector<64x128xi1> to vector<64x128xi32>
      %convert_element_type3A_222 = arith.sitofp %convert_element_type3A_221 : vector<64x128xi32> to vector<64x128xf32>
      %slice3A_223 = vector.extract_strided_slice %convert_element_type3A_222 {offsets = [0, 127], sizes = [64, 1], strides = [1, 1]} : vector<64x128xf32> to vector<64x1xf32>
      %add3A_224 = arith.addf %slice3A_220, %slice3A_223 : vector<64x1xf32>
      %convert_element_type3A_225 = arith.truncf %add3A_224 : vector<64x1xf32> to vector<64x1xbf16>
      %dot_general3A_226 = arith.constant dense<0.000000e+00> : vector<64x1xf32>
      %dot_general3A_227 = tpu.matmul %convert_element_type3A_148, %convert_element_type3A_225, %dot_general3A_226 {dimension_numbers = #tpu.dot_dimension_numbers<[1], [0], [0], [1], [0, 0, 1, 1], [], []>, transpose_lhs_hint = false} : vector<64x64xbf16>, vector<64x1xbf16>, vector<64x1xf32> -> vector<64x1xf32>
      %add3A_228 = vector.broadcast %dot_general3A_227 : vector<64x1xf32> to vector<64x128xf32>
      %add3A_229 = arith.addf %dot_general3A_219, %add3A_228 : vector<64x128xf32>
      %convert_element_type3A_230 = arith.sitofp %add3A_211 : i32 to f32
      %add3A_231 = vector.broadcast %convert_element_type3A_230 : f32 to vector<64x128xf32>
      %add3A_232 = arith.addf %add3A_231, %add3A_229 : vector<64x128xf32>
      %jit3A_233 = arith.constant 0.000000e+00 : f32
      %broadcast_in_dim3A_234 = vector.broadcast %jit3A_233 : f32 to vector<64x128xf32>
      %select_n3A_235 = arith.select %eq3A_214, %add3A_232, %broadcast_in_dim3A_234 : vector<64x128xi1>, vector<64x128xf32>
      %add3A_236 = arith.addf %add3A_174, %select_n3A_235 : vector<64x128xf32>
      %convert_element_type3A_237 = arith.extui %eq3A_214 : vector<64x128xi1> to vector<64x128xi32>
      %convert_element_type3A_238 = arith.sitofp %convert_element_type3A_237 : vector<64x128xi32> to vector<64x128xf32>
      %reduce_sum3A_239 = vector.shape_cast %convert_element_type3A_238 : vector<64x128xf32> to vector<1x64x128xf32>
      %reduce_sum3A_240 = arith.constant dense<0.000000e+00> : vector<1xf32>
      %reduce_sum3A_241 = vector.multi_reduction <add>, %reduce_sum3A_239, %reduce_sum3A_240 [1, 2] : vector<1x64x128xf32> to vector<1xf32>
      %reduce_sum3A_242 = vector.shape_cast %reduce_sum3A_241 : vector<1xf32> to vector<1x1x1xf32>
      %reduce_sum3A_243 = vector.extract %reduce_sum3A_242[0, 0, 0] : f32 from vector<1x1x1xf32>
      %convert_element_type3A_244 = arith.fptosi %reduce_sum3A_243 : f32 to i32
      %add3A_245 = arith.constant 512 : i32
      %add3A_246 = arith.addi %convert_element_type3A_244, %add3A_245 : i32
      %sub3A_247 = arith.constant 1 : i32
      %sub3A_248 = arith.subi %add3A_246, %sub3A_247 : i32
      %jit3A_249 = arith.constant 512 : i32
      %div3A_250 = arith.divsi %sub3A_248, %jit3A_249 : i32
      %sign3A_251 = arith.constant 0 : i32
      %sign3A_252 = arith.cmpi sgt, %sub3A_248, %sign3A_251 : i32
      %sign3A_253 = arith.extui %sign3A_252 : i1 to i32
      %sign3A_254 = arith.constant 0 : i32
      %sign3A_255 = arith.cmpi slt, %sub3A_248, %sign3A_254 : i32
      %sign3A_256 = arith.extui %sign3A_255 : i1 to i32
      %sign3A_257 = arith.subi %sign3A_253, %sign3A_256 : i32
      %sign3A_258 = arith.constant 0 : i32
      %sign3A_259 = arith.cmpi sgt, %jit3A_249, %sign3A_258 : i32
      %sign3A_260 = arith.extui %sign3A_259 : i1 to i32
      %sign3A_261 = arith.constant 0 : i32
      %sign3A_262 = arith.cmpi slt, %jit3A_249, %sign3A_261 : i32
      %sign3A_263 = arith.extui %sign3A_262 : i1 to i32
      %sign3A_264 = arith.subi %sign3A_260, %sign3A_263 : i32
      %ne3A_265 = arith.cmpi ne, %sign3A_257, %sign3A_264 : i32
      %rem3A_266 = arith.remsi %sub3A_248, %jit3A_249 : i32
      %ne3A_267 = arith.constant 0 : i32
      %ne3A_268 = arith.cmpi ne, %rem3A_266, %ne3A_267 : i32
      %and3A_269 = arith.andi %ne3A_265, %ne3A_268 : i1
      %sub3A_270 = arith.constant 1 : i32
      %sub3A_271 = arith.subi %div3A_250, %sub3A_270 : i32
      %select_n3A_272 = arith.select %and3A_269, %sub3A_271, %div3A_250 : i32
      %mul3A_273 = arith.constant 512 : i32
      %mul3A_274 = arith.muli %select_n3A_272, %mul3A_273 : i32
      %add3A_275 = arith.addi %add3A_211, %mul3A_274 : i32
      %eq3A_276 = arith.constant 2 : i32
      %eq3A_277 = vector.broadcast %eq3A_276 : i32 to vector<64x128xi32>
      %eq3A_278 = arith.cmpi eq, %get3A_137, %eq3A_277 : vector<64x128xi32>
      %convert_element_type3A_279 = arith.extui %eq3A_278 : vector<64x128xi1> to vector<64x128xi32>
      %convert_element_type3A_280 = arith.sitofp %convert_element_type3A_279 : vector<64x128xi32> to vector<64x128xf32>
      %convert_element_type3A_281 = arith.truncf %convert_element_type3A_280 : vector<64x128xf32> to vector<64x128xbf16>
      %dot_general3A_282 = arith.constant dense<0.000000e+00> : vector<64x128xf32>
      %dot_general3A_283 = tpu.matmul %convert_element_type3A_281, %convert_element_type3A_142, %dot_general3A_282 {dimension_numbers = #tpu.dot_dimension_numbers<[1], [0], [0], [1], [0, 0, 1, 1], [], []>, transpose_lhs_hint = false} : vector<64x128xbf16>, vector<128x128xbf16>, vector<64x128xf32> -> vector<64x128xf32>
      %slice3A_284 = vector.extract_strided_slice %dot_general3A_283 {offsets = [0, 127], sizes = [64, 1], strides = [1, 1]} : vector<64x128xf32> to vector<64x1xf32>
      %convert_element_type3A_285 = arith.extui %eq3A_278 : vector<64x128xi1> to vector<64x128xi32>
      %convert_element_type3A_286 = arith.sitofp %convert_element_type3A_285 : vector<64x128xi32> to vector<64x128xf32>
      %slice3A_287 = vector.extract_strided_slice %convert_element_type3A_286 {offsets = [0, 127], sizes = [64, 1], strides = [1, 1]} : vector<64x128xf32> to vector<64x1xf32>
      %add3A_288 = arith.addf %slice3A_284, %slice3A_287 : vector<64x1xf32>
      %convert_element_type3A_289 = arith.truncf %add3A_288 : vector<64x1xf32> to vector<64x1xbf16>
      %dot_general3A_290 = arith.constant dense<0.000000e+00> : vector<64x1xf32>
      %dot_general3A_291 = tpu.matmul %convert_element_type3A_148, %convert_element_type3A_289, %dot_general3A_290 {dimension_numbers = #tpu.dot_dimension_numbers<[1], [0], [0], [1], [0, 0, 1, 1], [], []>, transpose_lhs_hint = false} : vector<64x64xbf16>, vector<64x1xbf16>, vector<64x1xf32> -> vector<64x1xf32>
      %add3A_292 = vector.broadcast %dot_general3A_291 : vector<64x1xf32> to vector<64x128xf32>
      %add3A_293 = arith.addf %dot_general3A_283, %add3A_292 : vector<64x128xf32>
      %convert_element_type3A_294 = arith.sitofp %add3A_275 : i32 to f32
      %add3A_295 = vector.broadcast %convert_element_type3A_294 : f32 to vector<64x128xf32>
      %add3A_296 = arith.addf %add3A_295, %add3A_293 : vector<64x128xf32>
      %jit3A_297 = arith.constant 0.000000e+00 : f32
      %broadcast_in_dim3A_298 = vector.broadcast %jit3A_297 : f32 to vector<64x128xf32>
      %select_n3A_299 = arith.select %eq3A_278, %add3A_296, %broadcast_in_dim3A_298 : vector<64x128xi1>, vector<64x128xf32>
      %add3A_300 = arith.addf %add3A_236, %select_n3A_299 : vector<64x128xf32>
      %convert_element_type3A_301 = arith.extui %eq3A_278 : vector<64x128xi1> to vector<64x128xi32>
      %convert_element_type3A_302 = arith.sitofp %convert_element_type3A_301 : vector<64x128xi32> to vector<64x128xf32>
      %reduce_sum3A_303 = vector.shape_cast %convert_element_type3A_302 : vector<64x128xf32> to vector<1x64x128xf32>
      %reduce_sum3A_304 = arith.constant dense<0.000000e+00> : vector<1xf32>
      %reduce_sum3A_305 = vector.multi_reduction <add>, %reduce_sum3A_303, %reduce_sum3A_304 [1, 2] : vector<1x64x128xf32> to vector<1xf32>
      %reduce_sum3A_306 = vector.shape_cast %reduce_sum3A_305 : vector<1xf32> to vector<1x1x1xf32>
      %reduce_sum3A_307 = vector.extract %reduce_sum3A_306[0, 0, 0] : f32 from vector<1x1x1xf32>
      %convert_element_type3A_308 = arith.fptosi %reduce_sum3A_307 : f32 to i32
      %add3A_309 = arith.constant 512 : i32
      %add3A_310 = arith.addi %convert_element_type3A_308, %add3A_309 : i32
      %sub3A_311 = arith.constant 1 : i32
      %sub3A_312 = arith.subi %add3A_310, %sub3A_311 : i32
      %jit3A_313 = arith.constant 512 : i32
      %div3A_314 = arith.divsi %sub3A_312, %jit3A_313 : i32
      %sign3A_315 = arith.constant 0 : i32
      %sign3A_316 = arith.cmpi sgt, %sub3A_312, %sign3A_315 : i32
      %sign3A_317 = arith.extui %sign3A_316 : i1 to i32
      %sign3A_318 = arith.constant 0 : i32
      %sign3A_319 = arith.cmpi slt, %sub3A_312, %sign3A_318 : i32
      %sign3A_320 = arith.extui %sign3A_319 : i1 to i32
      %sign3A_321 = arith.subi %sign3A_317, %sign3A_320 : i32
      %sign3A_322 = arith.constant 0 : i32
      %sign3A_323 = arith.cmpi sgt, %jit3A_313, %sign3A_322 : i32
      %sign3A_324 = arith.extui %sign3A_323 : i1 to i32
      %sign3A_325 = arith.constant 0 : i32
      %sign3A_326 = arith.cmpi slt, %jit3A_313, %sign3A_325 : i32
      %sign3A_327 = arith.extui %sign3A_326 : i1 to i32
      %sign3A_328 = arith.subi %sign3A_324, %sign3A_327 : i32
      %ne3A_329 = arith.cmpi ne, %sign3A_321, %sign3A_328 : i32
      %rem3A_330 = arith.remsi %sub3A_312, %jit3A_313 : i32
      %ne3A_331 = arith.constant 0 : i32
      %ne3A_332 = arith.cmpi ne, %rem3A_330, %ne3A_331 : i32
      %and3A_333 = arith.andi %ne3A_329, %ne3A_332 : i1
      %sub3A_334 = arith.constant 1 : i32
      %sub3A_335 = arith.subi %div3A_314, %sub3A_334 : i32
      %select_n3A_336 = arith.select %and3A_333, %sub3A_335, %div3A_314 : i32
      %mul3A_337 = arith.constant 512 : i32
      %mul3A_338 = arith.muli %select_n3A_336, %mul3A_337 : i32
      %add3A_339 = arith.addi %add3A_275, %mul3A_338 : i32
      %eq3A_340 = arith.constant 3 : i32
      %eq3A_341 = vector.broadcast %eq3A_340 : i32 to vector<64x128xi32>
      %eq3A_342 = arith.cmpi eq, %get3A_137, %eq3A_341 : vector<64x128xi32>
      %convert_element_type3A_343 = arith.extui %eq3A_342 : vector<64x128xi1> to vector<64x128xi32>
      %convert_element_type3A_344 = arith.sitofp %convert_element_type3A_343 : vector<64x128xi32> to vector<64x128xf32>
      %convert_element_type3A_345 = arith.truncf %convert_element_type3A_344 : vector<64x128xf32> to vector<64x128xbf16>
      %dot_general3A_346 = arith.constant dense<0.000000e+00> : vector<64x128xf32>
      %dot_general3A_347 = tpu.matmul %convert_element_type3A_345, %convert_element_type3A_142, %dot_general3A_346 {dimension_numbers = #tpu.dot_dimension_numbers<[1], [0], [0], [1], [0, 0, 1, 1], [], []>, transpose_lhs_hint = false} : vector<64x128xbf16>, vector<128x128xbf16>, vector<64x128xf32> -> vector<64x128xf32>
      %slice3A_348 = vector.extract_strided_slice %dot_general3A_347 {offsets = [0, 127], sizes = [64, 1], strides = [1, 1]} : vector<64x128xf32> to vector<64x1xf32>
      %convert_element_type3A_349 = arith.extui %eq3A_342 : vector<64x128xi1> to vector<64x128xi32>
      %convert_element_type3A_350 = arith.sitofp %convert_element_type3A_349 : vector<64x128xi32> to vector<64x128xf32>
      %slice3A_351 = vector.extract_strided_slice %convert_element_type3A_350 {offsets = [0, 127], sizes = [64, 1], strides = [1, 1]} : vector<64x128xf32> to vector<64x1xf32>
      %add3A_352 = arith.addf %slice3A_348, %slice3A_351 : vector<64x1xf32>
      %convert_element_type3A_353 = arith.truncf %add3A_352 : vector<64x1xf32> to vector<64x1xbf16>
      %dot_general3A_354 = arith.constant dense<0.000000e+00> : vector<64x1xf32>
      %dot_general3A_355 = tpu.matmul %convert_element_type3A_148, %convert_element_type3A_353, %dot_general3A_354 {dimension_numbers = #tpu.dot_dimension_numbers<[1], [0], [0], [1], [0, 0, 1, 1], [], []>, transpose_lhs_hint = false} : vector<64x64xbf16>, vector<64x1xbf16>, vector<64x1xf32> -> vector<64x1xf32>
      %add3A_356 = vector.broadcast %dot_general3A_355 : vector<64x1xf32> to vector<64x128xf32>
      %add3A_357 = arith.addf %dot_general3A_347, %add3A_356 : vector<64x128xf32>
      %convert_element_type3A_358 = arith.sitofp %add3A_339 : i32 to f32
      %add3A_359 = vector.broadcast %convert_element_type3A_358 : f32 to vector<64x128xf32>
      %add3A_360 = arith.addf %add3A_359, %add3A_357 : vector<64x128xf32>
      %jit3A_361 = arith.constant 0.000000e+00 : f32
      %broadcast_in_dim3A_362 = vector.broadcast %jit3A_361 : f32 to vector<64x128xf32>
      %select_n3A_363 = arith.select %eq3A_342, %add3A_360, %broadcast_in_dim3A_362 : vector<64x128xi1>, vector<64x128xf32>
      %add3A_364 = arith.addf %add3A_300, %select_n3A_363 : vector<64x128xf32>
      %convert_element_type3A_365 = arith.extui %eq3A_342 : vector<64x128xi1> to vector<64x128xi32>
      %convert_element_type3A_366 = arith.sitofp %convert_element_type3A_365 : vector<64x128xi32> to vector<64x128xf32>
      %reduce_sum3A_367 = vector.shape_cast %convert_element_type3A_366 : vector<64x128xf32> to vector<1x64x128xf32>
      %reduce_sum3A_368 = arith.constant dense<0.000000e+00> : vector<1xf32>
      %reduce_sum3A_369 = vector.multi_reduction <add>, %reduce_sum3A_367, %reduce_sum3A_368 [1, 2] : vector<1x64x128xf32> to vector<1xf32>
      %reduce_sum3A_370 = vector.shape_cast %reduce_sum3A_369 : vector<1xf32> to vector<1x1x1xf32>
      %reduce_sum3A_371 = vector.extract %reduce_sum3A_370[0, 0, 0] : f32 from vector<1x1x1xf32>
      %convert_element_type3A_372 = arith.fptosi %reduce_sum3A_371 : f32 to i32
      %add3A_373 = arith.constant 512 : i32
      %add3A_374 = arith.addi %convert_element_type3A_372, %add3A_373 : i32
      %sub3A_375 = arith.constant 1 : i32
      %sub3A_376 = arith.subi %add3A_374, %sub3A_375 : i32
      %jit3A_377 = arith.constant 512 : i32
      %div3A_378 = arith.divsi %sub3A_376, %jit3A_377 : i32
      %sign3A_379 = arith.constant 0 : i32
      %sign3A_380 = arith.cmpi sgt, %sub3A_376, %sign3A_379 : i32
      %sign3A_381 = arith.extui %sign3A_380 : i1 to i32
      %sign3A_382 = arith.constant 0 : i32
      %sign3A_383 = arith.cmpi slt, %sub3A_376, %sign3A_382 : i32
      %sign3A_384 = arith.extui %sign3A_383 : i1 to i32
      %sign3A_385 = arith.subi %sign3A_381, %sign3A_384 : i32
      %sign3A_386 = arith.constant 0 : i32
      %sign3A_387 = arith.cmpi sgt, %jit3A_377, %sign3A_386 : i32
      %sign3A_388 = arith.extui %sign3A_387 : i1 to i32
      %sign3A_389 = arith.constant 0 : i32
      %sign3A_390 = arith.cmpi slt, %jit3A_377, %sign3A_389 : i32
      %sign3A_391 = arith.extui %sign3A_390 : i1 to i32
      %sign3A_392 = arith.subi %sign3A_388, %sign3A_391 : i32
      %ne3A_393 = arith.cmpi ne, %sign3A_385, %sign3A_392 : i32
      %rem3A_394 = arith.remsi %sub3A_376, %jit3A_377 : i32
      %ne3A_395 = arith.constant 0 : i32
      %ne3A_396 = arith.cmpi ne, %rem3A_394, %ne3A_395 : i32
      %and3A_397 = arith.andi %ne3A_393, %ne3A_396 : i1
      %sub3A_398 = arith.constant 1 : i32
      %sub3A_399 = arith.subi %div3A_378, %sub3A_398 : i32
      %select_n3A_400 = arith.select %and3A_397, %sub3A_399, %div3A_378 : i32
      %mul3A_401 = arith.constant 512 : i32
      %mul3A_402 = arith.muli %select_n3A_400, %mul3A_401 : i32
      %add3A_403 = arith.addi %add3A_339, %mul3A_402 : i32
      %eq3A_404 = arith.constant 4 : i32
      %eq3A_405 = vector.broadcast %eq3A_404 : i32 to vector<64x128xi32>
      %eq3A_406 = arith.cmpi eq, %get3A_137, %eq3A_405 : vector<64x128xi32>
      %convert_element_type3A_407 = arith.extui %eq3A_406 : vector<64x128xi1> to vector<64x128xi32>
      %convert_element_type3A_408 = arith.sitofp %convert_element_type3A_407 : vector<64x128xi32> to vector<64x128xf32>
      %convert_element_type3A_409 = arith.truncf %convert_element_type3A_408 : vector<64x128xf32> to vector<64x128xbf16>
      %dot_general3A_410 = arith.constant dense<0.000000e+00> : vector<64x128xf32>
      %dot_general3A_411 = tpu.matmul %convert_element_type3A_409, %convert_element_type3A_142, %dot_general3A_410 {dimension_numbers = #tpu.dot_dimension_numbers<[1], [0], [0], [1], [0, 0, 1, 1], [], []>, transpose_lhs_hint = false} : vector<64x128xbf16>, vector<128x128xbf16>, vector<64x128xf32> -> vector<64x128xf32>
      %slice3A_412 = vector.extract_strided_slice %dot_general3A_411 {offsets = [0, 127], sizes = [64, 1], strides = [1, 1]} : vector<64x128xf32> to vector<64x1xf32>
      %convert_element_type3A_413 = arith.extui %eq3A_406 : vector<64x128xi1> to vector<64x128xi32>
      %convert_element_type3A_414 = arith.sitofp %convert_element_type3A_413 : vector<64x128xi32> to vector<64x128xf32>
      %slice3A_415 = vector.extract_strided_slice %convert_element_type3A_414 {offsets = [0, 127], sizes = [64, 1], strides = [1, 1]} : vector<64x128xf32> to vector<64x1xf32>
      %add3A_416 = arith.addf %slice3A_412, %slice3A_415 : vector<64x1xf32>
      %convert_element_type3A_417 = arith.truncf %add3A_416 : vector<64x1xf32> to vector<64x1xbf16>
      %dot_general3A_418 = arith.constant dense<0.000000e+00> : vector<64x1xf32>
      %dot_general3A_419 = tpu.matmul %convert_element_type3A_148, %convert_element_type3A_417, %dot_general3A_418 {dimension_numbers = #tpu.dot_dimension_numbers<[1], [0], [0], [1], [0, 0, 1, 1], [], []>, transpose_lhs_hint = false} : vector<64x64xbf16>, vector<64x1xbf16>, vector<64x1xf32> -> vector<64x1xf32>
      %add3A_420 = vector.broadcast %dot_general3A_419 : vector<64x1xf32> to vector<64x128xf32>
      %add3A_421 = arith.addf %dot_general3A_411, %add3A_420 : vector<64x128xf32>
      %convert_element_type3A_422 = arith.sitofp %add3A_403 : i32 to f32
      %add3A_423 = vector.broadcast %convert_element_type3A_422 : f32 to vector<64x128xf32>
      %add3A_424 = arith.addf %add3A_423, %add3A_421 : vector<64x128xf32>
      %jit3A_425 = arith.constant 0.000000e+00 : f32
      %broadcast_in_dim3A_426 = vector.broadcast %jit3A_425 : f32 to vector<64x128xf32>
      %select_n3A_427 = arith.select %eq3A_406, %add3A_424, %broadcast_in_dim3A_426 : vector<64x128xi1>, vector<64x128xf32>
      %add3A_428 = arith.addf %add3A_364, %select_n3A_427 : vector<64x128xf32>
      %convert_element_type3A_429 = arith.extui %eq3A_406 : vector<64x128xi1> to vector<64x128xi32>
      %convert_element_type3A_430 = arith.sitofp %convert_element_type3A_429 : vector<64x128xi32> to vector<64x128xf32>
      %reduce_sum3A_431 = vector.shape_cast %convert_element_type3A_430 : vector<64x128xf32> to vector<1x64x128xf32>
      %reduce_sum3A_432 = arith.constant dense<0.000000e+00> : vector<1xf32>
      %reduce_sum3A_433 = vector.multi_reduction <add>, %reduce_sum3A_431, %reduce_sum3A_432 [1, 2] : vector<1x64x128xf32> to vector<1xf32>
      %reduce_sum3A_434 = vector.shape_cast %reduce_sum3A_433 : vector<1xf32> to vector<1x1x1xf32>
      %reduce_sum3A_435 = vector.extract %reduce_sum3A_434[0, 0, 0] : f32 from vector<1x1x1xf32>
      %convert_element_type3A_436 = arith.fptosi %reduce_sum3A_435 : f32 to i32
      %add3A_437 = arith.constant 512 : i32
      %add3A_438 = arith.addi %convert_element_type3A_436, %add3A_437 : i32
      %sub3A_439 = arith.constant 1 : i32
      %sub3A_440 = arith.subi %add3A_438, %sub3A_439 : i32
      %jit3A_441 = arith.constant 512 : i32
      %div3A_442 = arith.divsi %sub3A_440, %jit3A_441 : i32
      %sign3A_443 = arith.constant 0 : i32
      %sign3A_444 = arith.cmpi sgt, %sub3A_440, %sign3A_443 : i32
      %sign3A_445 = arith.extui %sign3A_444 : i1 to i32
      %sign3A_446 = arith.constant 0 : i32
      %sign3A_447 = arith.cmpi slt, %sub3A_440, %sign3A_446 : i32
      %sign3A_448 = arith.extui %sign3A_447 : i1 to i32
      %sign3A_449 = arith.subi %sign3A_445, %sign3A_448 : i32
      %sign3A_450 = arith.constant 0 : i32
      %sign3A_451 = arith.cmpi sgt, %jit3A_441, %sign3A_450 : i32
      %sign3A_452 = arith.extui %sign3A_451 : i1 to i32
      %sign3A_453 = arith.constant 0 : i32
      %sign3A_454 = arith.cmpi slt, %jit3A_441, %sign3A_453 : i32
      %sign3A_455 = arith.extui %sign3A_454 : i1 to i32
      %sign3A_456 = arith.subi %sign3A_452, %sign3A_455 : i32
      %ne3A_457 = arith.cmpi ne, %sign3A_449, %sign3A_456 : i32
      %rem3A_458 = arith.remsi %sub3A_440, %jit3A_441 : i32
      %ne3A_459 = arith.constant 0 : i32
      %ne3A_460 = arith.cmpi ne, %rem3A_458, %ne3A_459 : i32
      %and3A_461 = arith.andi %ne3A_457, %ne3A_460 : i1
      %sub3A_462 = arith.constant 1 : i32
      %sub3A_463 = arith.subi %div3A_442, %sub3A_462 : i32
      %select_n3A_464 = arith.select %and3A_461, %sub3A_463, %div3A_442 : i32
      %mul3A_465 = arith.constant 512 : i32
      %mul3A_466 = arith.muli %select_n3A_464, %mul3A_465 : i32
      %add3A_467 = arith.addi %add3A_403, %mul3A_466 : i32
      %eq3A_468 = arith.constant 5 : i32
      %eq3A_469 = vector.broadcast %eq3A_468 : i32 to vector<64x128xi32>
      %eq3A_470 = arith.cmpi eq, %get3A_137, %eq3A_469 : vector<64x128xi32>
      %convert_element_type3A_471 = arith.extui %eq3A_470 : vector<64x128xi1> to vector<64x128xi32>
      %convert_element_type3A_472 = arith.sitofp %convert_element_type3A_471 : vector<64x128xi32> to vector<64x128xf32>
      %convert_element_type3A_473 = arith.truncf %convert_element_type3A_472 : vector<64x128xf32> to vector<64x128xbf16>
      %dot_general3A_474 = arith.constant dense<0.000000e+00> : vector<64x128xf32>
      %dot_general3A_475 = tpu.matmul %convert_element_type3A_473, %convert_element_type3A_142, %dot_general3A_474 {dimension_numbers = #tpu.dot_dimension_numbers<[1], [0], [0], [1], [0, 0, 1, 1], [], []>, transpose_lhs_hint = false} : vector<64x128xbf16>, vector<128x128xbf16>, vector<64x128xf32> -> vector<64x128xf32>
      %slice3A_476 = vector.extract_strided_slice %dot_general3A_475 {offsets = [0, 127], sizes = [64, 1], strides = [1, 1]} : vector<64x128xf32> to vector<64x1xf32>
      %convert_element_type3A_477 = arith.extui %eq3A_470 : vector<64x128xi1> to vector<64x128xi32>
      %convert_element_type3A_478 = arith.sitofp %convert_element_type3A_477 : vector<64x128xi32> to vector<64x128xf32>
      %slice3A_479 = vector.extract_strided_slice %convert_element_type3A_478 {offsets = [0, 127], sizes = [64, 1], strides = [1, 1]} : vector<64x128xf32> to vector<64x1xf32>
      %add3A_480 = arith.addf %slice3A_476, %slice3A_479 : vector<64x1xf32>
      %convert_element_type3A_481 = arith.truncf %add3A_480 : vector<64x1xf32> to vector<64x1xbf16>
      %dot_general3A_482 = arith.constant dense<0.000000e+00> : vector<64x1xf32>
      %dot_general3A_483 = tpu.matmul %convert_element_type3A_148, %convert_element_type3A_481, %dot_general3A_482 {dimension_numbers = #tpu.dot_dimension_numbers<[1], [0], [0], [1], [0, 0, 1, 1], [], []>, transpose_lhs_hint = false} : vector<64x64xbf16>, vector<64x1xbf16>, vector<64x1xf32> -> vector<64x1xf32>
      %add3A_484 = vector.broadcast %dot_general3A_483 : vector<64x1xf32> to vector<64x128xf32>
      %add3A_485 = arith.addf %dot_general3A_475, %add3A_484 : vector<64x128xf32>
      %convert_element_type3A_486 = arith.sitofp %add3A_467 : i32 to f32
      %add3A_487 = vector.broadcast %convert_element_type3A_486 : f32 to vector<64x128xf32>
      %add3A_488 = arith.addf %add3A_487, %add3A_485 : vector<64x128xf32>
      %jit3A_489 = arith.constant 0.000000e+00 : f32
      %broadcast_in_dim3A_490 = vector.broadcast %jit3A_489 : f32 to vector<64x128xf32>
      %select_n3A_491 = arith.select %eq3A_470, %add3A_488, %broadcast_in_dim3A_490 : vector<64x128xi1>, vector<64x128xf32>
      %add3A_492 = arith.addf %add3A_428, %select_n3A_491 : vector<64x128xf32>
      %convert_element_type3A_493 = arith.extui %eq3A_470 : vector<64x128xi1> to vector<64x128xi32>
      %convert_element_type3A_494 = arith.sitofp %convert_element_type3A_493 : vector<64x128xi32> to vector<64x128xf32>
      %reduce_sum3A_495 = vector.shape_cast %convert_element_type3A_494 : vector<64x128xf32> to vector<1x64x128xf32>
      %reduce_sum3A_496 = arith.constant dense<0.000000e+00> : vector<1xf32>
      %reduce_sum3A_497 = vector.multi_reduction <add>, %reduce_sum3A_495, %reduce_sum3A_496 [1, 2] : vector<1x64x128xf32> to vector<1xf32>
      %reduce_sum3A_498 = vector.shape_cast %reduce_sum3A_497 : vector<1xf32> to vector<1x1x1xf32>
      %reduce_sum3A_499 = vector.extract %reduce_sum3A_498[0, 0, 0] : f32 from vector<1x1x1xf32>
      %convert_element_type3A_500 = arith.fptosi %reduce_sum3A_499 : f32 to i32
      %add3A_501 = arith.constant 512 : i32
      %add3A_502 = arith.addi %convert_element_type3A_500, %add3A_501 : i32
      %sub3A_503 = arith.constant 1 : i32
      %sub3A_504 = arith.subi %add3A_502, %sub3A_503 : i32
      %jit3A_505 = arith.constant 512 : i32
      %div3A_506 = arith.divsi %sub3A_504, %jit3A_505 : i32
      %sign3A_507 = arith.constant 0 : i32
      %sign3A_508 = arith.cmpi sgt, %sub3A_504, %sign3A_507 : i32
      %sign3A_509 = arith.extui %sign3A_508 : i1 to i32
      %sign3A_510 = arith.constant 0 : i32
      %sign3A_511 = arith.cmpi slt, %sub3A_504, %sign3A_510 : i32
      %sign3A_512 = arith.extui %sign3A_511 : i1 to i32
      %sign3A_513 = arith.subi %sign3A_509, %sign3A_512 : i32
      %sign3A_514 = arith.constant 0 : i32
      %sign3A_515 = arith.cmpi sgt, %jit3A_505, %sign3A_514 : i32
      %sign3A_516 = arith.extui %sign3A_515 : i1 to i32
      %sign3A_517 = arith.constant 0 : i32
      %sign3A_518 = arith.cmpi slt, %jit3A_505, %sign3A_517 : i32
      %sign3A_519 = arith.extui %sign3A_518 : i1 to i32
      %sign3A_520 = arith.subi %sign3A_516, %sign3A_519 : i32
      %ne3A_521 = arith.cmpi ne, %sign3A_513, %sign3A_520 : i32
      %rem3A_522 = arith.remsi %sub3A_504, %jit3A_505 : i32
      %ne3A_523 = arith.constant 0 : i32
      %ne3A_524 = arith.cmpi ne, %rem3A_522, %ne3A_523 : i32
      %and3A_525 = arith.andi %ne3A_521, %ne3A_524 : i1
      %sub3A_526 = arith.constant 1 : i32
      %sub3A_527 = arith.subi %div3A_506, %sub3A_526 : i32
      %select_n3A_528 = arith.select %and3A_525, %sub3A_527, %div3A_506 : i32
      %mul3A_529 = arith.constant 512 : i32
      %mul3A_530 = arith.muli %select_n3A_528, %mul3A_529 : i32
      %add3A_531 = arith.addi %add3A_467, %mul3A_530 : i32
      %eq3A_532 = arith.constant 6 : i32
      %eq3A_533 = vector.broadcast %eq3A_532 : i32 to vector<64x128xi32>
      %eq3A_534 = arith.cmpi eq, %get3A_137, %eq3A_533 : vector<64x128xi32>
      %convert_element_type3A_535 = arith.extui %eq3A_534 : vector<64x128xi1> to vector<64x128xi32>
      %convert_element_type3A_536 = arith.sitofp %convert_element_type3A_535 : vector<64x128xi32> to vector<64x128xf32>
      %convert_element_type3A_537 = arith.truncf %convert_element_type3A_536 : vector<64x128xf32> to vector<64x128xbf16>
      %dot_general3A_538 = arith.constant dense<0.000000e+00> : vector<64x128xf32>
      %dot_general3A_539 = tpu.matmul %convert_element_type3A_537, %convert_element_type3A_142, %dot_general3A_538 {dimension_numbers = #tpu.dot_dimension_numbers<[1], [0], [0], [1], [0, 0, 1, 1], [], []>, transpose_lhs_hint = false} : vector<64x128xbf16>, vector<128x128xbf16>, vector<64x128xf32> -> vector<64x128xf32>
      %slice3A_540 = vector.extract_strided_slice %dot_general3A_539 {offsets = [0, 127], sizes = [64, 1], strides = [1, 1]} : vector<64x128xf32> to vector<64x1xf32>
      %convert_element_type3A_541 = arith.extui %eq3A_534 : vector<64x128xi1> to vector<64x128xi32>
      %convert_element_type3A_542 = arith.sitofp %convert_element_type3A_541 : vector<64x128xi32> to vector<64x128xf32>
      %slice3A_543 = vector.extract_strided_slice %convert_element_type3A_542 {offsets = [0, 127], sizes = [64, 1], strides = [1, 1]} : vector<64x128xf32> to vector<64x1xf32>
      %add3A_544 = arith.addf %slice3A_540, %slice3A_543 : vector<64x1xf32>
      %convert_element_type3A_545 = arith.truncf %add3A_544 : vector<64x1xf32> to vector<64x1xbf16>
      %dot_general3A_546 = arith.constant dense<0.000000e+00> : vector<64x1xf32>
      %dot_general3A_547 = tpu.matmul %convert_element_type3A_148, %convert_element_type3A_545, %dot_general3A_546 {dimension_numbers = #tpu.dot_dimension_numbers<[1], [0], [0], [1], [0, 0, 1, 1], [], []>, transpose_lhs_hint = false} : vector<64x64xbf16>, vector<64x1xbf16>, vector<64x1xf32> -> vector<64x1xf32>
      %add3A_548 = vector.broadcast %dot_general3A_547 : vector<64x1xf32> to vector<64x128xf32>
      %add3A_549 = arith.addf %dot_general3A_539, %add3A_548 : vector<64x128xf32>
      %convert_element_type3A_550 = arith.sitofp %add3A_531 : i32 to f32
      %add3A_551 = vector.broadcast %convert_element_type3A_550 : f32 to vector<64x128xf32>
      %add3A_552 = arith.addf %add3A_551, %add3A_549 : vector<64x128xf32>
      %jit3A_553 = arith.constant 0.000000e+00 : f32
      %broadcast_in_dim3A_554 = vector.broadcast %jit3A_553 : f32 to vector<64x128xf32>
      %select_n3A_555 = arith.select %eq3A_534, %add3A_552, %broadcast_in_dim3A_554 : vector<64x128xi1>, vector<64x128xf32>
      %add3A_556 = arith.addf %add3A_492, %select_n3A_555 : vector<64x128xf32>
      %convert_element_type3A_557 = arith.extui %eq3A_534 : vector<64x128xi1> to vector<64x128xi32>
      %convert_element_type3A_558 = arith.sitofp %convert_element_type3A_557 : vector<64x128xi32> to vector<64x128xf32>
      %reduce_sum3A_559 = vector.shape_cast %convert_element_type3A_558 : vector<64x128xf32> to vector<1x64x128xf32>
      %reduce_sum3A_560 = arith.constant dense<0.000000e+00> : vector<1xf32>
      %reduce_sum3A_561 = vector.multi_reduction <add>, %reduce_sum3A_559, %reduce_sum3A_560 [1, 2] : vector<1x64x128xf32> to vector<1xf32>
      %reduce_sum3A_562 = vector.shape_cast %reduce_sum3A_561 : vector<1xf32> to vector<1x1x1xf32>
      %reduce_sum3A_563 = vector.extract %reduce_sum3A_562[0, 0, 0] : f32 from vector<1x1x1xf32>
      %convert_element_type3A_564 = arith.fptosi %reduce_sum3A_563 : f32 to i32
      %add3A_565 = arith.constant 512 : i32
      %add3A_566 = arith.addi %convert_element_type3A_564, %add3A_565 : i32
      %sub3A_567 = arith.constant 1 : i32
      %sub3A_568 = arith.subi %add3A_566, %sub3A_567 : i32
      %jit3A_569 = arith.constant 512 : i32
      %div3A_570 = arith.divsi %sub3A_568, %jit3A_569 : i32
      %sign3A_571 = arith.constant 0 : i32
      %sign3A_572 = arith.cmpi sgt, %sub3A_568, %sign3A_571 : i32
      %sign3A_573 = arith.extui %sign3A_572 : i1 to i32
      %sign3A_574 = arith.constant 0 : i32
      %sign3A_575 = arith.cmpi slt, %sub3A_568, %sign3A_574 : i32
      %sign3A_576 = arith.extui %sign3A_575 : i1 to i32
      %sign3A_577 = arith.subi %sign3A_573, %sign3A_576 : i32
      %sign3A_578 = arith.constant 0 : i32
      %sign3A_579 = arith.cmpi sgt, %jit3A_569, %sign3A_578 : i32
      %sign3A_580 = arith.extui %sign3A_579 : i1 to i32
      %sign3A_581 = arith.constant 0 : i32
      %sign3A_582 = arith.cmpi slt, %jit3A_569, %sign3A_581 : i32
      %sign3A_583 = arith.extui %sign3A_582 : i1 to i32
      %sign3A_584 = arith.subi %sign3A_580, %sign3A_583 : i32
      %ne3A_585 = arith.cmpi ne, %sign3A_577, %sign3A_584 : i32
      %rem3A_586 = arith.remsi %sub3A_568, %jit3A_569 : i32
      %ne3A_587 = arith.constant 0 : i32
      %ne3A_588 = arith.cmpi ne, %rem3A_586, %ne3A_587 : i32
      %and3A_589 = arith.andi %ne3A_585, %ne3A_588 : i1
      %sub3A_590 = arith.constant 1 : i32
      %sub3A_591 = arith.subi %div3A_570, %sub3A_590 : i32
      %select_n3A_592 = arith.select %and3A_589, %sub3A_591, %div3A_570 : i32
      %mul3A_593 = arith.constant 512 : i32
      %mul3A_594 = arith.muli %select_n3A_592, %mul3A_593 : i32
      %add3A_595 = arith.addi %add3A_531, %mul3A_594 : i32
      %eq3A_596 = arith.constant 7 : i32
      %eq3A_597 = vector.broadcast %eq3A_596 : i32 to vector<64x128xi32>
      %eq3A_598 = arith.cmpi eq, %get3A_137, %eq3A_597 : vector<64x128xi32>
      %convert_element_type3A_599 = arith.extui %eq3A_598 : vector<64x128xi1> to vector<64x128xi32>
      %convert_element_type3A_600 = arith.sitofp %convert_element_type3A_599 : vector<64x128xi32> to vector<64x128xf32>
      %convert_element_type3A_601 = arith.truncf %convert_element_type3A_600 : vector<64x128xf32> to vector<64x128xbf16>
      %dot_general3A_602 = arith.constant dense<0.000000e+00> : vector<64x128xf32>
      %dot_general3A_603 = tpu.matmul %convert_element_type3A_601, %convert_element_type3A_142, %dot_general3A_602 {dimension_numbers = #tpu.dot_dimension_numbers<[1], [0], [0], [1], [0, 0, 1, 1], [], []>, transpose_lhs_hint = false} : vector<64x128xbf16>, vector<128x128xbf16>, vector<64x128xf32> -> vector<64x128xf32>
      %slice3A_604 = vector.extract_strided_slice %dot_general3A_603 {offsets = [0, 127], sizes = [64, 1], strides = [1, 1]} : vector<64x128xf32> to vector<64x1xf32>
      %convert_element_type3A_605 = arith.extui %eq3A_598 : vector<64x128xi1> to vector<64x128xi32>
      %convert_element_type3A_606 = arith.sitofp %convert_element_type3A_605 : vector<64x128xi32> to vector<64x128xf32>
      %slice3A_607 = vector.extract_strided_slice %convert_element_type3A_606 {offsets = [0, 127], sizes = [64, 1], strides = [1, 1]} : vector<64x128xf32> to vector<64x1xf32>
      %add3A_608 = arith.addf %slice3A_604, %slice3A_607 : vector<64x1xf32>
      %convert_element_type3A_609 = arith.truncf %add3A_608 : vector<64x1xf32> to vector<64x1xbf16>
      %dot_general3A_610 = arith.constant dense<0.000000e+00> : vector<64x1xf32>
      %dot_general3A_611 = tpu.matmul %convert_element_type3A_148, %convert_element_type3A_609, %dot_general3A_610 {dimension_numbers = #tpu.dot_dimension_numbers<[1], [0], [0], [1], [0, 0, 1, 1], [], []>, transpose_lhs_hint = false} : vector<64x64xbf16>, vector<64x1xbf16>, vector<64x1xf32> -> vector<64x1xf32>
      %add3A_612 = vector.broadcast %dot_general3A_611 : vector<64x1xf32> to vector<64x128xf32>
      %add3A_613 = arith.addf %dot_general3A_603, %add3A_612 : vector<64x128xf32>
      %convert_element_type3A_614 = arith.sitofp %add3A_595 : i32 to f32
      %add3A_615 = vector.broadcast %convert_element_type3A_614 : f32 to vector<64x128xf32>
      %add3A_616 = arith.addf %add3A_615, %add3A_613 : vector<64x128xf32>
      %jit3A_617 = arith.constant 0.000000e+00 : f32
      %broadcast_in_dim3A_618 = vector.broadcast %jit3A_617 : f32 to vector<64x128xf32>
      %select_n3A_619 = arith.select %eq3A_598, %add3A_616, %broadcast_in_dim3A_618 : vector<64x128xi1>, vector<64x128xf32>
      %add3A_620 = arith.addf %add3A_556, %select_n3A_619 : vector<64x128xf32>
      %convert_element_type3A_621 = arith.extui %eq3A_598 : vector<64x128xi1> to vector<64x128xi32>
      %convert_element_type3A_622 = arith.sitofp %convert_element_type3A_621 : vector<64x128xi32> to vector<64x128xf32>
      %reduce_sum3A_623 = vector.shape_cast %convert_element_type3A_622 : vector<64x128xf32> to vector<1x64x128xf32>
      %reduce_sum3A_624 = arith.constant dense<0.000000e+00> : vector<1xf32>
      %reduce_sum3A_625 = vector.multi_reduction <add>, %reduce_sum3A_623, %reduce_sum3A_624 [1, 2] : vector<1x64x128xf32> to vector<1xf32>
      %reduce_sum3A_626 = vector.shape_cast %reduce_sum3A_625 : vector<1xf32> to vector<1x1x1xf32>
      %reduce_sum3A_627 = vector.extract %reduce_sum3A_626[0, 0, 0] : f32 from vector<1x1x1xf32>
      %convert_element_type3A_628 = arith.fptosi %reduce_sum3A_627 : f32 to i32
      %add3A_629 = arith.constant 512 : i32
      %add3A_630 = arith.addi %convert_element_type3A_628, %add3A_629 : i32
      %sub3A_631 = arith.constant 1 : i32
      %sub3A_632 = arith.subi %add3A_630, %sub3A_631 : i32
      %jit3A_633 = arith.constant 512 : i32
      %div3A_634 = arith.divsi %sub3A_632, %jit3A_633 : i32
      %sign3A_635 = arith.constant 0 : i32
      %sign3A_636 = arith.cmpi sgt, %sub3A_632, %sign3A_635 : i32
      %sign3A_637 = arith.extui %sign3A_636 : i1 to i32
      %sign3A_638 = arith.constant 0 : i32
      %sign3A_639 = arith.cmpi slt, %sub3A_632, %sign3A_638 : i32
      %sign3A_640 = arith.extui %sign3A_639 : i1 to i32
      %sign3A_641 = arith.subi %sign3A_637, %sign3A_640 : i32
      %sign3A_642 = arith.constant 0 : i32
      %sign3A_643 = arith.cmpi sgt, %jit3A_633, %sign3A_642 : i32
      %sign3A_644 = arith.extui %sign3A_643 : i1 to i32
      %sign3A_645 = arith.constant 0 : i32
      %sign3A_646 = arith.cmpi slt, %jit3A_633, %sign3A_645 : i32
      %sign3A_647 = arith.extui %sign3A_646 : i1 to i32
      %sign3A_648 = arith.subi %sign3A_644, %sign3A_647 : i32
      %ne3A_649 = arith.cmpi ne, %sign3A_641, %sign3A_648 : i32
      %rem3A_650 = arith.remsi %sub3A_632, %jit3A_633 : i32
      %ne3A_651 = arith.constant 0 : i32
      %ne3A_652 = arith.cmpi ne, %rem3A_650, %ne3A_651 : i32
      %and3A_653 = arith.andi %ne3A_649, %ne3A_652 : i1
      %sub3A_654 = arith.constant 1 : i32
      %sub3A_655 = arith.subi %div3A_634, %sub3A_654 : i32
      %select_n3A_656 = arith.select %and3A_653, %sub3A_655, %div3A_634 : i32
      %mul3A_657 = arith.constant 512 : i32
      %mul3A_658 = arith.muli %select_n3A_656, %mul3A_657 : i32
      %add3A_659 = arith.addi %add3A_595, %mul3A_658 : i32
      %iota3A_660 = tpu.iota {dimensions = array<i32: 1>} : vector<1x128xi32>
      %mul3A_661 = arith.constant 512 : i32
      %mul3A_662 = vector.broadcast %mul3A_661 : i32 to vector<1x128xi32>
      %mul3A_663 = arith.muli %iota3A_660, %mul3A_662 : vector<1x128xi32>
      %broadcast_in_dim3A_664 = arith.constant 0 : i32
      %broadcast_in_dim3A_665 = vector.broadcast %broadcast_in_dim3A_664 : i32 to vector<1x128xi32>
      %ge3A = vector.broadcast %add3A_211 : i32 to vector<1x128xi32>
      %ge3A_666 = arith.cmpi sge, %mul3A_663, %ge3A : vector<1x128xi32>
      %convert_element_type3A_667 = arith.extui %ge3A_666 : vector<1x128xi1> to vector<1x128xi32>
      %add3A_668 = arith.addi %broadcast_in_dim3A_665, %convert_element_type3A_667 : vector<1x128xi32>
      %ge3A_669 = vector.broadcast %add3A_275 : i32 to vector<1x128xi32>
      %ge3A_670 = arith.cmpi sge, %mul3A_663, %ge3A_669 : vector<1x128xi32>
      %convert_element_type3A_671 = arith.extui %ge3A_670 : vector<1x128xi1> to vector<1x128xi32>
      %add3A_672 = arith.addi %add3A_668, %convert_element_type3A_671 : vector<1x128xi32>
      %ge3A_673 = vector.broadcast %add3A_339 : i32 to vector<1x128xi32>
      %ge3A_674 = arith.cmpi sge, %mul3A_663, %ge3A_673 : vector<1x128xi32>
      %convert_element_type3A_675 = arith.extui %ge3A_674 : vector<1x128xi1> to vector<1x128xi32>
      %add3A_676 = arith.addi %add3A_672, %convert_element_type3A_675 : vector<1x128xi32>
      %ge3A_677 = vector.broadcast %add3A_403 : i32 to vector<1x128xi32>
      %ge3A_678 = arith.cmpi sge, %mul3A_663, %ge3A_677 : vector<1x128xi32>
      %convert_element_type3A_679 = arith.extui %ge3A_678 : vector<1x128xi1> to vector<1x128xi32>
      %add3A_680 = arith.addi %add3A_676, %convert_element_type3A_679 : vector<1x128xi32>
      %ge3A_681 = vector.broadcast %add3A_467 : i32 to vector<1x128xi32>
      %ge3A_682 = arith.cmpi sge, %mul3A_663, %ge3A_681 : vector<1x128xi32>
      %convert_element_type3A_683 = arith.extui %ge3A_682 : vector<1x128xi1> to vector<1x128xi32>
      %add3A_684 = arith.addi %add3A_680, %convert_element_type3A_683 : vector<1x128xi32>
      %ge3A_685 = vector.broadcast %add3A_531 : i32 to vector<1x128xi32>
      %ge3A_686 = arith.cmpi sge, %mul3A_663, %ge3A_685 : vector<1x128xi32>
      %convert_element_type3A_687 = arith.extui %ge3A_686 : vector<1x128xi1> to vector<1x128xi32>
      %add3A_688 = arith.addi %add3A_684, %convert_element_type3A_687 : vector<1x128xi32>
      %ge3A_689 = vector.broadcast %add3A_595 : i32 to vector<1x128xi32>
      %ge3A_690 = arith.cmpi sge, %mul3A_663, %ge3A_689 : vector<1x128xi32>
      %convert_element_type3A_691 = arith.extui %ge3A_690 : vector<1x128xi1> to vector<1x128xi32>
      %add3A_692 = arith.addi %add3A_688, %convert_element_type3A_691 : vector<1x128xi32>
      %ge3A_693 = vector.broadcast %add3A_659 : i32 to vector<1x128xi32>
      %ge3A_694 = arith.cmpi sge, %mul3A_663, %ge3A_693 : vector<1x128xi32>
      %convert_element_type3A_695 = arith.extui %ge3A_694 : vector<1x128xi1> to vector<1x128xi32>
      %add3A_696 = arith.addi %add3A_692, %convert_element_type3A_695 : vector<1x128xi32>
      %eq3A_697 = arith.constant 24 : i32
      %eq3A_698 = vector.broadcast %eq3A_697 : i32 to vector<1x128xi32>
      %eq3A_699 = arith.cmpi eq, %iota3A_660, %eq3A_698 : vector<1x128xi32>
      %min3A = arith.constant 7 : i32
      %min3A_700 = vector.broadcast %min3A : i32 to vector<1x128xi32>
      %min3A_701 = arith.minsi %add3A_696, %min3A_700 : vector<1x128xi32>
      %broadcast_in_dim3A_702 = vector.broadcast %add3A_659 : i32 to vector<1x128xi32>
      %select_n3A_703 = arith.select %eq3A_699, %broadcast_in_dim3A_702, %min3A_701 : vector<1x128xi1>, vector<1x128xi32>
      %swap3A_704 = arith.constant 0 : index
      %swap3A_705 = arith.constant 0 : index
      %swap3A_706 = vector.load %arg15[%swap3A_704, %swap3A_705] : memref<1x128xi32, #tpu.memory_space<vmem>>, vector<1x128xi32>
      tpu.vector_store %arg15[%swap3A_704, %swap3A_705], %select_n3A_703 {strides = array<i32>} : memref<1x128xi32, #tpu.memory_space<vmem>>, vector<1x128xi32>,
      %convert_element_type3A_707 = arith.fptosi %add3A_620 : vector<64x128xf32> to vector<64x128xi32>
      %swap3A_708 = arith.constant 0 : index
      %swap3A_709 = arith.constant 0 : index
      %swap3A_710 = vector.load %arg14[%swap3A_708, %swap3A_709] : memref<64x128xi32, #tpu.memory_space<vmem>>, vector<64x128xi32>
      tpu.vector_store %arg14[%swap3A_708, %swap3A_709], %convert_element_type3A_707 {strides = array<i32>} : memref<64x128xi32, #tpu.memory_space<vmem>>, vector<64x128xi32>,
    } else {
    }
    return
  }
  func.func @transform_0(%arg0: i32) -> (i32, i32) {
    %c0_i32 = arith.constant 0 : i32
    %c0_i32_0 = arith.constant 0 : i32
    return %arg0, %c0_i32 : i32, i32
  }
  func.func @transform_1(%arg0: i32) -> (i32, i32) {
    %c0_i32 = arith.constant 0 : i32
    %c0_i32_0 = arith.constant 0 : i32
    return %arg0, %c0_i32 : i32, i32
  }
  func.func @transform_2(%arg0: i32) -> (i32, i32) {
    %c0_i32 = arith.constant 0 : i32
    %c0_i32_0 = arith.constant 0 : i32
    return %arg0, %c0_i32 : i32, i32
  }
  func.func @transform_3(%arg0: i32) -> (i32, i32) {
    %c0_i32 = arith.constant 0 : i32
    %c0_i32_0 = arith.constant 0 : i32
    %c0_i32_1 = arith.constant 0 : i32
    return %c0_i32, %c0_i32_0 : i32, i32
  }
  func.func @transform_4(%arg0: i32) -> (i32, i32) {
    %c0_i32 = arith.constant 0 : i32
    %c0_i32_0 = arith.constant 0 : i32
    %c0_i32_1 = arith.constant 0 : i32
    return %c0_i32, %c0_i32_0 : i32, i32
  }
  func.func @transform_5(%arg0: i32) -> (i32, i32) {
    %c0_i32 = arith.constant 0 : i32
    %c0_i32_0 = arith.constant 0 : i32
    %c0_i32_1 = arith.constant 0 : i32
    return %c0_i32, %c0_i32_0 : i32, i32
  }
  func.func @transform_6(%arg0: i32) -> (i32, i32) {
    %c0_i32 = arith.constant 0 : i32
    %c0_i32_0 = arith.constant 0 : i32
    %c0_i32_1 = arith.constant 0 : i32
    return %c0_i32, %c0_i32_0 : i32, i32
  }
  func.func @transform_7(%arg0: i32) -> (i32, i32) {
    %c0_i32 = arith.constant 0 : i32
    %c0_i32_0 = arith.constant 0 : i32
    %c0_i32_1 = arith.constant 0 : i32
    return %c0_i32, %c0_i32_0 : i32, i32
  }
  func.func @transform_8(%arg0: i32) -> (i32, i32) {
    %c0_i32 = arith.constant 0 : i32
    %c0_i32_0 = arith.constant 0 : i32
    %c0_i32_1 = arith.constant 0 : i32
    return %c0_i32, %c0_i32_0 : i32, i32
  }
  func.func @transform_9(%arg0: i32) -> (i32, i32) {
    %c0_i32 = arith.constant 0 : i32
    %c0_i32_0 = arith.constant 0 : i32
    %c0_i32_1 = arith.constant 0 : i32
    return %c0_i32, %c0_i32_0 : i32, i32
  }
  func.func @transform_10(%arg0: i32) -> (i32, i32) {
    %c0_i32 = arith.constant 0 : i32
    %c0_i32_0 = arith.constant 0 : i32
    %c0_i32_1 = arith.constant 0 : i32
    return %c0_i32, %c0_i32_0 : i32, i32
  }
  func.func @transform_11(%arg0: i32) -> (i32, i32) {
    %c0_i32 = arith.constant 0 : i32
    %c0_i32_0 = arith.constant 0 : i32
    %c0_i32_1 = arith.constant 0 : i32
    return %c0_i32, %c0_i32_0 : i32, i32
  }
  func.func @transform_12(%arg0: i32) -> (i32, i32) {
    %c0_i32 = arith.constant 0 : i32
    %c0_i32_0 = arith.constant 0 : i32
    return %arg0, %c0_i32 : i32, i32
  }
  func.func @transform_13(%arg0: i32) -> (i32, i32) {
    %c0_i32 = arith.constant 0 : i32
    %c0_i32_0 = arith.constant 0 : i32
    %c0_i32_1 = arith.constant 0 : i32
    return %c0_i32, %c0_i32_0 : i32, i32
  }
  func.func @transform_14(%arg0: i32) -> (i32, i32) {
    %c0_i32 = arith.constant 0 : i32
    %c0_i32_0 = arith.constant 0 : i32
    %c0_i32_1 = arith.constant 0 : i32
    return %c0_i32, %c0_i32_0 : i32, i32
  }
  func.func @transform_15(%arg0: i32) -> (i32, i32) {
    %c0_i32 = arith.constant 0 : i32
    %c0_i32_0 = arith.constant 0 : i32
    return %arg0, %c0_i32 : i32, i32
  }
}

module attributes {stable_mosaic.version = 14 : i64} {
  func.func @_expert_kernel(%arg0: i32, %arg1: memref<25xi32, #tpu.memory_space<smem>>, %arg2: memref<512x1024xi32, #tpu.memory_space<vmem>>, %arg3: memref<1x1024x512xbf16, #tpu.memory_space<vmem>>, %arg4: memref<1x1024x512xbf16, #tpu.memory_space<vmem>>, %arg5: memref<1x1x512xf32, #tpu.memory_space<vmem>>, %arg6: memref<1x1x512xf32, #tpu.memory_space<vmem>>, %arg7: memref<1x1x512xf32, #tpu.memory_space<vmem>>, %arg8: memref<1x512x256xbf16, #tpu.memory_space<vmem>>, %arg9: memref<1x1x256xf32, #tpu.memory_space<vmem>>, %arg10: memref<1x256x128xbf16, #tpu.memory_space<vmem>>, %arg11: memref<1x1x128xf32, #tpu.memory_space<vmem>>, %arg12: memref<1x1x128xf32, #tpu.memory_space<vmem>>, %arg13: memref<1x1x128xf32, #tpu.memory_space<vmem>>, %arg14: memref<512x128xf32, #tpu.memory_space<vmem>>) attributes {dimension_semantics = [#tpu.dimension_semantics<arbitrary>], iteration_bounds = array<i64: 24>, scalar_prefetch = 1 : i64, scratch_operands = 0 : i64, tpu.core_type = #tpu.core_type<tc>, window_params = [{transform_indices = @transform_0, window_bounds = array<i64: 512, 1024>}, {transform_indices = @transform_1, window_bounds = array<i64: 1, 1024, 512>}, {transform_indices = @transform_2, window_bounds = array<i64: 1, 1024, 512>}, {transform_indices = @transform_3, window_bounds = array<i64: 1, 1, 512>}, {transform_indices = @transform_4, window_bounds = array<i64: 1, 1, 512>}, {transform_indices = @transform_5, window_bounds = array<i64: 1, 1, 512>}, {transform_indices = @transform_6, window_bounds = array<i64: 1, 512, 256>}, {transform_indices = @transform_7, window_bounds = array<i64: 1, 1, 256>}, {transform_indices = @transform_8, window_bounds = array<i64: 1, 256, 128>}, {transform_indices = @transform_9, window_bounds = array<i64: 1, 1, 128>}, {transform_indices = @transform_10, window_bounds = array<i64: 1, 1, 128>}, {transform_indices = @transform_11, window_bounds = array<i64: 1, 1, 128>}, {transform_indices = @transform_12, window_bounds = array<i64: 512, 128>}]} {
    %mul3A = arith.constant 512 : i32
    %mul3A_0 = arith.muli %arg0, %mul3A : i32
    %get3A = arith.constant 24 : index
    %get3A_1 = memref.load %arg1[%get3A] : memref<25xi32, #tpu.memory_space<smem>>
    %lt3A = arith.cmpi slt, %mul3A_0, %get3A_1 : i32
    %convert_element_type3A = arith.extui %lt3A : i1 to i32
    %cond3A = arith.constant 0 : i32
    %cond3A_2 = arith.cmpi ne, %convert_element_type3A, %cond3A : i32
    scf.if %cond3A_2 {
      %get3A_3 = arith.constant 0 : index
      %get3A_4 = arith.constant 0 : index
      %get3A_5 = vector.load %arg2[%get3A_3, %get3A_4] : memref<512x1024xi32, #tpu.memory_space<vmem>>, vector<512x1024xi32>
      %bitcast_convert_type3A = tpu.bitcast %get3A_5 : vector<512x1024xi32> -> vector<512x1024xi32>
      %shift_left3A = arith.constant 16 : i32
      %shift_left3A_6 = vector.broadcast %shift_left3A : i32 to vector<512x1024xi32>
      %shift_left3A_7 = arith.shli %bitcast_convert_type3A, %shift_left3A_6 : vector<512x1024xi32>
      %bitcast_convert_type3A_8 = tpu.bitcast %shift_left3A_7 : vector<512x1024xi32> -> vector<512x1024xf32>
      %and3A = arith.constant -65536 : i32
      %and3A_9 = vector.broadcast %and3A : i32 to vector<512x1024xi32>
      %and3A_10 = arith.andi %bitcast_convert_type3A, %and3A_9 : vector<512x1024xi32>
      %bitcast_convert_type3A_11 = tpu.bitcast %and3A_10 : vector<512x1024xi32> -> vector<512x1024xf32>
      %convert_element_type3A_12 = arith.truncf %bitcast_convert_type3A_8 : vector<512x1024xf32> to vector<512x1024xbf16>
      %convert_element_type3A_13 = arith.truncf %bitcast_convert_type3A_11 : vector<512x1024xf32> to vector<512x1024xbf16>
      %get3A_14 = arith.constant 0 : index
      %get3A_15 = arith.constant 0 : index
      %get3A_16 = arith.constant 0 : index
      %get3A_17 = vector.load %arg3[%get3A_14, %get3A_15, %get3A_16] : memref<1x1024x512xbf16, #tpu.memory_space<vmem>>, vector<1x1024x512xbf16>
      %get3A_18 = vector.shape_cast %get3A_17 : vector<1x1024x512xbf16> to vector<1024x512xbf16>
      %dot_general3A = arith.constant dense<0.000000e+00> : vector<512x512xf32>
      %dot_general3A_19 = tpu.matmul %convert_element_type3A_12, %get3A_18, %dot_general3A {dimension_numbers = #tpu.dot_dimension_numbers<[1], [0], [0], [1], [0, 0, 1, 1], [], []>, transpose_lhs_hint = false} : vector<512x1024xbf16>, vector<1024x512xbf16>, vector<512x512xf32> -> vector<512x512xf32>
      %get3A_20 = arith.constant 0 : index
      %get3A_21 = arith.constant 0 : index
      %get3A_22 = arith.constant 0 : index
      %get3A_23 = vector.load %arg4[%get3A_20, %get3A_21, %get3A_22] : memref<1x1024x512xbf16, #tpu.memory_space<vmem>>, vector<1x1024x512xbf16>
      %get3A_24 = vector.shape_cast %get3A_23 : vector<1x1024x512xbf16> to vector<1024x512xbf16>
      %dot_general3A_25 = arith.constant dense<0.000000e+00> : vector<512x512xf32>
      %dot_general3A_26 = tpu.matmul %convert_element_type3A_13, %get3A_24, %dot_general3A_25 {dimension_numbers = #tpu.dot_dimension_numbers<[1], [0], [0], [1], [0, 0, 1, 1], [], []>, transpose_lhs_hint = false} : vector<512x1024xbf16>, vector<1024x512xbf16>, vector<512x512xf32> -> vector<512x512xf32>
      %add3A = arith.addf %dot_general3A_19, %dot_general3A_26 : vector<512x512xf32>
      %get3A_27 = arith.constant 0 : index
      %get3A_28 = arith.constant 0 : index
      %get3A_29 = arith.constant 0 : index
      %get3A_30 = vector.load %arg5[%get3A_27, %get3A_28, %get3A_29] : memref<1x1x512xf32, #tpu.memory_space<vmem>>, vector<1x1x512xf32>
      %get3A_31 = vector.shape_cast %get3A_30 : vector<1x1x512xf32> to vector<1x512xf32>
      %add3A_32 = vector.broadcast %get3A_31 : vector<1x512xf32> to vector<512x512xf32>
      %add3A_33 = arith.addf %add3A, %add3A_32 : vector<512x512xf32>
      %get3A_34 = arith.constant 0 : index
      %get3A_35 = arith.constant 0 : index
      %get3A_36 = arith.constant 0 : index
      %get3A_37 = vector.load %arg6[%get3A_34, %get3A_35, %get3A_36] : memref<1x1x512xf32, #tpu.memory_space<vmem>>, vector<1x1x512xf32>
      %get3A_38 = vector.shape_cast %get3A_37 : vector<1x1x512xf32> to vector<1x512xf32>
      %get3A_39 = arith.constant 0 : index
      %get3A_40 = arith.constant 0 : index
      %get3A_41 = arith.constant 0 : index
      %get3A_42 = vector.load %arg7[%get3A_39, %get3A_40, %get3A_41] : memref<1x1x512xf32, #tpu.memory_space<vmem>>, vector<1x1x512xf32>
      %get3A_43 = vector.shape_cast %get3A_42 : vector<1x1x512xf32> to vector<1x512xf32>
      %reduce_sum3A = arith.constant dense<0.000000e+00> : vector<512xf32>
      %reduce_sum3A_44 = vector.multi_reduction <add>, %add3A_33, %reduce_sum3A [1] : vector<512x512xf32> to vector<512xf32>
      %broadcast_in_dim3A = vector.shape_cast %reduce_sum3A_44 : vector<512xf32> to vector<512x1xf32>
      %div3A = arith.constant 5.120000e+02 : f32
      %div3A_45 = vector.broadcast %div3A : f32 to vector<512x1xf32>
      %div3A_46 = arith.divf %broadcast_in_dim3A, %div3A_45 : vector<512x1xf32>
      %sub3A = vector.broadcast %div3A_46 : vector<512x1xf32> to vector<512x512xf32>
      %sub3A_47 = arith.subf %add3A_33, %sub3A : vector<512x512xf32>
      %integer_pow3A = arith.mulf %sub3A_47, %sub3A_47 : vector<512x512xf32>
      %reduce_sum3A_48 = arith.constant dense<0.000000e+00> : vector<512xf32>
      %reduce_sum3A_49 = vector.multi_reduction <add>, %integer_pow3A, %reduce_sum3A_48 [1] : vector<512x512xf32> to vector<512xf32>
      %broadcast_in_dim3A_50 = vector.shape_cast %reduce_sum3A_49 : vector<512xf32> to vector<512x1xf32>
      %div3A_51 = arith.constant 5.120000e+02 : f32
      %div3A_52 = vector.broadcast %div3A_51 : f32 to vector<512x1xf32>
      %div3A_53 = arith.divf %broadcast_in_dim3A_50, %div3A_52 : vector<512x1xf32>
      %sub3A_54 = vector.broadcast %div3A_46 : vector<512x1xf32> to vector<512x512xf32>
      %sub3A_55 = arith.subf %add3A_33, %sub3A_54 : vector<512x512xf32>
      %add3A_56 = arith.constant 9.99999974E-6 : f32
      %add3A_57 = vector.broadcast %add3A_56 : f32 to vector<512x1xf32>
      %add3A_58 = arith.addf %div3A_53, %add3A_57 : vector<512x1xf32>
      %sqrt3A = math.sqrt %add3A_58 : vector<512x1xf32>
      %div3A_59 = vector.broadcast %sqrt3A : vector<512x1xf32> to vector<512x512xf32>
      %div3A_60 = arith.divf %sub3A_55, %div3A_59 : vector<512x512xf32>
      %mul3A_61 = vector.broadcast %get3A_38 : vector<1x512xf32> to vector<512x512xf32>
      %mul3A_62 = arith.mulf %div3A_60, %mul3A_61 : vector<512x512xf32>
      %add3A_63 = vector.broadcast %get3A_43 : vector<1x512xf32> to vector<512x512xf32>
      %add3A_64 = arith.addf %mul3A_62, %add3A_63 : vector<512x512xf32>
      %max3A = arith.constant 0.000000e+00 : f32
      %max3A_65 = vector.broadcast %max3A : f32 to vector<512x512xf32>
      %max3A_66 = arith.maximumf %add3A_64, %max3A_65 : vector<512x512xf32>
      %convert_element_type3A_67 = arith.truncf %max3A_66 : vector<512x512xf32> to vector<512x512xbf16>
      %get3A_68 = arith.constant 0 : index
      %get3A_69 = arith.constant 0 : index
      %get3A_70 = arith.constant 0 : index
      %get3A_71 = vector.load %arg8[%get3A_68, %get3A_69, %get3A_70] : memref<1x512x256xbf16, #tpu.memory_space<vmem>>, vector<1x512x256xbf16>
      %get3A_72 = vector.shape_cast %get3A_71 : vector<1x512x256xbf16> to vector<512x256xbf16>
      %dot_general3A_73 = arith.constant dense<0.000000e+00> : vector<512x256xf32>
      %dot_general3A_74 = tpu.matmul %convert_element_type3A_67, %get3A_72, %dot_general3A_73 {dimension_numbers = #tpu.dot_dimension_numbers<[1], [0], [0], [1], [0, 0, 1, 1], [], []>, transpose_lhs_hint = false} : vector<512x512xbf16>, vector<512x256xbf16>, vector<512x256xf32> -> vector<512x256xf32>
      %get3A_75 = arith.constant 0 : index
      %get3A_76 = arith.constant 0 : index
      %get3A_77 = arith.constant 0 : index
      %get3A_78 = vector.load %arg9[%get3A_75, %get3A_76, %get3A_77] : memref<1x1x256xf32, #tpu.memory_space<vmem>>, vector<1x1x256xf32>
      %get3A_79 = vector.shape_cast %get3A_78 : vector<1x1x256xf32> to vector<1x256xf32>
      %add3A_80 = vector.broadcast %get3A_79 : vector<1x256xf32> to vector<512x256xf32>
      %add3A_81 = arith.addf %dot_general3A_74, %add3A_80 : vector<512x256xf32>
      %max3A_82 = arith.constant 0.000000e+00 : f32
      %max3A_83 = vector.broadcast %max3A_82 : f32 to vector<512x256xf32>
      %max3A_84 = arith.maximumf %add3A_81, %max3A_83 : vector<512x256xf32>
      %convert_element_type3A_85 = arith.truncf %max3A_84 : vector<512x256xf32> to vector<512x256xbf16>
      %get3A_86 = arith.constant 0 : index
      %get3A_87 = arith.constant 0 : index
      %get3A_88 = arith.constant 0 : index
      %get3A_89 = vector.load %arg10[%get3A_86, %get3A_87, %get3A_88] : memref<1x256x128xbf16, #tpu.memory_space<vmem>>, vector<1x256x128xbf16>
      %get3A_90 = vector.shape_cast %get3A_89 : vector<1x256x128xbf16> to vector<256x128xbf16>
      %dot_general3A_91 = arith.constant dense<0.000000e+00> : vector<512x128xf32>
      %dot_general3A_92 = tpu.matmul %convert_element_type3A_85, %get3A_90, %dot_general3A_91 {dimension_numbers = #tpu.dot_dimension_numbers<[1], [0], [0], [1], [0, 0, 1, 1], [], []>, transpose_lhs_hint = false} : vector<512x256xbf16>, vector<256x128xbf16>, vector<512x128xf32> -> vector<512x128xf32>
      %get3A_93 = arith.constant 0 : index
      %get3A_94 = arith.constant 0 : index
      %get3A_95 = arith.constant 0 : index
      %get3A_96 = vector.load %arg11[%get3A_93, %get3A_94, %get3A_95] : memref<1x1x128xf32, #tpu.memory_space<vmem>>, vector<1x1x128xf32>
      %get3A_97 = vector.shape_cast %get3A_96 : vector<1x1x128xf32> to vector<1x128xf32>
      %add3A_98 = vector.broadcast %get3A_97 : vector<1x128xf32> to vector<512x128xf32>
      %add3A_99 = arith.addf %dot_general3A_92, %add3A_98 : vector<512x128xf32>
      %get3A_100 = arith.constant 0 : index
      %get3A_101 = arith.constant 0 : index
      %get3A_102 = arith.constant 0 : index
      %get3A_103 = vector.load %arg12[%get3A_100, %get3A_101, %get3A_102] : memref<1x1x128xf32, #tpu.memory_space<vmem>>, vector<1x1x128xf32>
      %get3A_104 = vector.shape_cast %get3A_103 : vector<1x1x128xf32> to vector<1x128xf32>
      %get3A_105 = arith.constant 0 : index
      %get3A_106 = arith.constant 0 : index
      %get3A_107 = arith.constant 0 : index
      %get3A_108 = vector.load %arg13[%get3A_105, %get3A_106, %get3A_107] : memref<1x1x128xf32, #tpu.memory_space<vmem>>, vector<1x1x128xf32>
      %get3A_109 = vector.shape_cast %get3A_108 : vector<1x1x128xf32> to vector<1x128xf32>
      %reduce_sum3A_110 = arith.constant dense<0.000000e+00> : vector<512xf32>
      %reduce_sum3A_111 = vector.multi_reduction <add>, %add3A_99, %reduce_sum3A_110 [1] : vector<512x128xf32> to vector<512xf32>
      %broadcast_in_dim3A_112 = vector.shape_cast %reduce_sum3A_111 : vector<512xf32> to vector<512x1xf32>
      %div3A_113 = arith.constant 1.280000e+02 : f32
      %div3A_114 = vector.broadcast %div3A_113 : f32 to vector<512x1xf32>
      %div3A_115 = arith.divf %broadcast_in_dim3A_112, %div3A_114 : vector<512x1xf32>
      %sub3A_116 = vector.broadcast %div3A_115 : vector<512x1xf32> to vector<512x128xf32>
      %sub3A_117 = arith.subf %add3A_99, %sub3A_116 : vector<512x128xf32>
      %integer_pow3A_118 = arith.mulf %sub3A_117, %sub3A_117 : vector<512x128xf32>
      %reduce_sum3A_119 = arith.constant dense<0.000000e+00> : vector<512xf32>
      %reduce_sum3A_120 = vector.multi_reduction <add>, %integer_pow3A_118, %reduce_sum3A_119 [1] : vector<512x128xf32> to vector<512xf32>
      %broadcast_in_dim3A_121 = vector.shape_cast %reduce_sum3A_120 : vector<512xf32> to vector<512x1xf32>
      %div3A_122 = arith.constant 1.280000e+02 : f32
      %div3A_123 = vector.broadcast %div3A_122 : f32 to vector<512x1xf32>
      %div3A_124 = arith.divf %broadcast_in_dim3A_121, %div3A_123 : vector<512x1xf32>
      %sub3A_125 = vector.broadcast %div3A_115 : vector<512x1xf32> to vector<512x128xf32>
      %sub3A_126 = arith.subf %add3A_99, %sub3A_125 : vector<512x128xf32>
      %add3A_127 = arith.constant 9.99999974E-6 : f32
      %add3A_128 = vector.broadcast %add3A_127 : f32 to vector<512x1xf32>
      %add3A_129 = arith.addf %div3A_124, %add3A_128 : vector<512x1xf32>
      %sqrt3A_130 = math.sqrt %add3A_129 : vector<512x1xf32>
      %div3A_131 = vector.broadcast %sqrt3A_130 : vector<512x1xf32> to vector<512x128xf32>
      %div3A_132 = arith.divf %sub3A_126, %div3A_131 : vector<512x128xf32>
      %mul3A_133 = vector.broadcast %get3A_104 : vector<1x128xf32> to vector<512x128xf32>
      %mul3A_134 = arith.mulf %div3A_132, %mul3A_133 : vector<512x128xf32>
      %add3A_135 = vector.broadcast %get3A_109 : vector<1x128xf32> to vector<512x128xf32>
      %add3A_136 = arith.addf %mul3A_134, %add3A_135 : vector<512x128xf32>
      %swap3A = arith.constant 0 : index
      %swap3A_137 = arith.constant 0 : index
      %swap3A_138 = vector.load %arg14[%swap3A, %swap3A_137] : memref<512x128xf32, #tpu.memory_space<vmem>>, vector<512x128xf32>
      tpu.vector_store %arg14[%swap3A, %swap3A_137], %add3A_136 {strides = array<i32>} : memref<512x128xf32, #tpu.memory_space<vmem>>, vector<512x128xf32>,
    } else {
    }
    return
  }
  func.func @transform_0(%arg0: i32, %arg1: memref<25xi32, #tpu.memory_space<smem>>) -> (i32, i32) {
    %c0_i32 = arith.constant 0 : i32
    %c0_i32_0 = arith.constant 0 : i32
    return %arg0, %c0_i32 : i32, i32
  }
  func.func @transform_1(%arg0: i32, %arg1: memref<25xi32, #tpu.memory_space<smem>>) -> (i32, i32, i32) {
    %get3A = arith.index_cast %arg0 : i32 to index
    %get3A_0 = memref.load %arg1[%get3A] : memref<25xi32, #tpu.memory_space<smem>>
    %c0_i32 = arith.constant 0 : i32
    %c0_i32_1 = arith.constant 0 : i32
    %c0_i32_2 = arith.constant 0 : i32
    return %get3A_0, %c0_i32, %c0_i32_1 : i32, i32, i32
  }
  func.func @transform_2(%arg0: i32, %arg1: memref<25xi32, #tpu.memory_space<smem>>) -> (i32, i32, i32) {
    %get3A = arith.index_cast %arg0 : i32 to index
    %get3A_0 = memref.load %arg1[%get3A] : memref<25xi32, #tpu.memory_space<smem>>
    %c0_i32 = arith.constant 0 : i32
    %c0_i32_1 = arith.constant 0 : i32
    %c0_i32_2 = arith.constant 0 : i32
    return %get3A_0, %c0_i32, %c0_i32_1 : i32, i32, i32
  }
  func.func @transform_3(%arg0: i32, %arg1: memref<25xi32, #tpu.memory_space<smem>>) -> (i32, i32, i32) {
    %get3A = arith.index_cast %arg0 : i32 to index
    %get3A_0 = memref.load %arg1[%get3A] : memref<25xi32, #tpu.memory_space<smem>>
    %c0_i32 = arith.constant 0 : i32
    %c0_i32_1 = arith.constant 0 : i32
    %c0_i32_2 = arith.constant 0 : i32
    return %get3A_0, %c0_i32, %c0_i32_1 : i32, i32, i32
  }
  func.func @transform_4(%arg0: i32, %arg1: memref<25xi32, #tpu.memory_space<smem>>) -> (i32, i32, i32) {
    %get3A = arith.index_cast %arg0 : i32 to index
    %get3A_0 = memref.load %arg1[%get3A] : memref<25xi32, #tpu.memory_space<smem>>
    %c0_i32 = arith.constant 0 : i32
    %c0_i32_1 = arith.constant 0 : i32
    %c0_i32_2 = arith.constant 0 : i32
    return %get3A_0, %c0_i32, %c0_i32_1 : i32, i32, i32
  }
  func.func @transform_5(%arg0: i32, %arg1: memref<25xi32, #tpu.memory_space<smem>>) -> (i32, i32, i32) {
    %get3A = arith.index_cast %arg0 : i32 to index
    %get3A_0 = memref.load %arg1[%get3A] : memref<25xi32, #tpu.memory_space<smem>>
    %c0_i32 = arith.constant 0 : i32
    %c0_i32_1 = arith.constant 0 : i32
    %c0_i32_2 = arith.constant 0 : i32
    return %get3A_0, %c0_i32, %c0_i32_1 : i32, i32, i32
  }
  func.func @transform_6(%arg0: i32, %arg1: memref<25xi32, #tpu.memory_space<smem>>) -> (i32, i32, i32) {
    %get3A = arith.index_cast %arg0 : i32 to index
    %get3A_0 = memref.load %arg1[%get3A] : memref<25xi32, #tpu.memory_space<smem>>
    %c0_i32 = arith.constant 0 : i32
    %c0_i32_1 = arith.constant 0 : i32
    %c0_i32_2 = arith.constant 0 : i32
    return %get3A_0, %c0_i32, %c0_i32_1 : i32, i32, i32
  }
  func.func @transform_7(%arg0: i32, %arg1: memref<25xi32, #tpu.memory_space<smem>>) -> (i32, i32, i32) {
    %get3A = arith.index_cast %arg0 : i32 to index
    %get3A_0 = memref.load %arg1[%get3A] : memref<25xi32, #tpu.memory_space<smem>>
    %c0_i32 = arith.constant 0 : i32
    %c0_i32_1 = arith.constant 0 : i32
    %c0_i32_2 = arith.constant 0 : i32
    return %get3A_0, %c0_i32, %c0_i32_1 : i32, i32, i32
  }
  func.func @transform_8(%arg0: i32, %arg1: memref<25xi32, #tpu.memory_space<smem>>) -> (i32, i32, i32) {
    %get3A = arith.index_cast %arg0 : i32 to index
    %get3A_0 = memref.load %arg1[%get3A] : memref<25xi32, #tpu.memory_space<smem>>
    %c0_i32 = arith.constant 0 : i32
    %c0_i32_1 = arith.constant 0 : i32
    %c0_i32_2 = arith.constant 0 : i32
    return %get3A_0, %c0_i32, %c0_i32_1 : i32, i32, i32
  }
  func.func @transform_9(%arg0: i32, %arg1: memref<25xi32, #tpu.memory_space<smem>>) -> (i32, i32, i32) {
    %get3A = arith.index_cast %arg0 : i32 to index
    %get3A_0 = memref.load %arg1[%get3A] : memref<25xi32, #tpu.memory_space<smem>>
    %c0_i32 = arith.constant 0 : i32
    %c0_i32_1 = arith.constant 0 : i32
    %c0_i32_2 = arith.constant 0 : i32
    return %get3A_0, %c0_i32, %c0_i32_1 : i32, i32, i32
  }
  func.func @transform_10(%arg0: i32, %arg1: memref<25xi32, #tpu.memory_space<smem>>) -> (i32, i32, i32) {
    %get3A = arith.index_cast %arg0 : i32 to index
    %get3A_0 = memref.load %arg1[%get3A] : memref<25xi32, #tpu.memory_space<smem>>
    %c0_i32 = arith.constant 0 : i32
    %c0_i32_1 = arith.constant 0 : i32
    %c0_i32_2 = arith.constant 0 : i32
    return %get3A_0, %c0_i32, %c0_i32_1 : i32, i32, i32
  }
  func.func @transform_11(%arg0: i32, %arg1: memref<25xi32, #tpu.memory_space<smem>>) -> (i32, i32, i32) {
    %get3A = arith.index_cast %arg0 : i32 to index
    %get3A_0 = memref.load %arg1[%get3A] : memref<25xi32, #tpu.memory_space<smem>>
    %c0_i32 = arith.constant 0 : i32
    %c0_i32_1 = arith.constant 0 : i32
    %c0_i32_2 = arith.constant 0 : i32
    return %get3A_0, %c0_i32, %c0_i32_1 : i32, i32, i32
  }
  func.func @transform_12(%arg0: i32, %arg1: memref<25xi32, #tpu.memory_space<smem>>) -> (i32, i32) {
    %c0_i32 = arith.constant 0 : i32
    %c0_i32_0 = arith.constant 0 : i32
    return %arg0, %c0_i32 : i32, i32
  }
}

module attributes {stable_mosaic.version = 14 : i64} {
  func.func @_out_kernel(%arg0: i32, %arg1: memref<512x128xf32, #tpu.memory_space<vmem>>, %arg2: memref<512x128xf32, #tpu.memory_space<vmem>>, %arg3: memref<512x2xf32, #tpu.memory_space<vmem>>, %arg4: memref<512x1024xf32, #tpu.memory_space<vmem>>, %arg5: memref<128x1024xbf16, #tpu.memory_space<vmem>>, %arg6: memref<1x1024xf32, #tpu.memory_space<vmem>>, %arg7: memref<1x1xf32, #tpu.memory_space<vmem>>, %arg8: memref<512x1024xf32, #tpu.memory_space<vmem>>) attributes {dimension_semantics = [#tpu.dimension_semantics<arbitrary>], iteration_bounds = array<i64: 8>, scalar_prefetch = 0 : i64, scratch_operands = 0 : i64, tpu.core_type = #tpu.core_type<tc>, window_params = [{transform_indices = @transform_0, window_bounds = array<i64: 512, 128>}, {transform_indices = @transform_1, window_bounds = array<i64: 512, 128>}, {transform_indices = @transform_2, window_bounds = array<i64: 512, 2>}, {transform_indices = @transform_3, window_bounds = array<i64: 512, 1024>}, {pipeline_mode = #tpu.pipeline_mode<synchronous>, transform_indices = @transform_4, window_bounds = array<i64: 128, 1024>}, {pipeline_mode = #tpu.pipeline_mode<synchronous>, transform_indices = @transform_5, window_bounds = array<i64: 1, 1024>}, {pipeline_mode = #tpu.pipeline_mode<synchronous>, transform_indices = @transform_6, window_bounds = array<i64: 1, 1>}, {transform_indices = @transform_7, window_bounds = array<i64: 512, 1024>}]} {
    %get3A = arith.constant 0 : index
    %get3A_0 = arith.constant 0 : index
    %get3A_1 = vector.load %arg3[%get3A, %get3A_0] : memref<512x2xf32, #tpu.memory_space<vmem>>, vector<512x2xf32>
    %get3A_2 = arith.constant 0 : index
    %get3A_3 = arith.constant 0 : index
    %get3A_4 = vector.load %arg1[%get3A_2, %get3A_3] : memref<512x128xf32, #tpu.memory_space<vmem>>, vector<512x128xf32>
    %slice3A = vector.extract_strided_slice %get3A_1 {offsets = [0, 0], sizes = [512, 1], strides = [1, 1]} : vector<512x2xf32> to vector<512x1xf32>
    %mul3A = vector.broadcast %slice3A : vector<512x1xf32> to vector<512x128xf32>
    %mul3A_5 = arith.mulf %get3A_4, %mul3A : vector<512x128xf32>
    %get3A_6 = arith.constant 0 : index
    %get3A_7 = arith.constant 0 : index
    %get3A_8 = vector.load %arg2[%get3A_6, %get3A_7] : memref<512x128xf32, #tpu.memory_space<vmem>>, vector<512x128xf32>
    %slice3A_9 = vector.extract_strided_slice %get3A_1 {offsets = [0, 1], sizes = [512, 1], strides = [1, 1]} : vector<512x2xf32> to vector<512x1xf32>
    %mul3A_10 = vector.broadcast %slice3A_9 : vector<512x1xf32> to vector<512x128xf32>
    %mul3A_11 = arith.mulf %get3A_8, %mul3A_10 : vector<512x128xf32>
    %add3A = arith.addf %mul3A_5, %mul3A_11 : vector<512x128xf32>
    %convert_element_type3A = arith.truncf %add3A : vector<512x128xf32> to vector<512x128xbf16>
    %get3A_12 = arith.constant 0 : index
    %get3A_13 = arith.constant 0 : index
    %get3A_14 = vector.load %arg5[%get3A_12, %get3A_13] : memref<128x1024xbf16, #tpu.memory_space<vmem>>, vector<128x1024xbf16>
    %dot_general3A = arith.constant dense<0.000000e+00> : vector<512x1024xf32>
    %dot_general3A_15 = tpu.matmul %convert_element_type3A, %get3A_14, %dot_general3A {dimension_numbers = #tpu.dot_dimension_numbers<[1], [0], [0], [1], [0, 0, 1, 1], [], []>, transpose_lhs_hint = false} : vector<512x128xbf16>, vector<128x1024xbf16>, vector<512x1024xf32> -> vector<512x1024xf32>
    %get3A_16 = arith.constant 0 : index
    %get3A_17 = arith.constant 0 : index
    %get3A_18 = vector.load %arg6[%get3A_16, %get3A_17] : memref<1x1024xf32, #tpu.memory_space<vmem>>, vector<1x1024xf32>
    %add3A_19 = vector.broadcast %get3A_18 : vector<1x1024xf32> to vector<512x1024xf32>
    %add3A_20 = arith.addf %dot_general3A_15, %add3A_19 : vector<512x1024xf32>
    %get3A_21 = arith.constant 0 : index
    %get3A_22 = arith.constant 0 : index
    %get3A_23 = vector.load %arg4[%get3A_21, %get3A_22] : memref<512x1024xf32, #tpu.memory_space<vmem>>, vector<512x1024xf32>
    %get3A_24 = arith.constant 0 : index
    %get3A_25 = arith.constant 0 : index
    %get3A_26 = vector.load %arg7[%get3A_24, %get3A_25] : memref<1x1xf32, #tpu.memory_space<vmem>>, vector<1x1xf32>
    %get3A_27 = vector.extract %get3A_26[0, 0] : f32 from vector<1x1xf32>
    %mul3A_28 = vector.broadcast %get3A_27 : f32 to vector<512x1024xf32>
    %mul3A_29 = arith.mulf %mul3A_28, %add3A_20 : vector<512x1024xf32>
    %add3A_30 = arith.addf %get3A_23, %mul3A_29 : vector<512x1024xf32>
    %swap3A = arith.constant 0 : index
    %swap3A_31 = arith.constant 0 : index
    %swap3A_32 = vector.load %arg8[%swap3A, %swap3A_31] : memref<512x1024xf32, #tpu.memory_space<vmem>>, vector<512x1024xf32>
    tpu.vector_store %arg8[%swap3A, %swap3A_31], %add3A_30 {strides = array<i32>} : memref<512x1024xf32, #tpu.memory_space<vmem>>, vector<512x1024xf32>,
    return
  }
  func.func @transform_0(%arg0: i32) -> (i32, i32) {
    %c0_i32 = arith.constant 0 : i32
    %c0_i32_0 = arith.constant 0 : i32
    return %arg0, %c0_i32 : i32, i32
  }
  func.func @transform_1(%arg0: i32) -> (i32, i32) {
    %add3A = arith.constant 8 : i32
    %add3A_0 = arith.addi %arg0, %add3A : i32
    %c0_i32 = arith.constant 0 : i32
    %c0_i32_1 = arith.constant 0 : i32
    return %add3A_0, %c0_i32 : i32, i32
  }
  func.func @transform_2(%arg0: i32) -> (i32, i32) {
    %c0_i32 = arith.constant 0 : i32
    %c0_i32_0 = arith.constant 0 : i32
    return %arg0, %c0_i32 : i32, i32
  }
  func.func @transform_3(%arg0: i32) -> (i32, i32) {
    %c0_i32 = arith.constant 0 : i32
    %c0_i32_0 = arith.constant 0 : i32
    return %arg0, %c0_i32 : i32, i32
  }
  func.func @transform_4(%arg0: i32) -> (i32, i32) {
    %c0_i32 = arith.constant 0 : i32
    %c0_i32_0 = arith.constant 0 : i32
    %c0_i32_1 = arith.constant 0 : i32
    return %c0_i32, %c0_i32_0 : i32, i32
  }
  func.func @transform_5(%arg0: i32) -> (i32, i32) {
    %c0_i32 = arith.constant 0 : i32
    %c0_i32_0 = arith.constant 0 : i32
    %c0_i32_1 = arith.constant 0 : i32
    return %c0_i32, %c0_i32_0 : i32, i32
  }
  func.func @transform_6(%arg0: i32) -> (i32, i32) {
    %c0_i32 = arith.constant 0 : i32
    %c0_i32_0 = arith.constant 0 : i32
    %c0_i32_1 = arith.constant 0 : i32
    return %c0_i32, %c0_i32_0 : i32, i32
  }
  func.func @transform_7(%arg0: i32) -> (i32, i32) {
    %c0_i32 = arith.constant 0 : i32
    %c0_i32_0 = arith.constant 0 : i32
    return %arg0, %c0_i32 : i32, i32
  }
}

</mosaic_0001>

<sc_bundles>
// kernel: kernel.10.cloned.1.call-start
scs
__scs_entry_jumppad:
0x0: {  	(pc) =	sbr.rel $0x88, $3  }
0x1: {  	(tag) =	ssettag $0x0;
	lr =	simm.s32 $0x1  }
0x2: {  	[smem:$0x3F89] =	sst lr;
	_ =	strace $0xD0000000  }
0x3: {  	_ = 	snop  }
0x4: {  	_ = 	snop  }
0x5: {  	_ = 	snop  }
0x6: {  	_ = 	snop  }
0x7: {  	_ = 	snop  }
__scs_overlays_trampoline_lowered:
0x8: {  	[smem:$0x3F98] =	sst s0  }
0x9: {  	[smem:$0x3F99] =	sst s1  }
0xa: {  	[smem:$0x3F9A] =	sst s2  }
0xb: {  	[smem:$0x3F9B] =	sst s3  }
0xc: {  	[smem:$0x3F9C] =	sst s4  }
0xd: {  	[smem:$0x3F9D] =	sst s5  }
0xe: {  	[smem:$0x3F9E] =	sst s6  }
0xf: {  	[smem:$0x3F9F] =	sst s7  }
0x10: {  	[smem:$0x3FA0] =	sst s8  }
0x11: {  	[smem:$0x3FA1] =	sst s9;
	s0 =	simm.s32 @!p0 $0x0  }
0x12: {  	s1 =	sld [smem:$0x3F87];
	s0 =	simm.s32 @p0 $0x1  }
0x13: {  	[smem:$0x3FA2] =	sst s0;
	s0 =	simm.s32 @!p1 $0x0  }
0x14: {  	s2 =	sld [smem:$0x3F86];
	s0 =	simm.s32 @p1 $0x1  }
0x15: {  	[smem:$0x3FA3] =	sst s0;
	s0 =	simm.s32 @!p2 $0x0  }
0x16: {  	s3 =	sld [smem:$0x3FDB];
	s0 =	simm.s32 @p2 $0x1  }
0x17: {  	s4 =	simm.s32 $0x1BF5;
	[smem:$0x3FA5] =	sst s0  }
0x18: {  	s0 =	sld [smem:$0x3F88];
	_ =	swait.ge [sflag:s4], $0x0  }
0x19: {  	s7 =	sld [smem:$0x3F89]  }
0x1a: {  	s8 =	sadd.s32 $0xFFFFE003, lr  }
0x1b: {  	s9 =	sadd.s32 $0xFFFFFEF7, lr;
	s5 =	simm.s32 $0xFFFFFFFF;
	p2 =	slt.u32 s8, $0xFFFFF086  }
0x1c: {  	p1 =	slt.u32 s9, $0xF7A;
	s5 =	simm.s32 @!p2 $0x0  }
0x1d: {  	s5 =	simm.s32 @p1 $0x1;
	p0 =	seq.s32 s7, s2  }
0x1e: {  	s7 =	smul.u32 @!p0 $0xF7A, s2;
	p2 =	seq.s32 @!p0 s5, $0x0  }
0x1f: {  	s9 =	smul.u32 $0xF7A, s1;
	s8 =	simm.s32 @!p0 $0x1BF5;
	p2 =	por !p2, p0  }
0x20: {  	[sflag:s8] =	ssyncset.s32 @!p0 $0xFFFFF086;
	s6 =	sadd.s32 @!p0 s3, s7;
	s7 =	simm.s32 @!p0 $0x108  }
0x21: {  	s3 =	sadd.s32 s3, s9;
	s6 =	sadd.s32 @!p0 $0x88, s6;
	s7 =	simm.s32 @p2 $0x1082  }
0x22: {  	[simem:s7], [sflag:s8] =	dma.local @!p0 [hbm:s6], $0xF7A  }
0x23: {  	s9 =	sor.u32 $0xD0000000, s2;
	s6 =	simm.s32 $0x108;
	_ =	swait.ge @!p0 [sflag:s8], $0x0  }
0x24: {  	s3 =	sadd.s32 $0x88, s3;
	s6 =	simm.s32 @!p1 $0x1082;
	[sflag:s4] =	ssyncset.s32 $0xFFFFF086  }
0x25: {  	[simem:s6], [sflag:s4] =	dma.local [hbm:s3], $0xF7A  }
0x26: {  	[smem:$0x3F89] =	sst s1;
	(tag) =	ssettag s2;
	_ =	strace s9  }
0x27: {  	s1 =	sld [smem:$0x3F99]  }
0x28: {  	s2 =	sld [smem:$0x3F9A]  }
0x29: {  	s4 =	sld [smem:$0x3F9C]  }
0x2a: {  	p0 =	seq.s32 s5, $0x0;
	s5 =	sld [smem:$0x3F9D]  }
0x2b: {  	s6 =	sld [smem:$0x3F9E]  }
0x2c: {  	s7 =	sld [smem:$0x3F9F]  }
0x2d: {  	s3 =	simm.s32 $0x108;
	s8 =	sld [smem:$0x3FA0]  }
0x2e: {  	s3 =	simm.s32 @!p0 $0x1082;
	s9 =	sld [smem:$0x3FA1]  }
0x2f: {  	lr =	sadd.s32 s0, s3;
	s0 =	sld [smem:$0x3F98]  }
0x30: {  	s3 =	sld [smem:$0x3F9B]  }
0x31: {  	[smem:$0x3FA4] =	sst s10  }
0x32: {  	s10 =	sld [smem:$0x3FA2];
	_ =	sdelay $0x3  }
0x33: {  	p0 =	seq.s32 s10, $0x1;
	s10 =	sld [smem:$0x3FA4];
	_ =	sdelay $0x3  }
0x34: {  	[smem:$0x3FA4] =	sst s10  }
0x35: {  	s10 =	sld [smem:$0x3FA3];
	_ =	sdelay $0x3  }
0x36: {  	p1 =	seq.s32 s10, $0x1;
	s10 =	sld [smem:$0x3FA4];
	_ =	sdelay $0x3  }
0x37: {  	[smem:$0x3FA4] =	sst s10  }
0x38: {  	s10 =	sld [smem:$0x3FA5]  }
0x39: {  	_ = 	snop;
	(pc) =	sbr.ind lr, $3  }
0x3a: {  	_ = 	snop  }
0x3b: {  	_ = 	snop  }
0x3c: {  	p2 =	seq.s32 s10, $0x1;
	s10 =	sld [smem:$0x3FA4]  }
0x3d: {  	_ =	shalt  }
0x3e: {  	_ =	shalt  }
0x3f: {  	_ =	shalt  }
0x40: {  	_ =	shalt  }
0x41: {  	_ =	shalt  }
0x42: {  	_ =	shalt  }
0x43: {  	_ =	shalt  }
0x44: {  	_ =	shalt  }
0x45: {  	_ =	shalt  }
0x46: {  	_ =	shalt  }
0x47: {  	_ =	shalt  }
0x48: {  	_ =	shalt  }
0x49: {  	_ =	shalt  }
0x4a: {  	_ =	shalt  }
0x4b: {  	_ =	shalt  }
0x4c: {  	_ =	shalt  }
0x4d: {  	_ =	shalt  }
0x4e: {  	_ =	shalt  }
0x4f: {  	_ =	shalt  }
0x50: {  	_ =	shalt  }
0x51: {  	_ =	shalt  }
0x52: {  	_ =	shalt  }
0x53: {  	_ =	shalt  }
0x54: {  	_ =	shalt  }
0x55: {  	_ =	shalt  }
0x56: {  	_ =	shalt  }
0x57: {  	_ =	shalt  }
0x58: {  	_ =	shalt  }
0x59: {  	_ =	shalt  }
0x5a: {  	_ =	shalt  }
0x5b: {  	_ =	shalt  }
0x5c: {  	_ =	shalt  }
0x5d: {  	_ =	shalt  }
0x5e: {  	_ =	shalt  }
0x5f: {  	_ =	shalt  }
0x60: {  	_ =	shalt  }
0x61: {  	_ =	shalt  }
0x62: {  	_ =	shalt  }
0x63: {  	_ =	shalt  }
0x64: {  	_ =	shalt  }
0x65: {  	_ =	shalt  }
0x66: {  	_ =	shalt  }
0x67: {  	_ =	shalt  }
0x68: {  	_ =	shalt  }
0x69: {  	_ =	shalt  }
0x6a: {  	_ =	shalt  }
0x6b: {  	_ =	shalt  }
0x6c: {  	_ =	shalt  }
0x6d: {  	_ =	shalt  }
0x6e: {  	_ =	shalt  }
0x6f: {  	_ =	shalt  }
0x70: {  	_ =	shalt  }
0x71: {  	_ =	shalt  }
0x72: {  	_ =	shalt  }
0x73: {  	_ =	shalt  }
0x74: {  	_ =	shalt  }
0x75: {  	_ =	shalt  }
0x76: {  	_ =	shalt  }
0x77: {  	_ =	shalt  }
0x78: {  	_ =	shalt  }
0x79: {  	_ =	shalt  }
0x7a: {  	_ =	shalt  }
0x7b: {  	_ =	shalt  }
0x7c: {  	_ =	shalt  }
0x7d: {  	_ =	shalt  }
0x7e: {  	_ =	shalt  }
0x7f: {  	_ =	shalt  }
0x80: {  	_ =	shalt  }
0x81: {  	_ =	shalt  }
0x82: {  	_ =	shalt  }
0x83: {  	_ =	shalt  }
0x84: {  	_ =	shalt  }
0x85: {  	_ =	shalt  }
0x86: {  	_ =	shalt  }
0x87: {  	_ =	shalt  }
.Lfunc_end0:
.L_simem_size_0:
called_computation.1_lowered:
.L_overlay_start_0:
0x88: {  	s2 =	sld [smem:$0x3FD9]  }
0x89: {  	s3 =	sld [smem:$0x3FFE];
	_ =	sdelay $0x1  }
0x8a: {  	s1 =	srdreg.scid  }
0x8b: {  	s0 =	sand.u32 $0x1, s1  }
0x8c: {  	s17 =	sshll.u32 s0, $0xA;
	s2 =	sadd.s32 s3, s2  }
0x8d: {  	s2 =	sadd.s32 s2, s17  }
0x8e: {  	[smem:$0x3FB0] =	sst s2  }
0x8f: {  	_ = 	snop  }
0x90: {  	s2 =	sld [smem:$0x3FD0];
	(tm) =	ssettm $0x1  }
0x91: {  	s18 =	sld [smem:$0x3FFB];
	_ =	sdelay $0x3  }
0x92: {  	_ =	strace s18  }
0x93: {  	s3 =	sld [smem:$0x3FFC];
	_ =	sdelay $0x3  }
0x94: {  	_ =	strace s3  }
0x95: {  	s3 =	sld [smem:$0x3FFD];
	_ =	sdelay $0x3  }
0x96: {  	_ =	strace s3  }
0x97: {  	_ =	strace $0x8FFFFFFF  }
0x98: {  	s19 =	sld [smem:$0x3FDB];
	_ =	sdelay $0x1  }
0x99: {  	s4 =	simm.s32 $_scs_section_size  }
0x9a: {  	s5 =	simm.s32 $_size__tile_overlayer_lowered;
	s6 =	simm.s32 $_tile_overlayer_lowered  }
0x9b: {  	s22 =	simm.s32 $0x1BFF;
	s21 =	sshll.u32 s6, $0x1;
	s3 =	sadd.s32 s4, s19  }
0x9c: {  	s7 =	simm.s32 $0x0;
	s20 =	sshll.u32 s5, $0x1;
	s5 =	sadd.s32 s21, s3  }
0x9d: {  	[timem:s7], [sflag:s22] =	dma.local [hbm:s5], s20  }
0x9e: {  	_ =	swait.ge [sflag:s22], s20  }
0x9f: {  	s4 =	ssub.s32 $0x0, s20;
	[sflag:s22] =	ssyncset.done $0x0  }
0xa0: {  	[sflag:s22] =	ssyncadd.s32 s4;
	_ =	sdelay $0x1  }
0xa1: {  	s23 =	simm.s32 $0x1B8B  }
0xa2: {  	_ =	swait.ge [sflag:s23], $0x1  }
0xa3: {  	[sflag:s23] =	ssyncset.done $0x0  }
0xa4: {  	s25 =	simm.s32 $0x1B8E;
	s24 =	sld [smem:$0x3FFE];
	[sflag:s23] =	ssyncadd.s32 $0xFFFFFFFF  }
0xa5: {  	s26 =	simm.s32 $execute0_lowered;
	[smem:$0x3FD2] =	sst s25  }
0xa6: {  	s5 =	sshll.u32 s26, $0x1;
	_ =	strace $0x80000049;
	[dreg:$0x1] =	wrdreg $0xFFFFFFFF  }
0xa7: {  	s28 =	simm.s32 $_size_execute0_lowered;
	s3 =	sadd.s32 s3, s5;
	[dreg:$0x0] =	wrdreg $0x0  }
0xa8: {  	s5 =	sshll.u32 s28, $0x1;
	[dreg:$0x2] =	wrdreg s3  }
0xa9: {  	[dreg:$0x3] =	wrdreg s5  }
0xaa: {  	[dreg:$0x4] =	wrdreg $0xC0  }
0xab: {  	_ =	task [dreg:s7], $0x5FFFF  }
0xac: {  	[dreg:$0x1] =	wrdreg $0xFFFFFFFF  }
0xad: {  	[dreg:$0x0] =	wrdreg $0x60  }
0xae: {  	[dreg:$0x2] =	wrdreg s2  }
0xaf: {  	[dreg:$0x3] =	wrdreg s24  }
0xb0: {  	[dreg:$0x4] =	wrdreg $0x9  }
0xb1: {  	_ =	task.clear_ibuf [dreg:s7], $0x5FFFF;
	_ =	strace $0x90000049  }
0xb2: {  	s29 =	simm.s32 $0x9;
	_ =	strace $0x8000004B  }
0xb3: {  	_ =	swait.ge [sflag:s29], $0x1  }
0xb4: {  	[sflag:s29] =	ssyncadd.s32 $0xFFFFFFFF  }
0xb5: {  	_ =	strace $0x9000004B  }
0xb6: {  	_ =	sfence  }
0xb7: {  	s30 =	sld [smem:$0x0];
	_ =	sdelay $0x2  }
0xb8: {  	s31 =	sshll.u32 s1, $0xD;
	s1 =	sshrl.u32 s1, $0x2  }
0xb9: {  	s3 =	sand.u32 $0x4000, s31;
	s1 =	sadd.s32 s1, s30  }
0xba: {  	s0 =	sor.u32 s3, s0;
	s1 =	sshll.u32 s1, $0x11  }
0xbb: {  	s0 =	sor.u32 s1, s0  }
0xbc: {  	s0 =	sadd.s32 $0x8F2B, s0  }
0xbd: {  	[sflag:s0] =	ssyncadd.remote.s32 $0x1  }
0xbe: {  	_ =	sfence.sel $0xFFFF  }
0xbf: {  	[dreg:$0x0] =	wrdreg $0xFFFFFFFF;
	(pc) =	sbr.abs _section_cstart, $3  }
0xc0: {  	[dreg:$0x1] =	wrdreg $0xFFFFFFFF  }
0xc1: {  	_ =	task.clear_ibuf [dreg:s7], $0x2FFFF;
	_ =	strace $0x9FFFFFFF  }
0xc2: {  	(tm) =	ssettm $0x7FFFFFFF  }
0xc3: {  	_ =	shalt  }
tec
execute0_lowered:
.L_overlay_start_1:
0x0: {  	(tag) =	ssettag $0x1  }
0x1: {  	s1 =	srdreg.scid;
	s0 =	stileid.u32  }
0x2: {  	s2 =	rddreg [dreg:$0x0];
	s14 =	sand.u32 $0x1, s1;
	s31 =	sshll.u32 s0, $0x1  }
0x3: {  	s9 =	rddreg [dreg:$0x1];
	s10 =	sor.u32 s14, s31  }
0x4: {  	s3 =	simm.s32 $0x0;
	s1 =	rddreg [dreg:$0x2];
	s4 =	sshll.u32 s10, $0x6  }
0x5: {  	[smem:$0x7FF] =	sst s3;
	s4 =	sadd.s32 s4, s9  }
0x6: {  	_ =	strace $0x8000004A;
	s5 =	sadd.s32 $0x1F8C00, s4;
	s4 =	simm.s32 $0x2  }
0x7: {  	[tilespmem:s3], [sflag:$0x2] =	stream.linear.gather [hbm4b:s5+s3], $0x200, $0x38;
	[tilespmem:$0x2200] =	vst v63  }
0x8: {  	_ =	swait.ge [sflag:s4], $0x200  }
0x9: {  	s6 =	simm.s32 $0x40;
	[sflag:s4] =	ssyncset.done $0x0  }
0xa: {  	s7 =	simm.s32 $0x200;
	s8 =	simm.s32 $0x1;
	[sflag:s4] =	ssyncadd.s32 $0xFFFFFE00  }
0xb: {  	[tilespmem:s7], [sflag:$0x1] =	stream.indirect.gather [hbm4b:s2+s6], $0x80, s3, s6, $0xb8;
	[tilespmem:$0x2200] =	vst v63  }
0xc: {  	s10 =	sshll.u32 s10, $0xC;
	_ =	swait.ge [sflag:s8], $0x2000  }
0xd: {  	s15 =	sadd.s32 s10, s9;
	[sflag:s8] =	ssyncset.done $0x0  }
0xe: {  	s9 =	sadd.s32 $0x3C00, s15;
	[sflag:s8] =	ssyncadd.s32 $0xFFFFE000  }
0xf: {  	[hbm4b:s9+s3] =	stream.linear.scatter [tilespmem:s7], [sflag:$0x2], $0x2000, $0x38;
	[tilespmem:$0x2200] =	vst v63  }
0x10: {  	_ =	swait.ge [sflag:s4], $0x2000  }
0x11: {  	[sflag:s4] =	ssyncset.done $0x0  }
0x12: {  	s10 =	simm.s32 $0x80;
	[sflag:s4] =	ssyncadd.s32 $0xFFFFE000  }
0x13: {  	[tilespmem:s7], [sflag:$0x1] =	stream.indirect.gather [hbm4b:s2+s6], $0x80, s10, s6, $0xb8;
	[tilespmem:$0x2200] =	vst v63  }
0x14: {  	_ =	swait.ge [sflag:s8], $0x2000  }
0x15: {  	[sflag:s8] =	ssyncset.done $0x0  }
0x16: {  	s11 =	sadd.s32 $0x4000, s15;
	[sflag:s8] =	ssyncadd.s32 $0xFFFFE000  }
0x17: {  	[hbm4b:s11+s3] =	stream.linear.scatter [tilespmem:s7], [sflag:$0x2], $0x2000, $0x38;
	[tilespmem:$0x2200] =	vst v63  }
0x18: {  	_ =	swait.ge [sflag:s4], $0x2000  }
0x19: {  	[sflag:s4] =	ssyncset.done $0x0  }
0x1a: {  	s12 =	simm.s32 $0x100;
	[sflag:s4] =	ssyncadd.s32 $0xFFFFE000  }
0x1b: {  	[tilespmem:s7], [sflag:$0x1] =	stream.indirect.gather [hbm4b:s2+s6], $0x80, s12, s6, $0xb8;
	[tilespmem:$0x2200] =	vst v63  }
0x1c: {  	_ =	swait.ge [sflag:s8], $0x2000  }
0x1d: {  	[sflag:s8] =	ssyncset.done $0x0  }
0x1e: {  	s16 =	ssub.s32 $0x2, s14;
	s13 =	sadd.s32 $0x4400, s15;
	[sflag:s8] =	ssyncadd.s32 $0xFFFFE000  }
0x1f: {  	[hbm4b:s13+s3] =	stream.linear.scatter [tilespmem:s7], [sflag:$0x2], $0x2000, $0x38;
	[tilespmem:$0x2200] =	vst v63  }
0x20: {  	s17 =	sshrl.u32 s16, $0x1;
	_ =	swait.ge [sflag:s4], $0x2000  }
0x21: {  	s16 =	ssub.s32 s16, s17;
	[sflag:s4] =	ssyncset.done $0x0  }
0x22: {  	s14 =	simm.s32 $0x180;
	s16 =	smax.u32 s16, $0x1;
	[sflag:s4] =	ssyncadd.s32 $0xFFFFE000  }
0x23: {  	[tilespmem:s7], [sflag:$0x1] =	stream.indirect.gather [hbm4b:s2+s6], $0x80, s14, s6, $0xb8;
	[tilespmem:$0x2200] =	vst v63  }
0x24: {  	p0 =	sne.s32 s16, $0x1;
	_ =	swait.ge [sflag:s8], $0x2000  }
.Ltmp0:
0x25: {  	[sflag:s8] =	ssyncset.done $0x0;
	(pc) =	sbr.rel @!p0 .LBB2_2-.Ltmp0, $4  }
0x26: {  	s15 =	sadd.s32 $0x4800, s15;
	[sflag:s8] =	ssyncadd.s32 $0xFFFFE000  }
0x27: {  	[hbm4b:s15+s3] =	stream.linear.scatter [tilespmem:s7], [sflag:$0x2], $0x2000, $0x38;
	[tilespmem:$0x2200] =	vst v63  }
0x28: {  	_ =	swait.ge [sflag:s4], $0x2000  }
0x29: {  	s16 =	sadd.s32 $0xFFFFFFFF, s16;
	[sflag:s4] =	ssyncset.done $0x0  }
.LBB2_1:
0x2a: {  	p0 =	sne.s32 s16, $0x1;
	s16 =	sadd.s32 $0xFFFFFFFF, s16;
	[sflag:s4] =	ssyncadd.s32 $0xFFFFE000  }
0x2b: {  	[tilespmem:s3], [sflag:$0x2] =	stream.linear.gather [hbm4b:s5+s3], $0x200, $0x38;
	[tilespmem:$0x2200] =	vst v63  }
0x2c: {  	_ =	swait.ge [sflag:s4], $0x200  }
0x2d: {  	[sflag:s4] =	ssyncset.done $0x0  }
0x2e: {  	[sflag:s4] =	ssyncadd.s32 $0xFFFFFE00  }
0x2f: {  	[tilespmem:s7], [sflag:$0x1] =	stream.indirect.gather [hbm4b:s2+s6], $0x80, s3, s6, $0xb8;
	[tilespmem:$0x2200] =	vst v63  }
0x30: {  	_ =	swait.ge [sflag:s8], $0x2000  }
0x31: {  	[sflag:s8] =	ssyncset.done $0x0  }
0x32: {  	[sflag:s8] =	ssyncadd.s32 $0xFFFFE000  }
0x33: {  	[hbm4b:s9+s3] =	stream.linear.scatter [tilespmem:s7], [sflag:$0x2], $0x2000, $0x38;
	[tilespmem:$0x2200] =	vst v63  }
0x34: {  	_ =	swait.ge [sflag:s4], $0x2000  }
0x35: {  	[sflag:s4] =	ssyncset.done $0x0  }
0x36: {  	[sflag:s4] =	ssyncadd.s32 $0xFFFFE000  }
0x37: {  	[tilespmem:s7], [sflag:$0x1] =	stream.indirect.gather [hbm4b:s2+s6], $0x80, s10, s6, $0xb8;
	[tilespmem:$0x2200] =	vst v63  }
0x38: {  	_ =	swait.ge [sflag:s8], $0x2000  }
0x39: {  	[sflag:s8] =	ssyncset.done $0x0  }
0x3a: {  	[sflag:s8] =	ssyncadd.s32 $0xFFFFE000  }
0x3b: {  	[hbm4b:s11+s3] =	stream.linear.scatter [tilespmem:s7], [sflag:$0x2], $0x2000, $0x38;
	[tilespmem:$0x2200] =	vst v63  }
0x3c: {  	_ =	swait.ge [sflag:s4], $0x2000  }
0x3d: {  	[sflag:s4] =	ssyncset.done $0x0  }
0x3e: {  	[sflag:s4] =	ssyncadd.s32 $0xFFFFE000  }
0x3f: {  	[tilespmem:s7], [sflag:$0x1] =	stream.indirect.gather [hbm4b:s2+s6], $0x80, s12, s6, $0xb8;
	[tilespmem:$0x2200] =	vst v63  }
0x40: {  	_ =	swait.ge [sflag:s8], $0x2000  }
0x41: {  	[sflag:s8] =	ssyncset.done $0x0  }
0x42: {  	[sflag:s8] =	ssyncadd.s32 $0xFFFFE000  }
0x43: {  	[hbm4b:s13+s3] =	stream.linear.scatter [tilespmem:s7], [sflag:$0x2], $0x2000, $0x38;
	[tilespmem:$0x2200] =	vst v63  }
0x44: {  	_ =	swait.ge [sflag:s4], $0x2000  }
0x45: {  	[sflag:s4] =	ssyncset.done $0x0  }
0x46: {  	[sflag:s4] =	ssyncadd.s32 $0xFFFFE000  }
0x47: {  	[tilespmem:s7], [sflag:$0x1] =	stream.indirect.gather [hbm4b:s2+s6], $0x80, s14, s6, $0xb8;
	[tilespmem:$0x2200] =	vst v63  }
0x48: {  	_ =	swait.ge [sflag:s8], $0x2000  }
.Ltmp1:
0x49: {  	[sflag:s8] =	ssyncset.done $0x0;
	(pc) =	sbr.rel @p0 .LBB2_1-.Ltmp1, $4  }
0x4a: {  	[sflag:s8] =	ssyncadd.s32 $0xFFFFE000  }
0x4b: {  	[hbm4b:s15+s3] =	stream.linear.scatter [tilespmem:s7], [sflag:$0x2], $0x2000, $0x38;
	[tilespmem:$0x2200] =	vst v63  }
0x4c: {  	_ =	swait.ge [sflag:s4], $0x2000  }
0x4d: {  	[sflag:s4] =	ssyncset.done $0x0  }
.LBB2_2:
0x4e: {  	[sflag:s4] =	ssyncadd.s32 $0xFFFFE000  }
0x4f: {  	_ =	sfence.sel $0x180000  }
0x50: {  	[bflag:$0x0] =	sbarrier.arrive $0xFFFF  }
0x51: {  	p0 =	sne.s32 s0, $0x0;
	_ =	strace $0x9000004A  }
0x52: {  	s0 =	sadd.s32 @!p0 $0x100000, s1;
	[bflag:$0x2] =	sbarrier.arrive $0xFFFF  }
0x53: {  	[sflag:s0] =	ssyncadd.tile.s32 @!p0 $0x1;
	_ =	shalt  }
.Lfunc_end2:
_tile_overlayer_lowered:
.L_overlay_start_2:
0x54: {  	(tag) =	ssettag $0x2  }
0x55: {  	s0 =	rddreg [dreg:$0x0];
	s2 =	stileid.u32  }
0x56: {  	s1 =	rddreg [dreg:$0x1];
	p0 =	sne.s32 s2, $0x0  }
0x57: {  	s3 =	rddreg [dreg:$0x2];
	[bflag:$0x3] =	sbarrier.arrive $0xFFFF;
	s2 =	simm.s32 @!p0 $0x1C02  }
0x58: {  	[timem:s3], [sflag:s2] =	dma.local @!p0 [hbm:s0], s1  }
0x59: {  	s0 =	simm.s32 @!p0 $0x2  }
0x5a: {  	_ =	swait.ge @!p0 [sflag:s0], s1  }
0x5b: {  	s1 =	ssub.s32 @!p0 $0x0, s1;
	[sflag:s0] =	ssyncset.done @!p0 $0x0  }
0x5c: {  	[sflag:s0] =	ssyncadd.s32 @!p0 s1  }
0x5d: {  	[bflag:$0x3] =	sbarrier.arrive $0xFFFF  }
0x5e: {  	_ =	shalt  }

// kernel: kernel.7.cloned.1.call-start
scs
__scs_entry_jumppad:
0x0: {  	(pc) =	sbr.rel $0x88, $3  }
0x1: {  	(tag) =	ssettag $0x0;
	lr =	simm.s32 $0x1  }
0x2: {  	[smem:$0x3F89] =	sst lr;
	_ =	strace $0xD0000000  }
0x3: {  	_ = 	snop  }
0x4: {  	_ = 	snop  }
0x5: {  	_ = 	snop  }
0x6: {  	_ = 	snop  }
0x7: {  	_ = 	snop  }
__scs_overlays_trampoline_lowered:
0x8: {  	[smem:$0x3F98] =	sst s0  }
0x9: {  	[smem:$0x3F99] =	sst s1  }
0xa: {  	[smem:$0x3F9A] =	sst s2  }
0xb: {  	[smem:$0x3F9B] =	sst s3  }
0xc: {  	[smem:$0x3F9C] =	sst s4  }
0xd: {  	[smem:$0x3F9D] =	sst s5  }
0xe: {  	[smem:$0x3F9E] =	sst s6  }
0xf: {  	[smem:$0x3F9F] =	sst s7  }
0x10: {  	[smem:$0x3FA0] =	sst s8  }
0x11: {  	[smem:$0x3FA1] =	sst s9;
	s0 =	simm.s32 @!p0 $0x0  }
0x12: {  	s1 =	sld [smem:$0x3F87];
	s0 =	simm.s32 @p0 $0x1  }
0x13: {  	[smem:$0x3FA2] =	sst s0;
	s0 =	simm.s32 @!p1 $0x0  }
0x14: {  	s2 =	sld [smem:$0x3F86];
	s0 =	simm.s32 @p1 $0x1  }
0x15: {  	[smem:$0x3FA3] =	sst s0;
	s0 =	simm.s32 @!p2 $0x0  }
0x16: {  	s3 =	sld [smem:$0x3FDB];
	s0 =	simm.s32 @p2 $0x1  }
0x17: {  	s4 =	simm.s32 $0x1BF5;
	[smem:$0x3FA5] =	sst s0  }
0x18: {  	s0 =	sld [smem:$0x3F88];
	_ =	swait.ge [sflag:s4], $0x0  }
0x19: {  	s7 =	sld [smem:$0x3F89]  }
0x1a: {  	s8 =	sadd.s32 $0xFFFFE003, lr  }
0x1b: {  	s9 =	sadd.s32 $0xFFFFFEF7, lr;
	s5 =	simm.s32 $0xFFFFFFFF;
	p2 =	slt.u32 s8, $0xFFFFF086  }
0x1c: {  	p1 =	slt.u32 s9, $0xF7A;
	s5 =	simm.s32 @!p2 $0x0  }
0x1d: {  	s5 =	simm.s32 @p1 $0x1;
	p0 =	seq.s32 s7, s2  }
0x1e: {  	s7 =	smul.u32 @!p0 $0xF7A, s2;
	p2 =	seq.s32 @!p0 s5, $0x0  }
0x1f: {  	s9 =	smul.u32 $0xF7A, s1;
	s8 =	simm.s32 @!p0 $0x1BF5;
	p2 =	por !p2, p0  }
0x20: {  	[sflag:s8] =	ssyncset.s32 @!p0 $0xFFFFF086;
	s6 =	sadd.s32 @!p0 s3, s7;
	s7 =	simm.s32 @!p0 $0x108  }
0x21: {  	s3 =	sadd.s32 s3, s9;
	s6 =	sadd.s32 @!p0 $0x88, s6;
	s7 =	simm.s32 @p2 $0x1082  }
0x22: {  	[simem:s7], [sflag:s8] =	dma.local @!p0 [hbm:s6], $0xF7A  }
0x23: {  	s9 =	sor.u32 $0xD0000000, s2;
	s6 =	simm.s32 $0x108;
	_ =	swait.ge @!p0 [sflag:s8], $0x0  }
0x24: {  	s3 =	sadd.s32 $0x88, s3;
	s6 =	simm.s32 @!p1 $0x1082;
	[sflag:s4] =	ssyncset.s32 $0xFFFFF086  }
0x25: {  	[simem:s6], [sflag:s4] =	dma.local [hbm:s3], $0xF7A  }
0x26: {  	[smem:$0x3F89] =	sst s1;
	(tag) =	ssettag s2;
	_ =	strace s9  }
0x27: {  	s1 =	sld [smem:$0x3F99]  }
0x28: {  	s2 =	sld [smem:$0x3F9A]  }
0x29: {  	s4 =	sld [smem:$0x3F9C]  }
0x2a: {  	p0 =	seq.s32 s5, $0x0;
	s5 =	sld [smem:$0x3F9D]  }
0x2b: {  	s6 =	sld [smem:$0x3F9E]  }
0x2c: {  	s7 =	sld [smem:$0x3F9F]  }
0x2d: {  	s3 =	simm.s32 $0x108;
	s8 =	sld [smem:$0x3FA0]  }
0x2e: {  	s3 =	simm.s32 @!p0 $0x1082;
	s9 =	sld [smem:$0x3FA1]  }
0x2f: {  	lr =	sadd.s32 s0, s3;
	s0 =	sld [smem:$0x3F98]  }
0x30: {  	s3 =	sld [smem:$0x3F9B]  }
0x31: {  	[smem:$0x3FA4] =	sst s10  }
0x32: {  	s10 =	sld [smem:$0x3FA2];
	_ =	sdelay $0x3  }
0x33: {  	p0 =	seq.s32 s10, $0x1;
	s10 =	sld [smem:$0x3FA4];
	_ =	sdelay $0x3  }
0x34: {  	[smem:$0x3FA4] =	sst s10  }
0x35: {  	s10 =	sld [smem:$0x3FA3];
	_ =	sdelay $0x3  }
0x36: {  	p1 =	seq.s32 s10, $0x1;
	s10 =	sld [smem:$0x3FA4];
	_ =	sdelay $0x3  }
0x37: {  	[smem:$0x3FA4] =	sst s10  }
0x38: {  	s10 =	sld [smem:$0x3FA5]  }
0x39: {  	_ = 	snop;
	(pc) =	sbr.ind lr, $3  }
0x3a: {  	_ = 	snop  }
0x3b: {  	_ = 	snop  }
0x3c: {  	p2 =	seq.s32 s10, $0x1;
	s10 =	sld [smem:$0x3FA4]  }
0x3d: {  	_ =	shalt  }
0x3e: {  	_ =	shalt  }
0x3f: {  	_ =	shalt  }
0x40: {  	_ =	shalt  }
0x41: {  	_ =	shalt  }
0x42: {  	_ =	shalt  }
0x43: {  	_ =	shalt  }
0x44: {  	_ =	shalt  }
0x45: {  	_ =	shalt  }
0x46: {  	_ =	shalt  }
0x47: {  	_ =	shalt  }
0x48: {  	_ =	shalt  }
0x49: {  	_ =	shalt  }
0x4a: {  	_ =	shalt  }
0x4b: {  	_ =	shalt  }
0x4c: {  	_ =	shalt  }
0x4d: {  	_ =	shalt  }
0x4e: {  	_ =	shalt  }
0x4f: {  	_ =	shalt  }
0x50: {  	_ =	shalt  }
0x51: {  	_ =	shalt  }
0x52: {  	_ =	shalt  }
0x53: {  	_ =	shalt  }
0x54: {  	_ =	shalt  }
0x55: {  	_ =	shalt  }
0x56: {  	_ =	shalt  }
0x57: {  	_ =	shalt  }
0x58: {  	_ =	shalt  }
0x59: {  	_ =	shalt  }
0x5a: {  	_ =	shalt  }
0x5b: {  	_ =	shalt  }
0x5c: {  	_ =	shalt  }
0x5d: {  	_ =	shalt  }
0x5e: {  	_ =	shalt  }
0x5f: {  	_ =	shalt  }
0x60: {  	_ =	shalt  }
0x61: {  	_ =	shalt  }
0x62: {  	_ =	shalt  }
0x63: {  	_ =	shalt  }
0x64: {  	_ =	shalt  }
0x65: {  	_ =	shalt  }
0x66: {  	_ =	shalt  }
0x67: {  	_ =	shalt  }
0x68: {  	_ =	shalt  }
0x69: {  	_ =	shalt  }
0x6a: {  	_ =	shalt  }
0x6b: {  	_ =	shalt  }
0x6c: {  	_ =	shalt  }
0x6d: {  	_ =	shalt  }
0x6e: {  	_ =	shalt  }
0x6f: {  	_ =	shalt  }
0x70: {  	_ =	shalt  }
0x71: {  	_ =	shalt  }
0x72: {  	_ =	shalt  }
0x73: {  	_ =	shalt  }
0x74: {  	_ =	shalt  }
0x75: {  	_ =	shalt  }
0x76: {  	_ =	shalt  }
0x77: {  	_ =	shalt  }
0x78: {  	_ =	shalt  }
0x79: {  	_ =	shalt  }
0x7a: {  	_ =	shalt  }
0x7b: {  	_ =	shalt  }
0x7c: {  	_ =	shalt  }
0x7d: {  	_ =	shalt  }
0x7e: {  	_ =	shalt  }
0x7f: {  	_ =	shalt  }
0x80: {  	_ =	shalt  }
0x81: {  	_ =	shalt  }
0x82: {  	_ =	shalt  }
0x83: {  	_ =	shalt  }
0x84: {  	_ =	shalt  }
0x85: {  	_ =	shalt  }
0x86: {  	_ =	shalt  }
0x87: {  	_ =	shalt  }
.Lfunc_end0:
.L_simem_size_0:
called_computation_lowered:
.L_overlay_start_0:
0x88: {  	s2 =	sld [smem:$0x3FD9]  }
0x89: {  	s3 =	sld [smem:$0x3FFE];
	_ =	sdelay $0x1  }
0x8a: {  	s1 =	srdreg.scid  }
0x8b: {  	s0 =	sand.u32 $0x1, s1  }
0x8c: {  	s17 =	sshll.u32 s0, $0xA;
	s2 =	sadd.s32 s3, s2  }
0x8d: {  	s2 =	sadd.s32 s2, s17  }
0x8e: {  	[smem:$0x3FB0] =	sst s2  }
0x8f: {  	_ = 	snop  }
0x90: {  	s2 =	sld [smem:$0x3FD0];
	(tm) =	ssettm $0x1  }
0x91: {  	s18 =	sld [smem:$0x3FFB];
	_ =	sdelay $0x3  }
0x92: {  	_ =	strace s18  }
0x93: {  	s3 =	sld [smem:$0x3FFC];
	_ =	sdelay $0x3  }
0x94: {  	_ =	strace s3  }
0x95: {  	s3 =	sld [smem:$0x3FFD];
	_ =	sdelay $0x3  }
0x96: {  	_ =	strace s3  }
0x97: {  	_ =	strace $0x8FFFFFFF  }
0x98: {  	s19 =	sld [smem:$0x3FDB];
	_ =	sdelay $0x1  }
0x99: {  	s4 =	simm.s32 $_scs_section_size  }
0x9a: {  	s5 =	simm.s32 $_size__tile_overlayer_lowered;
	s6 =	simm.s32 $_tile_overlayer_lowered  }
0x9b: {  	s22 =	simm.s32 $0x1BFF;
	s21 =	sshll.u32 s6, $0x1;
	s3 =	sadd.s32 s4, s19  }
0x9c: {  	s7 =	simm.s32 $0x0;
	s20 =	sshll.u32 s5, $0x1;
	s5 =	sadd.s32 s21, s3  }
0x9d: {  	[timem:s7], [sflag:s22] =	dma.local [hbm:s5], s20  }
0x9e: {  	_ =	swait.ge [sflag:s22], s20  }
0x9f: {  	s4 =	ssub.s32 $0x0, s20;
	[sflag:s22] =	ssyncset.done $0x0  }
0xa0: {  	[sflag:s22] =	ssyncadd.s32 s4;
	_ =	sdelay $0x1  }
0xa1: {  	s23 =	simm.s32 $0x1B8B  }
0xa2: {  	_ =	swait.ge [sflag:s23], $0x1  }
0xa3: {  	[sflag:s23] =	ssyncset.done $0x0  }
0xa4: {  	s25 =	simm.s32 $0x1B8E;
	s24 =	sld [smem:$0x3FFE];
	[sflag:s23] =	ssyncadd.s32 $0xFFFFFFFF  }
0xa5: {  	s26 =	simm.s32 $execute0_lowered;
	[smem:$0x3FD2] =	sst s25  }
0xa6: {  	s5 =	sshll.u32 s26, $0x1;
	_ =	strace $0x80000046;
	[dreg:$0x1] =	wrdreg $0xFFFFFFFF  }
0xa7: {  	s28 =	simm.s32 $_size_execute0_lowered;
	s3 =	sadd.s32 s3, s5;
	[dreg:$0x0] =	wrdreg $0x0  }
0xa8: {  	s5 =	sshll.u32 s28, $0x1;
	[dreg:$0x2] =	wrdreg s3  }
0xa9: {  	[dreg:$0x3] =	wrdreg s5  }
0xaa: {  	[dreg:$0x4] =	wrdreg $0xC0  }
0xab: {  	_ =	task [dreg:s7], $0x5FFFF  }
0xac: {  	[dreg:$0x1] =	wrdreg $0xFFFFFFFF  }
0xad: {  	[dreg:$0x0] =	wrdreg $0x60  }
0xae: {  	[dreg:$0x2] =	wrdreg s2  }
0xaf: {  	[dreg:$0x3] =	wrdreg s24  }
0xb0: {  	[dreg:$0x4] =	wrdreg $0x9  }
0xb1: {  	_ =	task.clear_ibuf [dreg:s7], $0x5FFFF;
	_ =	strace $0x90000046  }
0xb2: {  	s29 =	simm.s32 $0x9;
	_ =	strace $0x80000048  }
0xb3: {  	_ =	swait.ge [sflag:s29], $0x1  }
0xb4: {  	[sflag:s29] =	ssyncadd.s32 $0xFFFFFFFF  }
0xb5: {  	_ =	strace $0x90000048  }
0xb6: {  	_ =	sfence  }
0xb7: {  	s30 =	sld [smem:$0x0];
	_ =	sdelay $0x2  }
0xb8: {  	s31 =	sshll.u32 s1, $0xD;
	s1 =	sshrl.u32 s1, $0x2  }
0xb9: {  	s3 =	sand.u32 $0x4000, s31;
	s1 =	sadd.s32 s1, s30  }
0xba: {  	s0 =	sor.u32 s3, s0;
	s1 =	sshll.u32 s1, $0x11  }
0xbb: {  	s0 =	sor.u32 s1, s0  }
0xbc: {  	s0 =	sadd.s32 $0x8F2B, s0  }
0xbd: {  	[sflag:s0] =	ssyncadd.remote.s32 $0x1  }
0xbe: {  	_ =	sfence.sel $0xFFFF  }
0xbf: {  	[dreg:$0x0] =	wrdreg $0xFFFFFFFF;
	(pc) =	sbr.abs _section_cstart, $3  }
0xc0: {  	[dreg:$0x1] =	wrdreg $0xFFFFFFFF  }
0xc1: {  	_ =	task.clear_ibuf [dreg:s7], $0x2FFFF;
	_ =	strace $0x9FFFFFFF  }
0xc2: {  	(tm) =	ssettm $0x7FFFFFFF  }
0xc3: {  	_ =	shalt  }
tec
execute0_lowered:
.L_overlay_start_1:
0x0: {  	(tag) =	ssettag $0x1  }
0x1: {  	s0 =	rddreg [dreg:$0x0]  }
0x2: {  	s1 =	srdreg.scid;
	s2 =	stileid.u32  }
0x3: {  	s3 =	rddreg [dreg:$0x1];
	s1 =	sand.u32 $0x1, s1;
	s2 =	sshll.u32 s2, $0x1  }
0x4: {  	s9 =	simm.s32 $0x3;
	s29 =	simm.s32 $0x400;
	s4 =	sor.u32 s1, s2  }
0x5: {  	s19 =	simm.s32 $0x1;
	s20 =	simm.s32 $0x2;
	s5 =	sshll.u32 s4, $0x7  }
0x6: {  	s2 =	simm.s32 $0x0;
	s4 =	sshll.u32 s4, $0xF;
	s5 =	sadd.s32 s5, s3  }
0x7: {  	[smem:$0x7FF] =	sst s2;
	s4 =	sand.u32 $0x78000, s4;
	s5 =	sadd.s32 $0x3C00, s5  }
0x8: {  	_ =	strace $0x80000047;
	s6 =	sadd.s32 s0, s4;
	[dreg:$0x3] =	wrdreg s5  }
0x9: {  	s7 =	sadd.s32 $0x4F00, s3;
	s0 =	sadd.s32 $0x1000, s6;
	[dreg:$0xb] =	wrdreg s6  }
0xa: {  	s1 =	ssub.s32 $0x2, s1;
	s23 =	sadd.s32 $0x2000, s6;
	[dreg:$0x4] =	wrdreg s0  }
0xb: {  	s26 =	sshrl.u32 s1, $0x1;
	s24 =	sadd.s32 $0x3000, s6;
	[dreg:$0x5] =	wrdreg s23  }
0xc: {  	s1 =	ssub.s32 s1, s26;
	s25 =	sadd.s32 $0x4000, s6;
	[dreg:$0x6] =	wrdreg s24  }
0xd: {  	s26 =	simm.s32 $0x8400;
	s28 =	sadd.s32 $0x5000, s6;
	[dreg:$0x7] =	wrdreg s25  }
0xe: {  	v2 =	vlaneseq.u32;
	s4 =	sadd.s32 $0x4C00, s3;
	s30 =	sadd.s32 $0x6000, s6;
	[dreg:$0x8] =	wrdreg s28  }
0xf: {  	vm0 =	vmmov $0xffff;
	v1 =	vshrl.u32 v2, $0x3;
	s8 =	smax.u32 s1, $0x1;
	s31 =	sadd.s32 $0x7000, s6;
	[dreg:$0x9] =	wrdreg s30  }
0x10: {  	v0 =	vand.u32 $0x7, v2;
	v2 =	vor.u32 $0x8, v2;
	v1 =	vmul.u32 $0x8, v1;
	s5 =	sadd.s32 $0x4D00, s3;
	s6 =	sadd.s32 $0x4E00, s3;
	[dreg:$0xa] =	wrdreg s31  }
.LBB2_1:
0x11: {  	s21 =	rddreg [dreg:$0x3]  }
0x12: {  	[tilespmem:s2], [sflag:$0x3] =	stream.linear.gather [hbm4b:s21+s2], $0x400, $0x38;
	[tilespmem:$0x10400] =	vst v63  }
0x13: {  	_ =	swait.ge [sflag:s9], $0x400  }
0x14: {  	[sflag:s9] =	ssyncset.done $0x0  }
0x15: {  	s3 =	rddreg [dreg:$0xb];
	[sflag:s9] =	ssyncadd.s32 $0xFFFFFC00  }
0x16: {  	[tilespmem:s29], [sflag:$0x3] =	stream.linear.gather [hbm4b:s3+s2], $0x8000, $0x38;
	[tilespmem:$0x10400] =	vst v63  }
0x17: {  	_ =	swait.ge [sflag:s9], $0x8000  }
0x18: {  	[sflag:s9] =	ssyncset.done $0x0  }
0x19: {  	[sflag:s9] =	ssyncadd.s32 $0xFFFF8000  }
0x1a: {  	v3 =	vld [tilespmem:$0x0];
	_ =	sdelay $0x4  }
0x1b: {  	v4 =	vshll.u32 v3, $0x3  }
0x1c: {  	v3 =	vand.u32 $0x7, v3;
	v4 =	vand.u32 $0xFFFFFFC0, v4  }
0x1d: {  	v3 =	vor.u32 v3, v4  }
0x1e: {  	v4 =	vperm.xlane v3, v0;
	_ =	sdelay $0x1  }
0x1f: {  	v4 =	vadd.s32 v1, v4;
	_ =	sdelay $0x4  }
0x20: {  	[hbm4b:s4+s2] =	stream.indirect_vreg.scatter [tilespmem:s29], [sflag:$0x1], $0x80, v4, vm0, $0xb8;
	[tilespmem:$0x10400] =	vst v63  }
0x21: {  	s0 =	simm.s32 $0xC00;
	v3 =	vperm.xlane v3, v2  }
0x22: {  	[hbm4b:s5+s2] =	stream.indirect_vreg.scatter [tilespmem:s0], [sflag:$0x1], $0x80, v4, vm0, $0xb8;
	[tilespmem:$0x10400] =	vst v63  }
0x23: {  	s10 =	simm.s32 $0x1400;
	v3 =	vadd.s32 v1, v3  }
0x24: {  	[hbm4b:s6+s2] =	stream.indirect_vreg.scatter [tilespmem:s10], [sflag:$0x1], $0x80, v4, vm0, $0xb8;
	[tilespmem:$0x10400] =	vst v63  }
0x25: {  	s11 =	simm.s32 $0x1C00  }
0x26: {  	[hbm4b:s7+s2] =	stream.indirect_vreg.scatter [tilespmem:s11], [sflag:$0x1], $0x80, v4, vm0, $0xb8;
	[tilespmem:$0x10400] =	vst v63  }
0x27: {  	s12 =	simm.s32 $0x2400  }
0x28: {  	[hbm4b:s4+s2] =	stream.indirect_vreg.scatter [tilespmem:s12], [sflag:$0x1], $0x80, v3, vm0, $0xb8;
	[tilespmem:$0x10400] =	vst v63  }
0x29: {  	s13 =	simm.s32 $0x2C00  }
0x2a: {  	[hbm4b:s5+s2] =	stream.indirect_vreg.scatter [tilespmem:s13], [sflag:$0x1], $0x80, v3, vm0, $0xb8;
	[tilespmem:$0x10400] =	vst v63  }
0x2b: {  	s14 =	simm.s32 $0x3400  }
0x2c: {  	[hbm4b:s6+s2] =	stream.indirect_vreg.scatter [tilespmem:s14], [sflag:$0x1], $0x80, v3, vm0, $0xb8;
	[tilespmem:$0x10400] =	vst v63  }
0x2d: {  	s15 =	simm.s32 $0x3C00  }
0x2e: {  	[hbm4b:s7+s2] =	stream.indirect_vreg.scatter [tilespmem:s15], [sflag:$0x1], $0x80, v3, vm0, $0xb8;
	[tilespmem:$0x10400] =	vst v63  }
0x2f: {  	v3 =	vld [tilespmem:$0x10];
	_ =	sdelay $0x4  }
0x30: {  	v49 =	vshll.u32 v3, $0x3  }
0x31: {  	v3 =	vand.u32 $0x7, v3;
	v4 =	vand.u32 $0xFFFFFFC0, v49  }
0x32: {  	v3 =	vor.u32 v3, v4  }
0x33: {  	v4 =	vperm.xlane v3, v0;
	_ =	sdelay $0x1  }
0x34: {  	v4 =	vadd.s32 v1, v4;
	_ =	sdelay $0x3  }
0x35: {  	s16 =	simm.s32 $0x4400  }
0x36: {  	[hbm4b:s4+s2] =	stream.indirect_vreg.scatter [tilespmem:s16], [sflag:$0x1], $0x80, v4, vm0, $0xb8;
	[tilespmem:$0x10400] =	vst v63  }
0x37: {  	s17 =	simm.s32 $0x4C00;
	v3 =	vperm.xlane v3, v2  }
0x38: {  	[hbm4b:s5+s2] =	stream.indirect_vreg.scatter [tilespmem:s17], [sflag:$0x1], $0x80, v4, vm0, $0xb8;
	[tilespmem:$0x10400] =	vst v63  }
0x39: {  	s18 =	simm.s32 $0x5400;
	v3 =	vadd.s32 v1, v3  }
0x3a: {  	[hbm4b:s6+s2] =	stream.indirect_vreg.scatter [tilespmem:s18], [sflag:$0x1], $0x80, v4, vm0, $0xb8;
	[tilespmem:$0x10400] =	vst v63  }
0x3b: {  	s21 =	simm.s32 $0x5C00  }
0x3c: {  	[hbm4b:s7+s2] =	stream.indirect_vreg.scatter [tilespmem:s21], [sflag:$0x1], $0x80, v4, vm0, $0xb8;
	[tilespmem:$0x10400] =	vst v63  }
0x3d: {  	s22 =	simm.s32 $0x6400  }
0x3e: {  	[hbm4b:s4+s2] =	stream.indirect_vreg.scatter [tilespmem:s22], [sflag:$0x1], $0x80, v3, vm0, $0xb8;
	[tilespmem:$0x10400] =	vst v63  }
0x3f: {  	s23 =	simm.s32 $0x6C00  }
0x40: {  	[hbm4b:s5+s2] =	stream.indirect_vreg.scatter [tilespmem:s23], [sflag:$0x1], $0x80, v3, vm0, $0xb8;
	[tilespmem:$0x10400] =	vst v63  }
0x41: {  	s24 =	simm.s32 $0x7400  }
0x42: {  	[hbm4b:s6+s2] =	stream.indirect_vreg.scatter [tilespmem:s24], [sflag:$0x1], $0x80, v3, vm0, $0xb8;
	[tilespmem:$0x10400] =	vst v63  }
0x43: {  	s28 =	simm.s32 $0x7C00  }
0x44: {  	[hbm4b:s7+s2] =	stream.indirect_vreg.scatter [tilespmem:s28], [sflag:$0x1], $0x80, v3, vm0, $0xb8;
	[tilespmem:$0x10400] =	vst v63  }
0x45: {  	s25 =	rddreg [dreg:$0x4]  }
0x46: {  	[tilespmem:s26], [sflag:$0x3] =	stream.linear.gather [hbm4b:s25+s2], $0x8000, $0x38;
	[tilespmem:$0x10400] =	vst v63  }
0x47: {  	_ =	swait.ge [sflag:s9], $0x8000  }
0x48: {  	[sflag:s9] =	ssyncset.done $0x0  }
0x49: {  	[sflag:s9] =	ssyncadd.s32 $0xFFFF8000  }
0x4a: {  	v3 =	vld [tilespmem:$0x80];
	_ =	sdelay $0x4  }
0x4b: {  	v50 =	vshll.u32 v3, $0x3  }
0x4c: {  	v3 =	vand.u32 $0x7, v3;
	v4 =	vand.u32 $0xFFFFFFC0, v50  }
0x4d: {  	v3 =	vor.u32 v3, v4  }
0x4e: {  	v4 =	vperm.xlane v3, v0;
	_ =	sdelay $0x1  }
0x4f: {  	v4 =	vadd.s32 v1, v4;
	_ =	sdelay $0x4  }
0x50: {  	[hbm4b:s4+s2] =	stream.indirect_vreg.scatter [tilespmem:s26], [sflag:$0x2], $0x80, v4, vm0, $0xb8;
	[tilespmem:$0x10400] =	vst v63  }
0x51: {  	s30 =	simm.s32 $0x8C00;
	v3 =	vperm.xlane v3, v2  }
0x52: {  	[hbm4b:s5+s2] =	stream.indirect_vreg.scatter [tilespmem:s30], [sflag:$0x2], $0x80, v4, vm0, $0xb8;
	[tilespmem:$0x10400] =	vst v63  }
0x53: {  	s31 =	simm.s32 $0x9400;
	v3 =	vadd.s32 v1, v3  }
0x54: {  	[hbm4b:s6+s2] =	stream.indirect_vreg.scatter [tilespmem:s31], [sflag:$0x2], $0x80, v4, vm0, $0xb8;
	[tilespmem:$0x10400] =	vst v63  }
0x55: {  	s10 =	simm.s32 $0x9C00  }
0x56: {  	[hbm4b:s7+s2] =	stream.indirect_vreg.scatter [tilespmem:s10], [sflag:$0x2], $0x80, v4, vm0, $0xb8;
	[tilespmem:$0x10400] =	vst v63  }
0x57: {  	s11 =	simm.s32 $0xA400  }
0x58: {  	[hbm4b:s4+s2] =	stream.indirect_vreg.scatter [tilespmem:s11], [sflag:$0x2], $0x80, v3, vm0, $0xb8;
	[tilespmem:$0x10400] =	vst v63  }
0x59: {  	s17 =	simm.s32 $0xAC00  }
0x5a: {  	[hbm4b:s5+s2] =	stream.indirect_vreg.scatter [tilespmem:s17], [sflag:$0x2], $0x80, v3, vm0, $0xb8;
	[tilespmem:$0x10400] =	vst v63  }
0x5b: {  	s18 =	simm.s32 $0xB400  }
0x5c: {  	[hbm4b:s6+s2] =	stream.indirect_vreg.scatter [tilespmem:s18], [sflag:$0x2], $0x80, v3, vm0, $0xb8;
	[tilespmem:$0x10400] =	vst v63  }
0x5d: {  	s22 =	simm.s32 $0xBC00  }
0x5e: {  	[hbm4b:s7+s2] =	stream.indirect_vreg.scatter [tilespmem:s22], [sflag:$0x2], $0x80, v3, vm0, $0xb8;
	[tilespmem:$0x10400] =	vst v63  }
0x5f: {  	v3 =	vld [tilespmem:$0x90];
	_ =	sdelay $0x4  }
0x60: {  	v51 =	vshll.u32 v3, $0x3  }
0x61: {  	v3 =	vand.u32 $0x7, v3;
	v4 =	vand.u32 $0xFFFFFFC0, v51  }
0x62: {  	v3 =	vor.u32 v3, v4  }
0x63: {  	v4 =	vperm.xlane v3, v0;
	_ =	sdelay $0x1  }
0x64: {  	v4 =	vadd.s32 v1, v4;
	_ =	sdelay $0x3  }
0x65: {  	s23 =	simm.s32 $0xC400  }
0x66: {  	[hbm4b:s4+s2] =	stream.indirect_vreg.scatter [tilespmem:s23], [sflag:$0x2], $0x80, v4, vm0, $0xb8;
	[tilespmem:$0x10400] =	vst v63  }
0x67: {  	s24 =	simm.s32 $0xCC00;
	v3 =	vperm.xlane v3, v2  }
0x68: {  	[hbm4b:s5+s2] =	stream.indirect_vreg.scatter [tilespmem:s24], [sflag:$0x2], $0x80, v4, vm0, $0xb8;
	[tilespmem:$0x10400] =	vst v63  }
0x69: {  	s25 =	simm.s32 $0xD400;
	v3 =	vadd.s32 v1, v3  }
0x6a: {  	[hbm4b:s6+s2] =	stream.indirect_vreg.scatter [tilespmem:s25], [sflag:$0x2], $0x80, v4, vm0, $0xb8;
	[tilespmem:$0x10400] =	vst v63  }
0x6b: {  	s0 =	simm.s32 $0xDC00  }
0x6c: {  	[hbm4b:s7+s2] =	stream.indirect_vreg.scatter [tilespmem:s0], [sflag:$0x2], $0x80, v4, vm0, $0xb8;
	[tilespmem:$0x10400] =	vst v63  }
0x6d: {  	s10 =	simm.s32 $0xE400  }
0x6e: {  	[hbm4b:s4+s2] =	stream.indirect_vreg.scatter [tilespmem:s10], [sflag:$0x2], $0x80, v3, vm0, $0xb8;
	[tilespmem:$0x10400] =	vst v63  }
0x6f: {  	s11 =	simm.s32 $0xEC00  }
0x70: {  	[hbm4b:s5+s2] =	stream.indirect_vreg.scatter [tilespmem:s11], [sflag:$0x2], $0x80, v3, vm0, $0xb8;
	[tilespmem:$0x10400] =	vst v63  }
0x71: {  	s17 =	simm.s32 $0xF400  }
0x72: {  	[hbm4b:s6+s2] =	stream.indirect_vreg.scatter [tilespmem:s17], [sflag:$0x2], $0x80, v3, vm0, $0xb8;
	[tilespmem:$0x10400] =	vst v63  }
0x73: {  	s24 =	simm.s32 $0xFC00  }
0x74: {  	[hbm4b:s7+s2] =	stream.indirect_vreg.scatter [tilespmem:s24], [sflag:$0x2], $0x80, v3, vm0, $0xb8;
	[tilespmem:$0x10400] =	vst v63  }
0x75: {  	_ =	swait.ge [sflag:s19], $0x8000  }
0x76: {  	[sflag:s19] =	ssyncset.done $0x0  }
0x77: {  	s25 =	rddreg [dreg:$0x5];
	[sflag:s19] =	ssyncadd.s32 $0xFFFF8000  }
0x78: {  	[tilespmem:s29], [sflag:$0x3] =	stream.linear.gather [hbm4b:s25+s2], $0x8000, $0x38;
	[tilespmem:$0x10400] =	vst v63  }
0x79: {  	_ =	swait.ge [sflag:s9], $0x8000  }
0x7a: {  	[sflag:s9] =	ssyncset.done $0x0  }
0x7b: {  	[sflag:s9] =	ssyncadd.s32 $0xFFFF8000  }
0x7c: {  	v3 =	vld [tilespmem:$0x100];
	_ =	sdelay $0x4  }
0x7d: {  	v52 =	vshll.u32 v3, $0x3  }
0x7e: {  	v3 =	vand.u32 $0x7, v3;
	v4 =	vand.u32 $0xFFFFFFC0, v52  }
0x7f: {  	v3 =	vor.u32 v3, v4  }
0x80: {  	v4 =	vperm.xlane v3, v0;
	_ =	sdelay $0x1  }
0x81: {  	v4 =	vadd.s32 v1, v4;
	_ =	sdelay $0x4  }
0x82: {  	[hbm4b:s4+s2] =	stream.indirect_vreg.scatter [tilespmem:s29], [sflag:$0x1], $0x80, v4, vm0, $0xb8;
	[tilespmem:$0x10400] =	vst v63  }
0x83: {  	s3 =	simm.s32 $0xC00;
	v3 =	vperm.xlane v3, v2  }
0x84: {  	[hbm4b:s5+s2] =	stream.indirect_vreg.scatter [tilespmem:s3], [sflag:$0x1], $0x80, v4, vm0, $0xb8;
	[tilespmem:$0x10400] =	vst v63  }
0x85: {  	v3 =	vadd.s32 v1, v3;
	s3 =	simm.s32 $0x1400  }
0x86: {  	[hbm4b:s6+s2] =	stream.indirect_vreg.scatter [tilespmem:s3], [sflag:$0x1], $0x80, v4, vm0, $0xb8;
	[tilespmem:$0x10400] =	vst v63  }
0x87: {  	s10 =	simm.s32 $0x1C00  }
0x88: {  	[hbm4b:s7+s2] =	stream.indirect_vreg.scatter [tilespmem:s10], [sflag:$0x1], $0x80, v4, vm0, $0xb8;
	[tilespmem:$0x10400] =	vst v63  }
0x89: {  	s11 =	simm.s32 $0x2400  }
0x8a: {  	[hbm4b:s4+s2] =	stream.indirect_vreg.scatter [tilespmem:s11], [sflag:$0x1], $0x80, v3, vm0, $0xb8;
	[tilespmem:$0x10400] =	vst v63  }
0x8b: {  	s12 =	simm.s32 $0x2C00  }
0x8c: {  	[hbm4b:s5+s2] =	stream.indirect_vreg.scatter [tilespmem:s12], [sflag:$0x1], $0x80, v3, vm0, $0xb8;
	[tilespmem:$0x10400] =	vst v63  }
0x8d: {  	s13 =	simm.s32 $0x3400  }
0x8e: {  	[hbm4b:s6+s2] =	stream.indirect_vreg.scatter [tilespmem:s13], [sflag:$0x1], $0x80, v3, vm0, $0xb8;
	[tilespmem:$0x10400] =	vst v63  }
0x8f: {  	s15 =	simm.s32 $0x3C00  }
0x90: {  	[hbm4b:s7+s2] =	stream.indirect_vreg.scatter [tilespmem:s15], [sflag:$0x1], $0x80, v3, vm0, $0xb8;
	[tilespmem:$0x10400] =	vst v63  }
0x91: {  	v3 =	vld [tilespmem:$0x110];
	_ =	sdelay $0x4  }
0x92: {  	v53 =	vshll.u32 v3, $0x3  }
0x93: {  	v3 =	vand.u32 $0x7, v3;
	v4 =	vand.u32 $0xFFFFFFC0, v53  }
0x94: {  	v3 =	vor.u32 v3, v4  }
0x95: {  	v4 =	vperm.xlane v3, v0;
	_ =	sdelay $0x1  }
0x96: {  	v4 =	vadd.s32 v1, v4;
	_ =	sdelay $0x3  }
0x97: {  	s16 =	simm.s32 $0x4400  }
0x98: {  	[hbm4b:s4+s2] =	stream.indirect_vreg.scatter [tilespmem:s16], [sflag:$0x1], $0x80, v4, vm0, $0xb8;
	[tilespmem:$0x10400] =	vst v63  }
0x99: {  	s14 =	simm.s32 $0x4C00;
	v3 =	vperm.xlane v3, v2  }
0x9a: {  	[hbm4b:s5+s2] =	stream.indirect_vreg.scatter [tilespmem:s14], [sflag:$0x1], $0x80, v4, vm0, $0xb8;
	[tilespmem:$0x10400] =	vst v63  }
0x9b: {  	s12 =	simm.s32 $0x5400;
	v3 =	vadd.s32 v1, v3  }
0x9c: {  	[hbm4b:s6+s2] =	stream.indirect_vreg.scatter [tilespmem:s12], [sflag:$0x1], $0x80, v4, vm0, $0xb8;
	[tilespmem:$0x10400] =	vst v63  }
0x9d: {  	s13 =	simm.s32 $0x5C00  }
0x9e: {  	[hbm4b:s7+s2] =	stream.indirect_vreg.scatter [tilespmem:s13], [sflag:$0x1], $0x80, v4, vm0, $0xb8;
	[tilespmem:$0x10400] =	vst v63  }
0x9f: {  	s14 =	simm.s32 $0x6400  }
0xa0: {  	[hbm4b:s4+s2] =	stream.indirect_vreg.scatter [tilespmem:s14], [sflag:$0x1], $0x80, v3, vm0, $0xb8;
	[tilespmem:$0x10400] =	vst v63  }
0xa1: {  	s15 =	simm.s32 $0x6C00  }
0xa2: {  	[hbm4b:s5+s2] =	stream.indirect_vreg.scatter [tilespmem:s15], [sflag:$0x1], $0x80, v3, vm0, $0xb8;
	[tilespmem:$0x10400] =	vst v63  }
0xa3: {  	s16 =	simm.s32 $0x7400  }
0xa4: {  	[hbm4b:s6+s2] =	stream.indirect_vreg.scatter [tilespmem:s16], [sflag:$0x1], $0x80, v3, vm0, $0xb8;
	[tilespmem:$0x10400] =	vst v63  }
0xa5: {  	s17 =	simm.s32 $0x7C00  }
0xa6: {  	[hbm4b:s7+s2] =	stream.indirect_vreg.scatter [tilespmem:s17], [sflag:$0x1], $0x80, v3, vm0, $0xb8;
	[tilespmem:$0x10400] =	vst v63  }
0xa7: {  	_ =	swait.ge [sflag:s20], $0x8000  }
0xa8: {  	[sflag:s20] =	ssyncset.done $0x0  }
0xa9: {  	s0 =	rddreg [dreg:$0x6];
	[sflag:s20] =	ssyncadd.s32 $0xFFFF8000  }
0xaa: {  	[tilespmem:s26], [sflag:$0x3] =	stream.linear.gather [hbm4b:s0+s2], $0x8000, $0x38;
	[tilespmem:$0x10400] =	vst v63  }
0xab: {  	_ =	swait.ge [sflag:s9], $0x8000  }
0xac: {  	[sflag:s9] =	ssyncset.done $0x0  }
0xad: {  	[sflag:s9] =	ssyncadd.s32 $0xFFFF8000  }
0xae: {  	v3 =	vld [tilespmem:$0x180];
	_ =	sdelay $0x4  }
0xaf: {  	v54 =	vshll.u32 v3, $0x3  }
0xb0: {  	v3 =	vand.u32 $0x7, v3;
	v4 =	vand.u32 $0xFFFFFFC0, v54  }
0xb1: {  	v3 =	vor.u32 v3, v4  }
0xb2: {  	v4 =	vperm.xlane v3, v0;
	_ =	sdelay $0x1  }
0xb3: {  	v4 =	vadd.s32 v1, v4;
	_ =	sdelay $0x4  }
0xb4: {  	[hbm4b:s4+s2] =	stream.indirect_vreg.scatter [tilespmem:s26], [sflag:$0x2], $0x80, v4, vm0, $0xb8;
	[tilespmem:$0x10400] =	vst v63  }
0xb5: {  	s1 =	simm.s32 $0x8C00;
	v3 =	vperm.xlane v3, v2  }
0xb6: {  	[hbm4b:s5+s2] =	stream.indirect_vreg.scatter [tilespmem:s1], [sflag:$0x2], $0x80, v4, vm0, $0xb8;
	[tilespmem:$0x10400] =	vst v63  }
0xb7: {  	s0 =	simm.s32 $0x9400;
	v3 =	vadd.s32 v1, v3  }
0xb8: {  	[hbm4b:s6+s2] =	stream.indirect_vreg.scatter [tilespmem:s0], [sflag:$0x2], $0x80, v4, vm0, $0xb8;
	[tilespmem:$0x10400] =	vst v63  }
0xb9: {  	s1 =	simm.s32 $0x9C00  }
0xba: {  	[hbm4b:s7+s2] =	stream.indirect_vreg.scatter [tilespmem:s1], [sflag:$0x2], $0x80, v4, vm0, $0xb8;
	[tilespmem:$0x10400] =	vst v63  }
0xbb: {  	s31 =	simm.s32 $0xA400  }
0xbc: {  	[hbm4b:s4+s2] =	stream.indirect_vreg.scatter [tilespmem:s31], [sflag:$0x2], $0x80, v3, vm0, $0xb8;
	[tilespmem:$0x10400] =	vst v63  }
0xbd: {  	s28 =	simm.s32 $0xAC00  }
0xbe: {  	[hbm4b:s5+s2] =	stream.indirect_vreg.scatter [tilespmem:s28], [sflag:$0x2], $0x80, v3, vm0, $0xb8;
	[tilespmem:$0x10400] =	vst v63  }
0xbf: {  	s30 =	simm.s32 $0xB400  }
0xc0: {  	[hbm4b:s6+s2] =	stream.indirect_vreg.scatter [tilespmem:s30], [sflag:$0x2], $0x80, v3, vm0, $0xb8;
	[tilespmem:$0x10400] =	vst v63  }
0xc1: {  	s18 =	simm.s32 $0xBC00  }
0xc2: {  	[hbm4b:s7+s2] =	stream.indirect_vreg.scatter [tilespmem:s18], [sflag:$0x2], $0x80, v3, vm0, $0xb8;
	[tilespmem:$0x10400] =	vst v63  }
0xc3: {  	v3 =	vld [tilespmem:$0x190];
	_ =	sdelay $0x4  }
0xc4: {  	v55 =	vshll.u32 v3, $0x3  }
0xc5: {  	v3 =	vand.u32 $0x7, v3;
	v4 =	vand.u32 $0xFFFFFFC0, v55  }
0xc6: {  	v3 =	vor.u32 v3, v4  }
0xc7: {  	v4 =	vperm.xlane v3, v0;
	_ =	sdelay $0x1  }
0xc8: {  	v4 =	vadd.s32 v1, v4;
	_ =	sdelay $0x3  }
0xc9: {  	s22 =	simm.s32 $0xC400  }
0xca: {  	[hbm4b:s4+s2] =	stream.indirect_vreg.scatter [tilespmem:s22], [sflag:$0x2], $0x80, v4, vm0, $0xb8;
	[tilespmem:$0x10400] =	vst v63  }
0xcb: {  	s23 =	simm.s32 $0xCC00;
	v3 =	vperm.xlane v3, v2  }
0xcc: {  	[hbm4b:s5+s2] =	stream.indirect_vreg.scatter [tilespmem:s23], [sflag:$0x2], $0x80, v4, vm0, $0xb8;
	[tilespmem:$0x10400] =	vst v63  }
0xcd: {  	v3 =	vadd.s32 v1, v3;
	s22 =	simm.s32 $0xD400  }
0xce: {  	[hbm4b:s6+s2] =	stream.indirect_vreg.scatter [tilespmem:s22], [sflag:$0x2], $0x80, v4, vm0, $0xb8;
	[tilespmem:$0x10400] =	vst v63  }
0xcf: {  	s23 =	simm.s32 $0xDC00  }
0xd0: {  	[hbm4b:s7+s2] =	stream.indirect_vreg.scatter [tilespmem:s23], [sflag:$0x2], $0x80, v4, vm0, $0xb8;
	[tilespmem:$0x10400] =	vst v63  }
0xd1: {  	s30 =	simm.s32 $0xE400  }
0xd2: {  	[hbm4b:s4+s2] =	stream.indirect_vreg.scatter [tilespmem:s30], [sflag:$0x2], $0x80, v3, vm0, $0xb8;
	[tilespmem:$0x10400] =	vst v63  }
0xd3: {  	s21 =	simm.s32 $0xEC00  }
0xd4: {  	[hbm4b:s5+s2] =	stream.indirect_vreg.scatter [tilespmem:s21], [sflag:$0x2], $0x80, v3, vm0, $0xb8;
	[tilespmem:$0x10400] =	vst v63  }
0xd5: {  	s22 =	simm.s32 $0xF400  }
0xd6: {  	[hbm4b:s6+s2] =	stream.indirect_vreg.scatter [tilespmem:s22], [sflag:$0x2], $0x80, v3, vm0, $0xb8;
	[tilespmem:$0x10400] =	vst v63  }
0xd7: {  	s24 =	simm.s32 $0xFC00  }
0xd8: {  	[hbm4b:s7+s2] =	stream.indirect_vreg.scatter [tilespmem:s24], [sflag:$0x2], $0x80, v3, vm0, $0xb8;
	[tilespmem:$0x10400] =	vst v63  }
0xd9: {  	_ =	swait.ge [sflag:s19], $0x8000  }
0xda: {  	[sflag:s19] =	ssyncset.done $0x0  }
0xdb: {  	s24 =	rddreg [dreg:$0x7];
	[sflag:s19] =	ssyncadd.s32 $0xFFFF8000  }
0xdc: {  	[tilespmem:s29], [sflag:$0x3] =	stream.linear.gather [hbm4b:s24+s2], $0x8000, $0x38;
	[tilespmem:$0x10400] =	vst v63  }
0xdd: {  	_ =	swait.ge [sflag:s9], $0x8000  }
0xde: {  	[sflag:s9] =	ssyncset.done $0x0  }
0xdf: {  	[sflag:s9] =	ssyncadd.s32 $0xFFFF8000  }
0xe0: {  	v3 =	vld [tilespmem:$0x200];
	_ =	sdelay $0x4  }
0xe1: {  	v56 =	vshll.u32 v3, $0x3  }
0xe2: {  	v3 =	vand.u32 $0x7, v3;
	v4 =	vand.u32 $0xFFFFFFC0, v56  }
0xe3: {  	v3 =	vor.u32 v3, v4  }
0xe4: {  	v4 =	vperm.xlane v3, v0;
	_ =	sdelay $0x1  }
0xe5: {  	v4 =	vadd.s32 v1, v4;
	_ =	sdelay $0x4  }
0xe6: {  	[hbm4b:s4+s2] =	stream.indirect_vreg.scatter [tilespmem:s29], [sflag:$0x1], $0x80, v4, vm0, $0xb8;
	[tilespmem:$0x10400] =	vst v63  }
0xe7: {  	s24 =	simm.s32 $0xC00;
	v3 =	vperm.xlane v3, v2  }
0xe8: {  	[hbm4b:s5+s2] =	stream.indirect_vreg.scatter [tilespmem:s24], [sflag:$0x1], $0x80, v4, vm0, $0xb8;
	[tilespmem:$0x10400] =	vst v63  }
0xe9: {  	v3 =	vadd.s32 v1, v3  }
0xea: {  	[hbm4b:s6+s2] =	stream.indirect_vreg.scatter [tilespmem:s3], [sflag:$0x1], $0x80, v4, vm0, $0xb8;
	[tilespmem:$0x10400] =	vst v63  }
0xeb: {  	_ = 	snop  }
0xec: {  	[hbm4b:s7+s2] =	stream.indirect_vreg.scatter [tilespmem:s10], [sflag:$0x1], $0x80, v4, vm0, $0xb8;
	[tilespmem:$0x10400] =	vst v63  }
0xed: {  	_ = 	snop  }
0xee: {  	[hbm4b:s4+s2] =	stream.indirect_vreg.scatter [tilespmem:s11], [sflag:$0x1], $0x80, v3, vm0, $0xb8;
	[tilespmem:$0x10400] =	vst v63  }
0xef: {  	s24 =	simm.s32 $0x2C00  }
0xf0: {  	[hbm4b:s5+s2] =	stream.indirect_vreg.scatter [tilespmem:s24], [sflag:$0x1], $0x80, v3, vm0, $0xb8;
	[tilespmem:$0x10400] =	vst v63  }
0xf1: {  	s24 =	simm.s32 $0x3400  }
0xf2: {  	[hbm4b:s6+s2] =	stream.indirect_vreg.scatter [tilespmem:s24], [sflag:$0x1], $0x80, v3, vm0, $0xb8;
	[tilespmem:$0x10400] =	vst v63  }
0xf3: {  	s24 =	simm.s32 $0x3C00  }
0xf4: {  	[hbm4b:s7+s2] =	stream.indirect_vreg.scatter [tilespmem:s24], [sflag:$0x1], $0x80, v3, vm0, $0xb8;
	[tilespmem:$0x10400] =	vst v63  }
0xf5: {  	v3 =	vld [tilespmem:$0x210];
	_ =	sdelay $0x4  }
0xf6: {  	v57 =	vshll.u32 v3, $0x3  }
0xf7: {  	v3 =	vand.u32 $0x7, v3;
	v4 =	vand.u32 $0xFFFFFFC0, v57  }
0xf8: {  	v3 =	vor.u32 v3, v4  }
0xf9: {  	v4 =	vperm.xlane v3, v0;
	_ =	sdelay $0x1  }
0xfa: {  	v4 =	vadd.s32 v1, v4;
	_ =	sdelay $0x3  }
0xfb: {  	s24 =	simm.s32 $0x4400  }
0xfc: {  	[hbm4b:s4+s2] =	stream.indirect_vreg.scatter [tilespmem:s24], [sflag:$0x1], $0x80, v4, vm0, $0xb8;
	[tilespmem:$0x10400] =	vst v63  }
0xfd: {  	v3 =	vperm.xlane v3, v2;
	s24 =	simm.s32 $0x4C00  }
0xfe: {  	[hbm4b:s5+s2] =	stream.indirect_vreg.scatter [tilespmem:s24], [sflag:$0x1], $0x80, v4, vm0, $0xb8;
	[tilespmem:$0x10400] =	vst v63  }
0xff: {  	v3 =	vadd.s32 v1, v3  }
0x100: {  	[hbm4b:s6+s2] =	stream.indirect_vreg.scatter [tilespmem:s12], [sflag:$0x1], $0x80, v4, vm0, $0xb8;
	[tilespmem:$0x10400] =	vst v63  }
0x101: {  	_ = 	snop  }
0x102: {  	[hbm4b:s7+s2] =	stream.indirect_vreg.scatter [tilespmem:s13], [sflag:$0x1], $0x80, v4, vm0, $0xb8;
	[tilespmem:$0x10400] =	vst v63  }
0x103: {  	_ = 	snop  }
0x104: {  	[hbm4b:s4+s2] =	stream.indirect_vreg.scatter [tilespmem:s14], [sflag:$0x1], $0x80, v3, vm0, $0xb8;
	[tilespmem:$0x10400] =	vst v63  }
0x105: {  	_ = 	snop  }
0x106: {  	[hbm4b:s5+s2] =	stream.indirect_vreg.scatter [tilespmem:s15], [sflag:$0x1], $0x80, v3, vm0, $0xb8;
	[tilespmem:$0x10400] =	vst v63  }
0x107: {  	_ = 	snop  }
0x108: {  	[hbm4b:s6+s2] =	stream.indirect_vreg.scatter [tilespmem:s16], [sflag:$0x1], $0x80, v3, vm0, $0xb8;
	[tilespmem:$0x10400] =	vst v63  }
0x109: {  	_ = 	snop  }
0x10a: {  	[hbm4b:s7+s2] =	stream.indirect_vreg.scatter [tilespmem:s17], [sflag:$0x1], $0x80, v3, vm0, $0xb8;
	[tilespmem:$0x10400] =	vst v63  }
0x10b: {  	_ =	swait.ge [sflag:s20], $0x8000  }
0x10c: {  	[sflag:s20] =	ssyncset.done $0x0  }
0x10d: {  	s24 =	rddreg [dreg:$0x8];
	[sflag:s20] =	ssyncadd.s32 $0xFFFF8000  }
0x10e: {  	[tilespmem:s26], [sflag:$0x3] =	stream.linear.gather [hbm4b:s24+s2], $0x8000, $0x38;
	[tilespmem:$0x10400] =	vst v63  }
0x10f: {  	_ =	swait.ge [sflag:s9], $0x8000  }
0x110: {  	[sflag:s9] =	ssyncset.done $0x0  }
0x111: {  	[sflag:s9] =	ssyncadd.s32 $0xFFFF8000  }
0x112: {  	v3 =	vld [tilespmem:$0x280];
	_ =	sdelay $0x4  }
0x113: {  	v58 =	vshll.u32 v3, $0x3  }
0x114: {  	v3 =	vand.u32 $0x7, v3;
	v4 =	vand.u32 $0xFFFFFFC0, v58  }
0x115: {  	v3 =	vor.u32 v3, v4  }
0x116: {  	v4 =	vperm.xlane v3, v0;
	_ =	sdelay $0x1  }
0x117: {  	v4 =	vadd.s32 v1, v4;
	_ =	sdelay $0x4  }
0x118: {  	[hbm4b:s4+s2] =	stream.indirect_vreg.scatter [tilespmem:s26], [sflag:$0x2], $0x80, v4, vm0, $0xb8;
	[tilespmem:$0x10400] =	vst v63  }
0x119: {  	s24 =	simm.s32 $0x8C00;
	v3 =	vperm.xlane v3, v2  }
0x11a: {  	[hbm4b:s5+s2] =	stream.indirect_vreg.scatter [tilespmem:s24], [sflag:$0x2], $0x80, v4, vm0, $0xb8;
	[tilespmem:$0x10400] =	vst v63  }
0x11b: {  	v3 =	vadd.s32 v1, v3  }
0x11c: {  	[hbm4b:s6+s2] =	stream.indirect_vreg.scatter [tilespmem:s0], [sflag:$0x2], $0x80, v4, vm0, $0xb8;
	[tilespmem:$0x10400] =	vst v63  }
0x11d: {  	_ = 	snop  }
0x11e: {  	[hbm4b:s7+s2] =	stream.indirect_vreg.scatter [tilespmem:s1], [sflag:$0x2], $0x80, v4, vm0, $0xb8;
	[tilespmem:$0x10400] =	vst v63  }
0x11f: {  	s31 =	simm.s32 $0xA400  }
0x120: {  	[hbm4b:s4+s2] =	stream.indirect_vreg.scatter [tilespmem:s31], [sflag:$0x2], $0x80, v3, vm0, $0xb8;
	[tilespmem:$0x10400] =	vst v63  }
0x121: {  	s25 =	simm.s32 $0xAC00  }
0x122: {  	[hbm4b:s5+s2] =	stream.indirect_vreg.scatter [tilespmem:s25], [sflag:$0x2], $0x80, v3, vm0, $0xb8;
	[tilespmem:$0x10400] =	vst v63  }
0x123: {  	s28 =	simm.s32 $0xB400  }
0x124: {  	[hbm4b:s6+s2] =	stream.indirect_vreg.scatter [tilespmem:s28], [sflag:$0x2], $0x80, v3, vm0, $0xb8;
	[tilespmem:$0x10400] =	vst v63  }
0x125: {  	s28 =	simm.s32 $0xBC00  }
0x126: {  	[hbm4b:s7+s2] =	stream.indirect_vreg.scatter [tilespmem:s28], [sflag:$0x2], $0x80, v3, vm0, $0xb8;
	[tilespmem:$0x10400] =	vst v63  }
0x127: {  	v3 =	vld [tilespmem:$0x290];
	_ =	sdelay $0x4  }
0x128: {  	v59 =	vshll.u32 v3, $0x3  }
0x129: {  	v3 =	vand.u32 $0x7, v3;
	v4 =	vand.u32 $0xFFFFFFC0, v59  }
0x12a: {  	v3 =	vor.u32 v3, v4  }
0x12b: {  	v4 =	vperm.xlane v3, v0;
	_ =	sdelay $0x1  }
0x12c: {  	v4 =	vadd.s32 v1, v4;
	_ =	sdelay $0x3  }
0x12d: {  	s28 =	simm.s32 $0xC400  }
0x12e: {  	[hbm4b:s4+s2] =	stream.indirect_vreg.scatter [tilespmem:s28], [sflag:$0x2], $0x80, v4, vm0, $0xb8;
	[tilespmem:$0x10400] =	vst v63  }
0x12f: {  	v3 =	vperm.xlane v3, v2;
	s28 =	simm.s32 $0xCC00  }
0x130: {  	[hbm4b:s5+s2] =	stream.indirect_vreg.scatter [tilespmem:s28], [sflag:$0x2], $0x80, v4, vm0, $0xb8;
	[tilespmem:$0x10400] =	vst v63  }
0x131: {  	v3 =	vadd.s32 v1, v3;
	s28 =	simm.s32 $0xD400  }
0x132: {  	[hbm4b:s6+s2] =	stream.indirect_vreg.scatter [tilespmem:s28], [sflag:$0x2], $0x80, v4, vm0, $0xb8;
	[tilespmem:$0x10400] =	vst v63  }
0x133: {  	s23 =	simm.s32 $0xDC00  }
0x134: {  	[hbm4b:s7+s2] =	stream.indirect_vreg.scatter [tilespmem:s23], [sflag:$0x2], $0x80, v4, vm0, $0xb8;
	[tilespmem:$0x10400] =	vst v63  }
0x135: {  	s30 =	simm.s32 $0xE400  }
0x136: {  	[hbm4b:s4+s2] =	stream.indirect_vreg.scatter [tilespmem:s30], [sflag:$0x2], $0x80, v3, vm0, $0xb8;
	[tilespmem:$0x10400] =	vst v63  }
0x137: {  	s18 =	simm.s32 $0xEC00  }
0x138: {  	[hbm4b:s5+s2] =	stream.indirect_vreg.scatter [tilespmem:s18], [sflag:$0x2], $0x80, v3, vm0, $0xb8;
	[tilespmem:$0x10400] =	vst v63  }
0x139: {  	s22 =	simm.s32 $0xF400  }
0x13a: {  	[hbm4b:s6+s2] =	stream.indirect_vreg.scatter [tilespmem:s22], [sflag:$0x2], $0x80, v3, vm0, $0xb8;
	[tilespmem:$0x10400] =	vst v63  }
0x13b: {  	s22 =	simm.s32 $0xFC00  }
0x13c: {  	[hbm4b:s7+s2] =	stream.indirect_vreg.scatter [tilespmem:s22], [sflag:$0x2], $0x80, v3, vm0, $0xb8;
	[tilespmem:$0x10400] =	vst v63  }
0x13d: {  	_ =	swait.ge [sflag:s19], $0x8000  }
0x13e: {  	[sflag:s19] =	ssyncset.done $0x0  }
0x13f: {  	s21 =	rddreg [dreg:$0x9];
	[sflag:s19] =	ssyncadd.s32 $0xFFFF8000  }
0x140: {  	[tilespmem:s29], [sflag:$0x3] =	stream.linear.gather [hbm4b:s21+s2], $0x8000, $0x38;
	[tilespmem:$0x10400] =	vst v63  }
0x141: {  	_ =	swait.ge [sflag:s9], $0x8000  }
0x142: {  	[sflag:s9] =	ssyncset.done $0x0  }
0x143: {  	[sflag:s9] =	ssyncadd.s32 $0xFFFF8000  }
0x144: {  	v3 =	vld [tilespmem:$0x300];
	_ =	sdelay $0x4  }
0x145: {  	v60 =	vshll.u32 v3, $0x3  }
0x146: {  	v3 =	vand.u32 $0x7, v3;
	v4 =	vand.u32 $0xFFFFFFC0, v60  }
0x147: {  	v3 =	vor.u32 v3, v4  }
0x148: {  	v4 =	vperm.xlane v3, v0;
	_ =	sdelay $0x1  }
0x149: {  	v4 =	vadd.s32 v1, v4;
	_ =	sdelay $0x4  }
0x14a: {  	[hbm4b:s4+s2] =	stream.indirect_vreg.scatter [tilespmem:s29], [sflag:$0x1], $0x80, v4, vm0, $0xb8;
	[tilespmem:$0x10400] =	vst v63  }
0x14b: {  	s21 =	simm.s32 $0xC00;
	v3 =	vperm.xlane v3, v2  }
0x14c: {  	[hbm4b:s5+s2] =	stream.indirect_vreg.scatter [tilespmem:s21], [sflag:$0x1], $0x80, v4, vm0, $0xb8;
	[tilespmem:$0x10400] =	vst v63  }
0x14d: {  	s3 =	simm.s32 $0x1400;
	v3 =	vadd.s32 v1, v3  }
0x14e: {  	[hbm4b:s6+s2] =	stream.indirect_vreg.scatter [tilespmem:s3], [sflag:$0x1], $0x80, v4, vm0, $0xb8;
	[tilespmem:$0x10400] =	vst v63  }
0x14f: {  	s10 =	simm.s32 $0x1C00  }
0x150: {  	[hbm4b:s7+s2] =	stream.indirect_vreg.scatter [tilespmem:s10], [sflag:$0x1], $0x80, v4, vm0, $0xb8;
	[tilespmem:$0x10400] =	vst v63  }
0x151: {  	s11 =	simm.s32 $0x2400  }
0x152: {  	[hbm4b:s4+s2] =	stream.indirect_vreg.scatter [tilespmem:s11], [sflag:$0x1], $0x80, v3, vm0, $0xb8;
	[tilespmem:$0x10400] =	vst v63  }
0x153: {  	s10 =	simm.s32 $0x2C00  }
0x154: {  	[hbm4b:s5+s2] =	stream.indirect_vreg.scatter [tilespmem:s10], [sflag:$0x1], $0x80, v3, vm0, $0xb8;
	[tilespmem:$0x10400] =	vst v63  }
0x155: {  	s11 =	simm.s32 $0x3400  }
0x156: {  	[hbm4b:s6+s2] =	stream.indirect_vreg.scatter [tilespmem:s11], [sflag:$0x1], $0x80, v3, vm0, $0xb8;
	[tilespmem:$0x10400] =	vst v63  }
0x157: {  	s21 =	simm.s32 $0x3C00  }
0x158: {  	[hbm4b:s7+s2] =	stream.indirect_vreg.scatter [tilespmem:s21], [sflag:$0x1], $0x80, v3, vm0, $0xb8;
	[tilespmem:$0x10400] =	vst v63  }
0x159: {  	v3 =	vld [tilespmem:$0x310];
	_ =	sdelay $0x4  }
0x15a: {  	v61 =	vshll.u32 v3, $0x3  }
0x15b: {  	v3 =	vand.u32 $0x7, v3;
	v4 =	vand.u32 $0xFFFFFFC0, v61  }
0x15c: {  	v3 =	vor.u32 v3, v4  }
0x15d: {  	v4 =	vperm.xlane v3, v0;
	_ =	sdelay $0x1  }
0x15e: {  	v4 =	vadd.s32 v1, v4;
	_ =	sdelay $0x3  }
0x15f: {  	s10 =	simm.s32 $0x4400  }
0x160: {  	[hbm4b:s4+s2] =	stream.indirect_vreg.scatter [tilespmem:s10], [sflag:$0x1], $0x80, v4, vm0, $0xb8;
	[tilespmem:$0x10400] =	vst v63  }
0x161: {  	s11 =	simm.s32 $0x4C00;
	v3 =	vperm.xlane v3, v2  }
0x162: {  	[hbm4b:s5+s2] =	stream.indirect_vreg.scatter [tilespmem:s11], [sflag:$0x1], $0x80, v4, vm0, $0xb8;
	[tilespmem:$0x10400] =	vst v63  }
0x163: {  	s12 =	simm.s32 $0x5400;
	v3 =	vadd.s32 v1, v3  }
0x164: {  	[hbm4b:s6+s2] =	stream.indirect_vreg.scatter [tilespmem:s12], [sflag:$0x1], $0x80, v4, vm0, $0xb8;
	[tilespmem:$0x10400] =	vst v63  }
0x165: {  	s13 =	simm.s32 $0x5C00  }
0x166: {  	[hbm4b:s7+s2] =	stream.indirect_vreg.scatter [tilespmem:s13], [sflag:$0x1], $0x80, v4, vm0, $0xb8;
	[tilespmem:$0x10400] =	vst v63  }
0x167: {  	s14 =	simm.s32 $0x6400  }
0x168: {  	[hbm4b:s4+s2] =	stream.indirect_vreg.scatter [tilespmem:s14], [sflag:$0x1], $0x80, v3, vm0, $0xb8;
	[tilespmem:$0x10400] =	vst v63  }
0x169: {  	s15 =	simm.s32 $0x6C00  }
0x16a: {  	[hbm4b:s5+s2] =	stream.indirect_vreg.scatter [tilespmem:s15], [sflag:$0x1], $0x80, v3, vm0, $0xb8;
	[tilespmem:$0x10400] =	vst v63  }
0x16b: {  	s16 =	simm.s32 $0x7400  }
0x16c: {  	[hbm4b:s6+s2] =	stream.indirect_vreg.scatter [tilespmem:s16], [sflag:$0x1], $0x80, v3, vm0, $0xb8;
	[tilespmem:$0x10400] =	vst v63  }
0x16d: {  	s17 =	simm.s32 $0x7C00  }
0x16e: {  	[hbm4b:s7+s2] =	stream.indirect_vreg.scatter [tilespmem:s17], [sflag:$0x1], $0x80, v3, vm0, $0xb8;
	[tilespmem:$0x10400] =	vst v63  }
0x16f: {  	_ =	swait.ge [sflag:s20], $0x8000  }
0x170: {  	[sflag:s20] =	ssyncset.done $0x0  }
0x171: {  	s16 =	rddreg [dreg:$0xa];
	[sflag:s20] =	ssyncadd.s32 $0xFFFF8000  }
0x172: {  	[tilespmem:s26], [sflag:$0x3] =	stream.linear.gather [hbm4b:s16+s2], $0x8000, $0x38;
	[tilespmem:$0x10400] =	vst v63  }
0x173: {  	_ =	swait.ge [sflag:s9], $0x8000  }
0x174: {  	[sflag:s9] =	ssyncset.done $0x0  }
0x175: {  	[sflag:s9] =	ssyncadd.s32 $0xFFFF8000  }
0x176: {  	v3 =	vld [tilespmem:$0x380];
	_ =	sdelay $0x4  }
0x177: {  	v62 =	vshll.u32 v3, $0x3  }
0x178: {  	v3 =	vand.u32 $0x7, v3;
	v4 =	vand.u32 $0xFFFFFFC0, v62  }
0x179: {  	v3 =	vor.u32 v3, v4  }
0x17a: {  	v4 =	vperm.xlane v3, v0;
	_ =	sdelay $0x1  }
0x17b: {  	v4 =	vadd.s32 v1, v4;
	_ =	sdelay $0x4  }
0x17c: {  	[hbm4b:s4+s2] =	stream.indirect_vreg.scatter [tilespmem:s26], [sflag:$0x2], $0x80, v4, vm0, $0xb8;
	[tilespmem:$0x10400] =	vst v63  }
0x17d: {  	s17 =	simm.s32 $0x8C00;
	v3 =	vperm.xlane v3, v2  }
0x17e: {  	[hbm4b:s5+s2] =	stream.indirect_vreg.scatter [tilespmem:s17], [sflag:$0x2], $0x80, v4, vm0, $0xb8;
	[tilespmem:$0x10400] =	vst v63  }
0x17f: {  	s0 =	simm.s32 $0x9400;
	v3 =	vadd.s32 v1, v3  }
0x180: {  	[hbm4b:s6+s2] =	stream.indirect_vreg.scatter [tilespmem:s0], [sflag:$0x2], $0x80, v4, vm0, $0xb8;
	[tilespmem:$0x10400] =	vst v63  }
0x181: {  	s1 =	simm.s32 $0x9C00  }
0x182: {  	[hbm4b:s7+s2] =	stream.indirect_vreg.scatter [tilespmem:s1], [sflag:$0x2], $0x80, v4, vm0, $0xb8;
	[tilespmem:$0x10400] =	vst v63  }
0x183: {  	s31 =	simm.s32 $0xA400  }
0x184: {  	[hbm4b:s4+s2] =	stream.indirect_vreg.scatter [tilespmem:s31], [sflag:$0x2], $0x80, v3, vm0, $0xb8;
	[tilespmem:$0x10400] =	vst v63  }
0x185: {  	s24 =	simm.s32 $0xAC00  }
0x186: {  	[hbm4b:s5+s2] =	stream.indirect_vreg.scatter [tilespmem:s24], [sflag:$0x2], $0x80, v3, vm0, $0xb8;
	[tilespmem:$0x10400] =	vst v63  }
0x187: {  	s25 =	simm.s32 $0xB400  }
0x188: {  	[hbm4b:s6+s2] =	stream.indirect_vreg.scatter [tilespmem:s25], [sflag:$0x2], $0x80, v3, vm0, $0xb8;
	[tilespmem:$0x10400] =	vst v63  }
0x189: {  	s21 =	simm.s32 $0xBC00  }
0x18a: {  	[hbm4b:s7+s2] =	stream.indirect_vreg.scatter [tilespmem:s21], [sflag:$0x2], $0x80, v3, vm0, $0xb8;
	[tilespmem:$0x10400] =	vst v63  }
0x18b: {  	v3 =	vld [tilespmem:$0x390];
	_ =	sdelay $0x4  }
0x18c: {  	v63 =	vshll.u32 v3, $0x3  }
0x18d: {  	v3 =	vand.u32 $0x7, v3;
	v4 =	vand.u32 $0xFFFFFFC0, v63  }
0x18e: {  	v3 =	vor.u32 v3, v4  }
0x18f: {  	v4 =	vperm.xlane v3, v0;
	_ =	sdelay $0x1  }
0x190: {  	v4 =	vadd.s32 v1, v4;
	_ =	sdelay $0x3  }
0x191: {  	s24 =	simm.s32 $0xC400  }
0x192: {  	[hbm4b:s4+s2] =	stream.indirect_vreg.scatter [tilespmem:s24], [sflag:$0x2], $0x80, v4, vm0, $0xb8;
	[tilespmem:$0x10400] =	vst v63  }
0x193: {  	s25 =	simm.s32 $0xCC00;
	v3 =	vperm.xlane v3, v2  }
0x194: {  	[hbm4b:s5+s2] =	stream.indirect_vreg.scatter [tilespmem:s25], [sflag:$0x2], $0x80, v4, vm0, $0xb8;
	[tilespmem:$0x10400] =	vst v63  }
0x195: {  	s31 =	simm.s32 $0xD400;
	v3 =	vadd.s32 v1, v3  }
0x196: {  	[hbm4b:s6+s2] =	stream.indirect_vreg.scatter [tilespmem:s31], [sflag:$0x2], $0x80, v4, vm0, $0xb8;
	[tilespmem:$0x10400] =	vst v63  }
0x197: {  	s23 =	simm.s32 $0xDC00  }
0x198: {  	[hbm4b:s7+s2] =	stream.indirect_vreg.scatter [tilespmem:s23], [sflag:$0x2], $0x80, v4, vm0, $0xb8;
	[tilespmem:$0x10400] =	vst v63  }
0x199: {  	s30 =	simm.s32 $0xE400  }
0x19a: {  	[hbm4b:s4+s2] =	stream.indirect_vreg.scatter [tilespmem:s30], [sflag:$0x2], $0x80, v3, vm0, $0xb8;
	[tilespmem:$0x10400] =	vst v63  }
0x19b: {  	s28 =	simm.s32 $0xEC00  }
0x19c: {  	[hbm4b:s5+s2] =	stream.indirect_vreg.scatter [tilespmem:s28], [sflag:$0x2], $0x80, v3, vm0, $0xb8;
	[tilespmem:$0x10400] =	vst v63  }
0x19d: {  	s18 =	simm.s32 $0xF400  }
0x19e: {  	[hbm4b:s6+s2] =	stream.indirect_vreg.scatter [tilespmem:s18], [sflag:$0x2], $0x80, v3, vm0, $0xb8;
	[tilespmem:$0x10400] =	vst v63  }
0x19f: {  	s22 =	simm.s32 $0xFC00  }
0x1a0: {  	[hbm4b:s7+s2] =	stream.indirect_vreg.scatter [tilespmem:s22], [sflag:$0x2], $0x80, v3, vm0, $0xb8;
	[tilespmem:$0x10400] =	vst v63  }
0x1a1: {  	p0 =	sne.s32 s8, $0x1;
	_ =	swait.ge [sflag:s19], $0x8000  }
.Ltmp0:
0x1a2: {  	[sflag:s19] =	ssyncset.done $0x0;
	(pc) =	sbr.rel @p0 .LBB2_1-.Ltmp0, $4  }
0x1a3: {  	[sflag:s19] =	ssyncadd.s32 $0xFFFF8000  }
0x1a4: {  	_ =	swait.ge [sflag:s20], $0x8000  }
0x1a5: {  	[sflag:s20] =	ssyncset.done $0x0  }
0x1a6: {  	s8 =	sadd.s32 $0xFFFFFFFF, s8;
	[sflag:s20] =	ssyncadd.s32 $0xFFFF8000  }
0x1a7: {  	_ =	sfence.sel $0x180000  }
0x1a8: {  	[bflag:$0x0] =	sbarrier.arrive $0xFFFF  }
0x1a9: {  	_ =	strace $0x90000047  }
0x1aa: {  	s0 =	stileid.u32;
	[bflag:$0x2] =	sbarrier.arrive $0xFFFF  }
0x1ab: {  	p0 =	sne.s32 s0, $0x0;
	s0 =	rddreg [dreg:$0x2]  }
0x1ac: {  	s0 =	sadd.s32 @!p0 $0x100000, s0  }
0x1ad: {  	[sflag:s0] =	ssyncadd.tile.s32 @!p0 $0x1;
	_ =	shalt  }
.Lfunc_end2:
_tile_overlayer_lowered:
.L_overlay_start_2:
0x1ae: {  	(tag) =	ssettag $0x2  }
0x1af: {  	s0 =	rddreg [dreg:$0x0];
	s2 =	stileid.u32  }
0x1b0: {  	s1 =	rddreg [dreg:$0x1];
	p0 =	sne.s32 s2, $0x0  }
0x1b1: {  	s3 =	rddreg [dreg:$0x2];
	[bflag:$0x3] =	sbarrier.arrive $0xFFFF;
	s2 =	simm.s32 @!p0 $0x1C03  }
0x1b2: {  	[timem:s3], [sflag:s2] =	dma.local @!p0 [hbm:s0], s1  }
0x1b3: {  	s0 =	simm.s32 @!p0 $0x3  }
0x1b4: {  	_ =	swait.ge @!p0 [sflag:s0], s1  }
0x1b5: {  	s1 =	ssub.s32 @!p0 $0x0, s1;
	[sflag:s0] =	ssyncset.done @!p0 $0x0  }
0x1b6: {  	[sflag:s0] =	ssyncadd.s32 @!p0 s1  }
0x1b7: {  	[bflag:$0x3] =	sbarrier.arrive $0xFFFF  }
0x1b8: {  	_ =	shalt  }

</sc_bundles>
